<compile_context>
chip_gen: v7x
topology: tpu7x:2x2x1
jax: 0.10.2.dev20260603
libtpu: 0.0.44.dev20260713+nightly
codegen_flags: <defaults>
</compile_context>

<pallas_src>
import functools

import jax
import jax.numpy as jnp
from jax import lax
from jax.experimental import pallas as pl
from jax.experimental.pallas import tpu as pltpu
from jax.experimental.pallas import tpu_sc as plsc

E = 8
TOP_K = 2
TILE_M = 256

NC, NS, LANES = 2, 16, 16
NW = NC * NS
_VMESH = dict(core_axis_name="c", subcore_axis_name="s")


def _sc_compiler_params():
    cp = pltpu.CompilerParams()
    if "needs_layout_passes" in pltpu.CompilerParams.__dataclass_fields__:
        import dataclasses
        cp = dataclasses.replace(cp, needs_layout_passes=False)
    return cp


def _sc_build_table(slot, tokens, pad_n, n_tokens):
    na = slot.shape[0]
    mask = n_tokens - 1

    @functools.partial(
        pl.kernel,
        mesh=plsc.VectorSubcoreMesh(**_VMESH),
        out_type=jax.ShapeDtypeStruct((pad_n,), jnp.int32),
        scratch_types=[
            pltpu.VMEM((na,), jnp.int32),
            pltpu.VMEM((na,), jnp.int32),
            pltpu.VMEM((pad_n,), jnp.int32),
        ],
        compiler_params=_sc_compiler_params(),
    )
    def k(slot_hbm, tok_hbm, out_hbm, slot_v, tok_v, table_v):
        wid = lax.axis_index("s") * NC + lax.axis_index("c")

        @pl.when(wid == 0)
        def _():
            pltpu.sync_copy(slot_hbm, slot_v)
            pltpu.sync_copy(tok_hbm, tok_v)

            @pl.loop(0, pad_n // LANES)
            def _(i):
                base = i * LANES
                table_v[pl.ds(base, LANES)] = (
                    (base + lax.iota(jnp.int32, LANES)) & mask)

            @pl.loop(0, na // LANES)
            def _(i):
                idx = slot_v[pl.ds(i * LANES, LANES)]
                val = tok_v[pl.ds(i * LANES, LANES)]
                plsc.store_scatter(table_v, [idx], val)

            pltpu.sync_copy(table_v, out_hbm)

    return k(slot, tokens)


def _sc_gather_rows(table, idx, chunk=64):
    b = idx.shape[0]
    d = table.shape[1]
    b_per_w = b // NW
    nchunk = b_per_w // chunk
    idx3 = idx.reshape(NW, nchunk, chunk)

    nbuf = min(3, nchunk)

    @functools.partial(
        pl.kernel,
        mesh=plsc.VectorSubcoreMesh(**_VMESH),
        out_type=jax.ShapeDtypeStruct((b, d), table.dtype),
        scratch_types=(
            [pltpu.VMEM((nchunk, chunk), jnp.int32)]
            + [pltpu.VMEM((chunk, d), table.dtype)] * nbuf
            + [pltpu.SemaphoreType.DMA] * (2 * nbuf)
        ),
        compiler_params=_sc_compiler_params(),
    )
    def k(table_hbm, idx_hbm, out_hbm, idx_v, *bufs_and_sems):
        bufs = bufs_and_sems[:nbuf]
        gsem = bufs_and_sems[nbuf:2 * nbuf]
        wsem = bufs_and_sems[2 * nbuf:]
        wid = lax.axis_index("s") * NC + lax.axis_index("c")
        base = wid * b_per_w
        pltpu.sync_copy(idx_hbm.at[wid], idx_v)
        for bb in range(nbuf):
            pltpu.async_copy(table_hbm.at[idx_v.at[bb]], bufs[bb], gsem[bb])

        @pl.loop(0, nchunk)
        def _(c):
            for bb in range(nbuf):
                @pl.when(c % nbuf == bb)
                def _():
                    pltpu.make_async_copy(
                        table_hbm.at[idx_v.at[c]], bufs[bb], gsem[bb]).wait()
                    dst = out_hbm.at[pl.ds(base + c * chunk, chunk)]
                    pltpu.async_copy(bufs[bb], dst, wsem[bb])

                    @pl.when(c + nbuf < nchunk)
                    def _():
                        pltpu.make_async_copy(bufs[bb], dst, wsem[bb]).wait()
                        pltpu.async_copy(
                            table_hbm.at[idx_v.at[c + nbuf]],
                            bufs[bb], gsem[bb])

        for bb in range(nbuf):
            c_last = nchunk - 1 - ((nchunk - 1 - bb) % nbuf)
            pltpu.make_async_copy(
                bufs[bb],
                out_hbm.at[pl.ds(base + c_last * chunk, chunk)],
                wsem[bb]).wait()

    return k(table, idx3)


def _router_body(x_ref, wr_ref, br_ref, idx_ref, gates_ref, zsq_ref):
    t = pl.program_id(0)
    logits = jnp.dot(x_ref[...], wr_ref[...],
                     preferred_element_type=jnp.float32) + br_ref[...]
    rows = logits.shape[0]
    lane = jax.lax.broadcasted_iota(jnp.int32, (rows, E), 1)
    v1 = jnp.max(logits, axis=-1, keepdims=True)
    i1 = jnp.min(jnp.where(logits == v1, lane, E), axis=-1, keepdims=True)
    masked = jnp.where(lane == i1, -jnp.inf, logits)
    v2 = jnp.max(masked, axis=-1, keepdims=True)
    i2 = jnp.min(jnp.where(masked == v2, lane, E), axis=-1, keepdims=True)
    e1 = jnp.exp(v2 - v1)
    denom = 1.0 + e1
    idx_ref[...] = jnp.concatenate([i1, i2], axis=-1)
    gates_ref[...] = jnp.concatenate([1.0 / denom, e1 / denom], axis=-1)
    z = v1 + jnp.log1p(e1)

    @pl.when(t == 0)
    def _():
        zsq_ref[...] = jnp.zeros_like(zsq_ref)

    zsq_ref[...] += jnp.full((1, 1), 1.0) * jnp.sum(z * z)


def _router(x2d, Wr, br):
    n = x2d.shape[0]
    d = x2d.shape[1]
    tile = 512
    grid = n // tile
    return pl.pallas_call(
        _router_body,
        grid=(grid,),
        in_specs=[
            pl.BlockSpec((tile, d), lambda t: (t, 0)),
            pl.BlockSpec((d, E), lambda t: (0, 0)),
            pl.BlockSpec((1, E), lambda t: (0, 0)),
        ],
        out_specs=[
            pl.BlockSpec((tile, TOP_K), lambda t: (t, 0)),
            pl.BlockSpec((tile, TOP_K), lambda t: (t, 0)),
            pl.BlockSpec((1, 1), lambda t: (0, 0)),
        ],
        out_shape=[
            jax.ShapeDtypeStruct((n, TOP_K), jnp.int32),
            jax.ShapeDtypeStruct((n, TOP_K), jnp.float32),
            jax.ShapeDtypeStruct((1, 1), jnp.float32),
        ],
    )(x2d, Wr, br.reshape(1, E))


def _cast_body(win_ref, winb_ref):
    winb_ref[...] = win_ref[...].astype(jnp.bfloat16)


def _cast_weights(W_in):
    e, d, d2 = W_in.shape
    return pl.pallas_call(
        _cast_body,
        grid=(e,),
        in_specs=[pl.BlockSpec((1, d, d2), lambda t: (t, 0, 0))],
        out_specs=pl.BlockSpec((1, d, d2), lambda t: (t, 0, 0)),
        out_shape=jax.ShapeDtypeStruct((e, d, d2), jnp.bfloat16),
        compiler_params=pltpu.CompilerParams(
            dimension_semantics=("arbitrary",)),
    )(W_in)


def _expert_body(eot_ref, xg_ref, win_ref, gain_ref, wout_ref, bout_ref,
                 yg_ref):
    t = pl.program_id(0)

    @pl.when(eot_ref[t] < E)
    def _():
        xt = xg_ref[...].astype(jnp.bfloat16)
        h = jnp.dot(xt, win_ref[0], preferred_element_type=jnp.float32)
        d = xt.shape[1]
        x1 = h[:, :d]
        x2 = h[:, d:]
        x1 = 0.5 * x1 * (1.0 + jax.lax.erf(x1 * (2.0 ** -0.5)))
        xm = x1 * x2 * gain_ref[0]
        yg_ref[...] = (
            jnp.dot(xm, wout_ref[0], preferred_element_type=jnp.float32)
            + bout_ref[0])


def _grouped_matmul(xg, eot, W_in, gain, W_out, b_out):
    pad_n, d = xg.shape
    nt = pad_n // TILE_M
    grid_spec = pltpu.PrefetchScalarGridSpec(
        num_scalar_prefetch=1,
        grid=(nt,),
        in_specs=[
            pl.BlockSpec((TILE_M, d), lambda t, eot: (t, 0)),
            pl.BlockSpec((1, d, 2 * d), lambda t, eot: (eot[t] % E, 0, 0)),
            pl.BlockSpec((1, 1, d), lambda t, eot: (eot[t] % E, 0, 0)),
            pl.BlockSpec((1, d, d), lambda t, eot: (eot[t] % E, 0, 0)),
            pl.BlockSpec((1, 1, d), lambda t, eot: (eot[t] % E, 0, 0)),
        ],
        out_specs=pl.BlockSpec((TILE_M, d), lambda t, eot: (t, 0)),
    )
    W_in_b = _cast_weights(W_in)
    return pl.pallas_call(
        _expert_body,
        grid_spec=grid_spec,
        out_shape=jax.ShapeDtypeStruct((pad_n, d), jnp.float32),
        compiler_params=pltpu.CompilerParams(
            dimension_semantics=("arbitrary",)),
    )(eot, xg, W_in_b, gain.reshape(E, 1, d), W_out,
      b_out.reshape(E, 1, d))


def _combine_body(y0_ref, y1_ref, gates_ref, out_ref):
    g = gates_ref[...]
    out_ref[...] = (g[:, 0:1] * y0_ref[...].astype(jnp.float32)
                    + g[:, 1:2] * y1_ref[...].astype(jnp.float32))


def _combine(ygar, gates, n, d):
    tile = 512
    grid = n // tile
    nblk = n // tile
    return pl.pallas_call(
        _combine_body,
        grid=(grid,),
        in_specs=[
            pl.BlockSpec((tile, d), lambda t: (t, 0)),
            pl.BlockSpec((tile, d), lambda t, nblk=nblk: (nblk + t, 0)),
            pl.BlockSpec((tile, TOP_K), lambda t: (t, 0)),
        ],
        out_specs=pl.BlockSpec((tile, d), lambda t: (t, 0)),
        out_shape=jax.ShapeDtypeStruct((n, d), jnp.float32),
        compiler_params=pltpu.CompilerParams(
            dimension_semantics=("arbitrary",)),
    )(ygar, ygar, gates)


def kernel(x, Wr, br, W_in, gain, W_out, b_out):
    b, t, d = x.shape
    n = b * t
    na = n * TOP_K
    pad_n = na + E * TILE_M
    x2d = x.reshape(n, d)

    top_idx, gates, zsq = _router(x2d, Wr, br)
    z_loss = zsq[0, 0] / n

    ids = top_idx.T.reshape(-1)
    onehot = (ids[:, None]
              == jnp.arange(E, dtype=jnp.int32)[None, :]).astype(jnp.int32)
    ranks_incl = jnp.cumsum(onehot, axis=0)
    rank = jnp.sum(onehot * (ranks_incl - 1), axis=1)
    counts = ranks_incl[-1]
    aligned = ((counts + TILE_M - 1) // TILE_M) * TILE_M
    off_full = jnp.concatenate(
        [jnp.zeros((1,), jnp.int32), jnp.cumsum(aligned)])
    slot = jnp.sum(onehot * off_full[None, :E], axis=1) + rank
    total = off_full[E]

    nt = pad_n // TILE_M
    tile_base = jnp.arange(nt, dtype=jnp.int32) * TILE_M
    eot = jnp.sum((tile_base[:, None] >= off_full[None, 1:]).astype(jnp.int32),
                  axis=1)
    eot = jnp.minimum(eot, E - 1).astype(jnp.int32)
    last_used = jnp.max(jnp.where(counts > 0, jnp.arange(E, dtype=jnp.int32),
                                  0))
    eot = jnp.where(tile_base < total, eot, last_used + E)

    tokens = (jnp.arange(na, dtype=jnp.int32) % n)
    sorted_token = _sc_build_table(slot, tokens, pad_n, n)
    xg = _sc_gather_rows(x2d, sorted_token, chunk=40)

    yg = _grouped_matmul(xg, eot, W_in, gain, W_out, b_out)

    ygar = _sc_gather_rows(yg, slot, chunk=32)
    final = _combine(ygar, gates, n, d)

    return final.reshape(b, t, d), z_loss

# --- scband reference (transcript-rebuilt; emitter-appended) ---
"""Pipeline reference for scband-smo-e-31937376813283 (READ-ONLY COPY).

The authoritative reference and input builder live on the scoring server;
editing this copy changes nothing except your own understanding.
"""

import jax, jax.numpy as jnp
import numpy as np

B, T, D, E, TOP_K = 2, 2048, 1024, 8, 2

def setup_inputs(seed: int = 0):
    key = jax.random.key(seed)
    ks = jax.random.split(key, 8)
    x = jax.random.normal(ks[0], (B, T, D), dtype=jnp.float32)
    Wr = jax.random.normal(ks[1], (D, E), dtype=jnp.float32) / np.sqrt(D)
    br = jnp.zeros((E,), dtype=jnp.float32)
    W_in = jax.random.normal(ks[2], (E, D, 2 * D), dtype=jnp.float32) / np.sqrt(D)
    gain = jnp.ones((E, D), dtype=jnp.float32)
    W_out = jax.random.normal(ks[3], (E, D, D), dtype=jnp.float32) / np.sqrt(D)
    b_out = jnp.zeros((E, D), dtype=jnp.float32)
    return {"x": x, "Wr": Wr, "br": br, "W_in": W_in, "gain": gain, "W_out": W_out, "b_out": b_out}

def reference(x, Wr, br, W_in, gain, W_out, b_out):
    Bx, Tx, Dx = x.shape
    # NoisyTopkRouter (eval mode: NoisyFactorizedLinear acts as a plain Linear, dropout is identity)
    logits = jnp.einsum('btd,de->bte', x, Wr) + br  # [B, T, E]
    top_vals, top_idx = jax.lax.top_k(logits, TOP_K)  # [B, T, top_k]
    bidx = jnp.arange(Bx)[:, None, None]
    tidx = jnp.arange(Tx)[None, :, None]
    sparse = jnp.full(logits.shape, -jnp.inf, dtype=logits.dtype)
    sparse = sparse.at[bidx, tidx, top_idx].set(top_vals)  # scatter top-k logits, -inf elsewhere
    probs = jax.nn.softmax(sparse, axis=-1)  # zero prob on non-selected experts
    z = jax.nn.logsumexp(sparse, axis=-1)
    z_loss = jnp.mean(z.reshape(-1) ** 2)
    # Experts (WaveExpert, eval mode). Dense per-expert compute weighted by gating probs,
    # which are exactly zero for non-selected experts -> identical math to torch masking.
    flat_x = x.reshape(-1, Dx)                    # [N, D]
    gates = probs.reshape(-1, probs.shape[-1])    # [N, E]
    h = jnp.einsum('nd,edf->enf', flat_x, W_in)   # [E, N, 2D] (linear_in, no bias)
    x1, x2 = jnp.split(h, 2, axis=-1)
    x1 = jax.nn.gelu(x1, approximate=False)       # torch nn.GELU default = exact erf
    xm = x1 * x2 * gain[:, None, :]               # gated product * learned per-channel bias param
    out = jnp.einsum('end,edo->eno', xm, W_out) + b_out[:, None, :]  # linear_out with bias
    final = jnp.einsum('eno,ne->no', out, gates)  # sum_e gate[n,e] * expert_e(x_n)
    final_output = final.reshape(Bx, Tx, Dx)
    return final_output, z_loss

if __name__ == "__main__":
    import jax
    _d = setup_inputs()
    print(jax.jit(kernel)(*tuple(_d.values())))

</pallas_src>

<mosaic_0001>
#map = affine_map<(d0, d1) -> (0, 0)>
#map1 = affine_map<(d0, d1) -> (0, 0, 0)>
module attributes {stable_mosaic.version = 14 : i64} {
  func.func @k(%arg0: i32, %arg1: i32, %arg2: memref<4096x1024xf32, #tpu.memory_space<hbm>>, %arg3: memref<32x8x40xi32, #tpu.memory_space<hbm>>, %arg4: memref<10240x1024xf32, #tpu.memory_space<hbm>>, %arg5: memref<8x40xi32, #tpu.memory_space<vmem>>, %arg6: memref<40x1024xf32, #tpu.memory_space<vmem>>, %arg7: memref<40x1024xf32, #tpu.memory_space<vmem>>, %arg8: memref<40x1024xf32, #tpu.memory_space<vmem>>, %arg9: memref<!tpu.dma_semaphore, #tpu.memory_space<semaphore_mem>>, %arg10: memref<!tpu.dma_semaphore, #tpu.memory_space<semaphore_mem>>, %arg11: memref<!tpu.dma_semaphore, #tpu.memory_space<semaphore_mem>>, %arg12: memref<!tpu.dma_semaphore, #tpu.memory_space<semaphore_mem>>, %arg13: memref<!tpu.dma_semaphore, #tpu.memory_space<semaphore_mem>>, %arg14: memref<!tpu.dma_semaphore, #tpu.memory_space<semaphore_mem>>) attributes {dimension_semantics = [#tpu.dimension_semantics<core_parallel>, #tpu.dimension_semantics<subcore_parallel>], iteration_bounds = array<i64: 2, 16>, scalar_prefetch = 0 : i64, scratch_operands = 10 : i64, tpu.core_type = #tpu.core_type<sc_vector_subcore>, window_params = [{transform_indices = #map}, {transform_indices = #map1}, {transform_indices = #map}]} {
    %mul3A = arith.constant 2 : i32
    %mul3A_0 = arith.muli %arg1, %mul3A : i32
    %add3A = arith.addi %mul3A_0, %arg0 : i32
    %mul3A_1 = arith.constant 320 : i32
    %mul3A_2 = arith.muli %add3A, %mul3A_1 : i32
    "tpu.region"() ({
      %run_scoped3A = tpu.sem_alloc : memref<!tpu.dma_semaphore, #tpu.memory_space<semaphore_mem>>
      %dma_start3A_44 = arith.constant 0 : i32
      %dma_start3A_45 = arith.constant 0 : i32
      %dma_start3A_46 = tpu.memref_slice %arg3[%add3A, %dma_start3A_44, %dma_start3A_45] : memref<32x8x40xi32, #tpu.memory_space<hbm>> -> memref<1x8x40xi32, #tpu.memory_space<hbm>>
      %dma_start3A_47 = tpu.memref_squeeze %dma_start3A_46 : memref<1x8x40xi32, #tpu.memory_space<hbm>> -> memref<8x40xi32, #tpu.memory_space<hbm>>
      %dma_start3A_48 = arith.constant 0 : i32
      %dma_start3A_49 = arith.constant 0 : i32
      %dma_start3A_50 = tpu.memref_slice %arg3[%add3A, %dma_start3A_48, %dma_start3A_49] : memref<32x8x40xi32, #tpu.memory_space<hbm>> -> memref<1x8x40xi32, #tpu.memory_space<hbm>>
      %dma_start3A_51 = tpu.memref_squeeze %dma_start3A_50 : memref<1x8x40xi32, #tpu.memory_space<hbm>> -> memref<8x40xi32, #tpu.memory_space<hbm>>
      tpu.enqueue_dma source(%dma_start3A_51 : memref<8x40xi32, #tpu.memory_space<hbm>>) target(%arg5 : memref<8x40xi32, #tpu.memory_space<vmem>>) target_semaphore(%run_scoped3A : memref<!tpu.dma_semaphore, #tpu.memory_space<semaphore_mem>>)
      %dma_wait3A_52 = arith.constant 0 : i32
      %dma_wait3A_53 = arith.constant 0 : i32
      %dma_wait3A_54 = tpu.memref_slice %arg3[%add3A, %dma_wait3A_52, %dma_wait3A_53] : memref<32x8x40xi32, #tpu.memory_space<hbm>> -> memref<1x8x40xi32, #tpu.memory_space<hbm>>
      %dma_wait3A_55 = tpu.memref_squeeze %dma_wait3A_54 : memref<1x8x40xi32, #tpu.memory_space<hbm>> -> memref<8x40xi32, #tpu.memory_space<hbm>>
      %dma_wait3A_56 = arith.constant 0 : i32
      %dma_wait3A_57 = arith.constant 0 : i32
      %dma_wait3A_58 = tpu.memref_slice %arg3[%add3A, %dma_wait3A_56, %dma_wait3A_57] : memref<32x8x40xi32, #tpu.memory_space<hbm>> -> memref<1x8x40xi32, #tpu.memory_space<hbm>>
      %dma_wait3A_59 = tpu.memref_squeeze %dma_wait3A_58 : memref<1x8x40xi32, #tpu.memory_space<hbm>> -> memref<8x40xi32, #tpu.memory_space<hbm>>
      tpu.wait_dma2 semaphore(%run_scoped3A : memref<!tpu.dma_semaphore, #tpu.memory_space<semaphore_mem>>) src(%dma_wait3A_59 : memref<8x40xi32, #tpu.memory_space<hbm>>) dst(%arg5 : memref<8x40xi32, #tpu.memory_space<vmem>>)
      tpu.yield
    }) : () -> ()
    %dma_start3A = arith.constant 0 : i32
    %dma_start3A_3 = arith.constant 0 : i32
    %dma_start3A_4 = tpu.memref_slice %arg5[%dma_start3A, %dma_start3A_3] : memref<8x40xi32, #tpu.memory_space<vmem>> -> memref<1x40xi32, #tpu.memory_space<vmem>>
    %dma_start3A_5 = tpu.memref_squeeze %dma_start3A_4 : memref<1x40xi32, #tpu.memory_space<vmem>> -> memref<40xi32, #tpu.memory_space<vmem>>
    %dma_start3A_6 = arith.constant 0 : i32
    %dma_start3A_7 = arith.constant 0 : i32
    %dma_start3A_8 = tpu.memref_slice %arg2[%dma_start3A_6, %dma_start3A_7] : memref<4096x1024xf32, #tpu.memory_space<hbm>> -> memref<4096x1024xf32, #tpu.memory_space<hbm>>
    tpu.enqueue_indirect_dma source(%dma_start3A_8 : memref<4096x1024xf32, #tpu.memory_space<hbm>>) target(%arg6 : memref<40x1024xf32, #tpu.memory_space<vmem>>) offsets(%dma_start3A_5 : memref<40xi32, #tpu.memory_space<vmem>>) semaphore(%arg9 : memref<!tpu.dma_semaphore, #tpu.memory_space<semaphore_mem>>)
    %dma_start3A_9 = arith.constant 1 : i32
    %dma_start3A_10 = arith.constant 0 : i32
    %dma_start3A_11 = tpu.memref_slice %arg5[%dma_start3A_9, %dma_start3A_10] : memref<8x40xi32, #tpu.memory_space<vmem>> -> memref<1x40xi32, #tpu.memory_space<vmem>>
    %dma_start3A_12 = tpu.memref_squeeze %dma_start3A_11 : memref<1x40xi32, #tpu.memory_space<vmem>> -> memref<40xi32, #tpu.memory_space<vmem>>
    %dma_start3A_13 = arith.constant 0 : i32
    %dma_start3A_14 = arith.constant 0 : i32
    %dma_start3A_15 = tpu.memref_slice %arg2[%dma_start3A_13, %dma_start3A_14] : memref<4096x1024xf32, #tpu.memory_space<hbm>> -> memref<4096x1024xf32, #tpu.memory_space<hbm>>
    tpu.enqueue_indirect_dma source(%dma_start3A_15 : memref<4096x1024xf32, #tpu.memory_space<hbm>>) target(%arg7 : memref<40x1024xf32, #tpu.memory_space<vmem>>) offsets(%dma_start3A_12 : memref<40xi32, #tpu.memory_space<vmem>>) semaphore(%arg10 : memref<!tpu.dma_semaphore, #tpu.memory_space<semaphore_mem>>)
    %dma_start3A_16 = arith.constant 2 : i32
    %dma_start3A_17 = arith.constant 0 : i32
    %dma_start3A_18 = tpu.memref_slice %arg5[%dma_start3A_16, %dma_start3A_17] : memref<8x40xi32, #tpu.memory_space<vmem>> -> memref<1x40xi32, #tpu.memory_space<vmem>>
    %dma_start3A_19 = tpu.memref_squeeze %dma_start3A_18 : memref<1x40xi32, #tpu.memory_space<vmem>> -> memref<40xi32, #tpu.memory_space<vmem>>
    %dma_start3A_20 = arith.constant 0 : i32
    %dma_start3A_21 = arith.constant 0 : i32
    %dma_start3A_22 = tpu.memref_slice %arg2[%dma_start3A_20, %dma_start3A_21] : memref<4096x1024xf32, #tpu.memory_space<hbm>> -> memref<4096x1024xf32, #tpu.memory_space<hbm>>
    tpu.enqueue_indirect_dma source(%dma_start3A_22 : memref<4096x1024xf32, #tpu.memory_space<hbm>>) target(%arg8 : memref<40x1024xf32, #tpu.memory_space<vmem>>) offsets(%dma_start3A_19 : memref<40xi32, #tpu.memory_space<vmem>>) semaphore(%arg11 : memref<!tpu.dma_semaphore, #tpu.memory_space<semaphore_mem>>)
    %scan3A = arith.constant 0 : i32
    %scan3A_23 = arith.constant 8 : i32
    %scan3A_24 = arith.addi %scan3A, %scan3A_23 : i32
    %scan3A_25 = arith.constant 1 : i32
    scf.for %scan3A_44 = %scan3A to %scan3A_24 step %scan3A_25  : i32 {
      %mul3A_45 = arith.constant 1 : i32
      %mul3A_46 = arith.muli %scan3A_44, %mul3A_45 : i32
      %add3A_47 = arith.constant 0 : i32
      %add3A_48 = arith.addi %add3A_47, %mul3A_46 : i32
      %jit3A = arith.constant 3 : i32
      %eq3A = arith.constant 0 : i32
      %eq3A_49 = arith.cmpi eq, %jit3A, %eq3A : i32
      %jit3A_50 = arith.constant 1 : i32
      %select_n3A = arith.select %eq3A_49, %jit3A_50, %jit3A : i32
      %rem3A = arith.remsi %add3A_48, %select_n3A : i32
      %ne3A = arith.constant 0 : i32
      %ne3A_51 = arith.cmpi ne, %rem3A, %ne3A : i32
      %lt3A = arith.constant 0 : i32
      %lt3A_52 = arith.cmpi slt, %rem3A, %lt3A : i32
      %lt3A_53 = arith.constant 0 : i32
      %lt3A_54 = arith.cmpi slt, %select_n3A, %lt3A_53 : i32
      %ne3A_55 = arith.xori %lt3A_52, %lt3A_54 : i1
      %and3A = arith.andi %ne3A_55, %ne3A_51 : i1
      %add3A_56 = arith.addi %rem3A, %select_n3A : i32
      %select_n3A_57 = arith.select %and3A, %add3A_56, %rem3A : i32
      %eq3A_58 = arith.constant 0 : i32
      %eq3A_59 = arith.cmpi eq, %select_n3A_57, %eq3A_58 : i32
      %convert_element_type3A = arith.extui %eq3A_59 : i1 to i32
      %cond3A = arith.constant 0 : i32
      %cond3A_60 = arith.cmpi ne, %convert_element_type3A, %cond3A : i32
      scf.if %cond3A_60 {
        %dma_wait3A_103 = arith.constant 0 : i32
        %dma_wait3A_104 = tpu.memref_slice %arg5[%add3A_48, %dma_wait3A_103] : memref<8x40xi32, #tpu.memory_space<vmem>> -> memref<1x40xi32, #tpu.memory_space<vmem>>
        %dma_wait3A_105 = tpu.memref_squeeze %dma_wait3A_104 : memref<1x40xi32, #tpu.memory_space<vmem>> -> memref<40xi32, #tpu.memory_space<vmem>>
        %dma_wait3A_106 = arith.constant 0 : i32
        %dma_wait3A_107 = arith.constant 0 : i32
        %dma_wait3A_108 = tpu.memref_slice %arg2[%dma_wait3A_106, %dma_wait3A_107] : memref<4096x1024xf32, #tpu.memory_space<hbm>> -> memref<4096x1024xf32, #tpu.memory_space<hbm>>
        tpu.wait_indirect_dma semaphore(%arg9 : memref<!tpu.dma_semaphore, #tpu.memory_space<semaphore_mem>>) src(%dma_wait3A_108 : memref<4096x1024xf32, #tpu.memory_space<hbm>>) dst(%arg6 : memref<40x1024xf32, #tpu.memory_space<vmem>>)
        %mul3A_109 = arith.constant 40 : i32
        %mul3A_110 = arith.muli %add3A_48, %mul3A_109 : i32
        %add3A_111 = arith.addi %mul3A_2, %mul3A_110 : i32
        %dma_start3A_112 = arith.constant 0 : i32
        %dma_start3A_113 = tpu.memref_slice %arg4[%add3A_111, %dma_start3A_112] : memref<10240x1024xf32, #tpu.memory_space<hbm>> -> memref<40x1024xf32, #tpu.memory_space<hbm>>
        %dma_start3A_114 = arith.constant 0 : i32
        %dma_start3A_115 = tpu.memref_slice %arg4[%add3A_111, %dma_start3A_114] : memref<10240x1024xf32, #tpu.memory_space<hbm>> -> memref<40x1024xf32, #tpu.memory_space<hbm>>
        tpu.enqueue_dma source(%arg6 : memref<40x1024xf32, #tpu.memory_space<vmem>>) target(%dma_start3A_115 : memref<40x1024xf32, #tpu.memory_space<hbm>>) target_semaphore(%arg12 : memref<!tpu.dma_semaphore, #tpu.memory_space<semaphore_mem>>)
        %add3A_116 = arith.constant 3 : i32
        %add3A_117 = arith.addi %add3A_48, %add3A_116 : i32
        %lt3A_118 = arith.constant 8 : i32
        %lt3A_119 = arith.cmpi slt, %add3A_117, %lt3A_118 : i32
        %convert_element_type3A_120 = arith.extui %lt3A_119 : i1 to i32
        %cond3A_121 = arith.constant 0 : i32
        %cond3A_122 = arith.cmpi ne, %convert_element_type3A_120, %cond3A_121 : i32
        scf.if %cond3A_122 {
          %dma_wait3A_123 = arith.constant 0 : i32
          %dma_wait3A_124 = tpu.memref_slice %arg4[%add3A_111, %dma_wait3A_123] : memref<10240x1024xf32, #tpu.memory_space<hbm>> -> memref<40x1024xf32, #tpu.memory_space<hbm>>
          %dma_wait3A_125 = arith.constant 0 : i32
          %dma_wait3A_126 = tpu.memref_slice %arg4[%add3A_111, %dma_wait3A_125] : memref<10240x1024xf32, #tpu.memory_space<hbm>> -> memref<40x1024xf32, #tpu.memory_space<hbm>>
          tpu.wait_dma2 semaphore(%arg12 : memref<!tpu.dma_semaphore, #tpu.memory_space<semaphore_mem>>) src(%arg6 : memref<40x1024xf32, #tpu.memory_space<vmem>>) dst(%dma_wait3A_126 : memref<40x1024xf32, #tpu.memory_space<hbm>>)
          %add3A_127 = arith.constant 3 : i32
          %add3A_128 = arith.addi %add3A_48, %add3A_127 : i32
          %dma_start3A_129 = arith.constant 0 : i32
          %dma_start3A_130 = tpu.memref_slice %arg5[%add3A_128, %dma_start3A_129] : memref<8x40xi32, #tpu.memory_space<vmem>> -> memref<1x40xi32, #tpu.memory_space<vmem>>
          %dma_start3A_131 = tpu.memref_squeeze %dma_start3A_130 : memref<1x40xi32, #tpu.memory_space<vmem>> -> memref<40xi32, #tpu.memory_space<vmem>>
          %dma_start3A_132 = arith.constant 0 : i32
          %dma_start3A_133 = arith.constant 0 : i32
          %dma_start3A_134 = tpu.memref_slice %arg2[%dma_start3A_132, %dma_start3A_133] : memref<4096x1024xf32, #tpu.memory_space<hbm>> -> memref<4096x1024xf32, #tpu.memory_space<hbm>>
          tpu.enqueue_indirect_dma source(%dma_start3A_134 : memref<4096x1024xf32, #tpu.memory_space<hbm>>) target(%arg6 : memref<40x1024xf32, #tpu.memory_space<vmem>>) offsets(%dma_start3A_131 : memref<40xi32, #tpu.memory_space<vmem>>) semaphore(%arg9 : memref<!tpu.dma_semaphore, #tpu.memory_space<semaphore_mem>>)
        } else {
        }
      } else {
      }
      %jit3A_61 = arith.constant 3 : i32
      %eq3A_62 = arith.constant 0 : i32
      %eq3A_63 = arith.cmpi eq, %jit3A_61, %eq3A_62 : i32
      %jit3A_64 = arith.constant 1 : i32
      %select_n3A_65 = arith.select %eq3A_63, %jit3A_64, %jit3A_61 : i32
      %rem3A_66 = arith.remsi %add3A_48, %select_n3A_65 : i32
      %ne3A_67 = arith.constant 0 : i32
      %ne3A_68 = arith.cmpi ne, %rem3A_66, %ne3A_67 : i32
      %lt3A_69 = arith.constant 0 : i32
      %lt3A_70 = arith.cmpi slt, %rem3A_66, %lt3A_69 : i32
      %lt3A_71 = arith.constant 0 : i32
      %lt3A_72 = arith.cmpi slt, %select_n3A_65, %lt3A_71 : i32
      %ne3A_73 = arith.xori %lt3A_70, %lt3A_72 : i1
      %and3A_74 = arith.andi %ne3A_73, %ne3A_68 : i1
      %add3A_75 = arith.addi %rem3A_66, %select_n3A_65 : i32
      %select_n3A_76 = arith.select %and3A_74, %add3A_75, %rem3A_66 : i32
      %eq3A_77 = arith.constant 1 : i32
      %eq3A_78 = arith.cmpi eq, %select_n3A_76, %eq3A_77 : i32
      %convert_element_type3A_79 = arith.extui %eq3A_78 : i1 to i32
      %cond3A_80 = arith.constant 0 : i32
      %cond3A_81 = arith.cmpi ne, %convert_element_type3A_79, %cond3A_80 : i32
      scf.if %cond3A_81 {
        %dma_wait3A_103 = arith.constant 0 : i32
        %dma_wait3A_104 = tpu.memref_slice %arg5[%add3A_48, %dma_wait3A_103] : memref<8x40xi32, #tpu.memory_space<vmem>> -> memref<1x40xi32, #tpu.memory_space<vmem>>
        %dma_wait3A_105 = tpu.memref_squeeze %dma_wait3A_104 : memref<1x40xi32, #tpu.memory_space<vmem>> -> memref<40xi32, #tpu.memory_space<vmem>>
        %dma_wait3A_106 = arith.constant 0 : i32
        %dma_wait3A_107 = arith.constant 0 : i32
        %dma_wait3A_108 = tpu.memref_slice %arg2[%dma_wait3A_106, %dma_wait3A_107] : memref<4096x1024xf32, #tpu.memory_space<hbm>> -> memref<4096x1024xf32, #tpu.memory_space<hbm>>
        tpu.wait_indirect_dma semaphore(%arg10 : memref<!tpu.dma_semaphore, #tpu.memory_space<semaphore_mem>>) src(%dma_wait3A_108 : memref<4096x1024xf32, #tpu.memory_space<hbm>>) dst(%arg7 : memref<40x1024xf32, #tpu.memory_space<vmem>>)
        %mul3A_109 = arith.constant 40 : i32
        %mul3A_110 = arith.muli %add3A_48, %mul3A_109 : i32
        %add3A_111 = arith.addi %mul3A_2, %mul3A_110 : i32
        %dma_start3A_112 = arith.constant 0 : i32
        %dma_start3A_113 = tpu.memref_slice %arg4[%add3A_111, %dma_start3A_112] : memref<10240x1024xf32, #tpu.memory_space<hbm>> -> memref<40x1024xf32, #tpu.memory_space<hbm>>
        %dma_start3A_114 = arith.constant 0 : i32
        %dma_start3A_115 = tpu.memref_slice %arg4[%add3A_111, %dma_start3A_114] : memref<10240x1024xf32, #tpu.memory_space<hbm>> -> memref<40x1024xf32, #tpu.memory_space<hbm>>
        tpu.enqueue_dma source(%arg7 : memref<40x1024xf32, #tpu.memory_space<vmem>>) target(%dma_start3A_115 : memref<40x1024xf32, #tpu.memory_space<hbm>>) target_semaphore(%arg13 : memref<!tpu.dma_semaphore, #tpu.memory_space<semaphore_mem>>)
        %add3A_116 = arith.constant 3 : i32
        %add3A_117 = arith.addi %add3A_48, %add3A_116 : i32
        %lt3A_118 = arith.constant 8 : i32
        %lt3A_119 = arith.cmpi slt, %add3A_117, %lt3A_118 : i32
        %convert_element_type3A_120 = arith.extui %lt3A_119 : i1 to i32
        %cond3A_121 = arith.constant 0 : i32
        %cond3A_122 = arith.cmpi ne, %convert_element_type3A_120, %cond3A_121 : i32
        scf.if %cond3A_122 {
          %dma_wait3A_123 = arith.constant 0 : i32
          %dma_wait3A_124 = tpu.memref_slice %arg4[%add3A_111, %dma_wait3A_123] : memref<10240x1024xf32, #tpu.memory_space<hbm>> -> memref<40x1024xf32, #tpu.memory_space<hbm>>
          %dma_wait3A_125 = arith.constant 0 : i32
          %dma_wait3A_126 = tpu.memref_slice %arg4[%add3A_111, %dma_wait3A_125] : memref<10240x1024xf32, #tpu.memory_space<hbm>> -> memref<40x1024xf32, #tpu.memory_space<hbm>>
          tpu.wait_dma2 semaphore(%arg13 : memref<!tpu.dma_semaphore, #tpu.memory_space<semaphore_mem>>) src(%arg7 : memref<40x1024xf32, #tpu.memory_space<vmem>>) dst(%dma_wait3A_126 : memref<40x1024xf32, #tpu.memory_space<hbm>>)
          %add3A_127 = arith.constant 3 : i32
          %add3A_128 = arith.addi %add3A_48, %add3A_127 : i32
          %dma_start3A_129 = arith.constant 0 : i32
          %dma_start3A_130 = tpu.memref_slice %arg5[%add3A_128, %dma_start3A_129] : memref<8x40xi32, #tpu.memory_space<vmem>> -> memref<1x40xi32, #tpu.memory_space<vmem>>
          %dma_start3A_131 = tpu.memref_squeeze %dma_start3A_130 : memref<1x40xi32, #tpu.memory_space<vmem>> -> memref<40xi32, #tpu.memory_space<vmem>>
          %dma_start3A_132 = arith.constant 0 : i32
          %dma_start3A_133 = arith.constant 0 : i32
          %dma_start3A_134 = tpu.memref_slice %arg2[%dma_start3A_132, %dma_start3A_133] : memref<4096x1024xf32, #tpu.memory_space<hbm>> -> memref<4096x1024xf32, #tpu.memory_space<hbm>>
          tpu.enqueue_indirect_dma source(%dma_start3A_134 : memref<4096x1024xf32, #tpu.memory_space<hbm>>) target(%arg7 : memref<40x1024xf32, #tpu.memory_space<vmem>>) offsets(%dma_start3A_131 : memref<40xi32, #tpu.memory_space<vmem>>) semaphore(%arg10 : memref<!tpu.dma_semaphore, #tpu.memory_space<semaphore_mem>>)
        } else {
        }
      } else {
      }
      %jit3A_82 = arith.constant 3 : i32
      %eq3A_83 = arith.constant 0 : i32
      %eq3A_84 = arith.cmpi eq, %jit3A_82, %eq3A_83 : i32
      %jit3A_85 = arith.constant 1 : i32
      %select_n3A_86 = arith.select %eq3A_84, %jit3A_85, %jit3A_82 : i32
      %rem3A_87 = arith.remsi %add3A_48, %select_n3A_86 : i32
      %ne3A_88 = arith.constant 0 : i32
      %ne3A_89 = arith.cmpi ne, %rem3A_87, %ne3A_88 : i32
      %lt3A_90 = arith.constant 0 : i32
      %lt3A_91 = arith.cmpi slt, %rem3A_87, %lt3A_90 : i32
      %lt3A_92 = arith.constant 0 : i32
      %lt3A_93 = arith.cmpi slt, %select_n3A_86, %lt3A_92 : i32
      %ne3A_94 = arith.xori %lt3A_91, %lt3A_93 : i1
      %and3A_95 = arith.andi %ne3A_94, %ne3A_89 : i1
      %add3A_96 = arith.addi %rem3A_87, %select_n3A_86 : i32
      %select_n3A_97 = arith.select %and3A_95, %add3A_96, %rem3A_87 : i32
      %eq3A_98 = arith.constant 2 : i32
      %eq3A_99 = arith.cmpi eq, %select_n3A_97, %eq3A_98 : i32
      %convert_element_type3A_100 = arith.extui %eq3A_99 : i1 to i32
      %cond3A_101 = arith.constant 0 : i32
      %cond3A_102 = arith.cmpi ne, %convert_element_type3A_100, %cond3A_101 : i32
      scf.if %cond3A_102 {
        %dma_wait3A_103 = arith.constant 0 : i32
        %dma_wait3A_104 = tpu.memref_slice %arg5[%add3A_48, %dma_wait3A_103] : memref<8x40xi32, #tpu.memory_space<vmem>> -> memref<1x40xi32, #tpu.memory_space<vmem>>
        %dma_wait3A_105 = tpu.memref_squeeze %dma_wait3A_104 : memref<1x40xi32, #tpu.memory_space<vmem>> -> memref<40xi32, #tpu.memory_space<vmem>>
        %dma_wait3A_106 = arith.constant 0 : i32
        %dma_wait3A_107 = arith.constant 0 : i32
        %dma_wait3A_108 = tpu.memref_slice %arg2[%dma_wait3A_106, %dma_wait3A_107] : memref<4096x1024xf32, #tpu.memory_space<hbm>> -> memref<4096x1024xf32, #tpu.memory_space<hbm>>
        tpu.wait_indirect_dma semaphore(%arg11 : memref<!tpu.dma_semaphore, #tpu.memory_space<semaphore_mem>>) src(%dma_wait3A_108 : memref<4096x1024xf32, #tpu.memory_space<hbm>>) dst(%arg8 : memref<40x1024xf32, #tpu.memory_space<vmem>>)
        %mul3A_109 = arith.constant 40 : i32
        %mul3A_110 = arith.muli %add3A_48, %mul3A_109 : i32
        %add3A_111 = arith.addi %mul3A_2, %mul3A_110 : i32
        %dma_start3A_112 = arith.constant 0 : i32
        %dma_start3A_113 = tpu.memref_slice %arg4[%add3A_111, %dma_start3A_112] : memref<10240x1024xf32, #tpu.memory_space<hbm>> -> memref<40x1024xf32, #tpu.memory_space<hbm>>
        %dma_start3A_114 = arith.constant 0 : i32
        %dma_start3A_115 = tpu.memref_slice %arg4[%add3A_111, %dma_start3A_114] : memref<10240x1024xf32, #tpu.memory_space<hbm>> -> memref<40x1024xf32, #tpu.memory_space<hbm>>
        tpu.enqueue_dma source(%arg8 : memref<40x1024xf32, #tpu.memory_space<vmem>>) target(%dma_start3A_115 : memref<40x1024xf32, #tpu.memory_space<hbm>>) target_semaphore(%arg14 : memref<!tpu.dma_semaphore, #tpu.memory_space<semaphore_mem>>)
        %add3A_116 = arith.constant 3 : i32
        %add3A_117 = arith.addi %add3A_48, %add3A_116 : i32
        %lt3A_118 = arith.constant 8 : i32
        %lt3A_119 = arith.cmpi slt, %add3A_117, %lt3A_118 : i32
        %convert_element_type3A_120 = arith.extui %lt3A_119 : i1 to i32
        %cond3A_121 = arith.constant 0 : i32
        %cond3A_122 = arith.cmpi ne, %convert_element_type3A_120, %cond3A_121 : i32
        scf.if %cond3A_122 {
          %dma_wait3A_123 = arith.constant 0 : i32
          %dma_wait3A_124 = tpu.memref_slice %arg4[%add3A_111, %dma_wait3A_123] : memref<10240x1024xf32, #tpu.memory_space<hbm>> -> memref<40x1024xf32, #tpu.memory_space<hbm>>
          %dma_wait3A_125 = arith.constant 0 : i32
          %dma_wait3A_126 = tpu.memref_slice %arg4[%add3A_111, %dma_wait3A_125] : memref<10240x1024xf32, #tpu.memory_space<hbm>> -> memref<40x1024xf32, #tpu.memory_space<hbm>>
          tpu.wait_dma2 semaphore(%arg14 : memref<!tpu.dma_semaphore, #tpu.memory_space<semaphore_mem>>) src(%arg8 : memref<40x1024xf32, #tpu.memory_space<vmem>>) dst(%dma_wait3A_126 : memref<40x1024xf32, #tpu.memory_space<hbm>>)
          %add3A_127 = arith.constant 3 : i32
          %add3A_128 = arith.addi %add3A_48, %add3A_127 : i32
          %dma_start3A_129 = arith.constant 0 : i32
          %dma_start3A_130 = tpu.memref_slice %arg5[%add3A_128, %dma_start3A_129] : memref<8x40xi32, #tpu.memory_space<vmem>> -> memref<1x40xi32, #tpu.memory_space<vmem>>
          %dma_start3A_131 = tpu.memref_squeeze %dma_start3A_130 : memref<1x40xi32, #tpu.memory_space<vmem>> -> memref<40xi32, #tpu.memory_space<vmem>>
          %dma_start3A_132 = arith.constant 0 : i32
          %dma_start3A_133 = arith.constant 0 : i32
          %dma_start3A_134 = tpu.memref_slice %arg2[%dma_start3A_132, %dma_start3A_133] : memref<4096x1024xf32, #tpu.memory_space<hbm>> -> memref<4096x1024xf32, #tpu.memory_space<hbm>>
          tpu.enqueue_indirect_dma source(%dma_start3A_134 : memref<4096x1024xf32, #tpu.memory_space<hbm>>) target(%arg8 : memref<40x1024xf32, #tpu.memory_space<vmem>>) offsets(%dma_start3A_131 : memref<40xi32, #tpu.memory_space<vmem>>) semaphore(%arg11 : memref<!tpu.dma_semaphore, #tpu.memory_space<semaphore_mem>>)
        } else {
        }
      } else {
      }
    }
    %scan3A_26 = arith.constant 8 : i32
    %add3A_27 = arith.constant 240 : i32
    %add3A_28 = arith.addi %mul3A_2, %add3A_27 : i32
    %dma_wait3A = arith.constant 0 : i32
    %dma_wait3A_29 = tpu.memref_slice %arg4[%add3A_28, %dma_wait3A] : memref<10240x1024xf32, #tpu.memory_space<hbm>> -> memref<40x1024xf32, #tpu.memory_space<hbm>>
    %dma_wait3A_30 = arith.constant 0 : i32
    %dma_wait3A_31 = tpu.memref_slice %arg4[%add3A_28, %dma_wait3A_30] : memref<10240x1024xf32, #tpu.memory_space<hbm>> -> memref<40x1024xf32, #tpu.memory_space<hbm>>
    tpu.wait_dma2 semaphore(%arg12 : memref<!tpu.dma_semaphore, #tpu.memory_space<semaphore_mem>>) src(%arg6 : memref<40x1024xf32, #tpu.memory_space<vmem>>) dst(%dma_wait3A_31 : memref<40x1024xf32, #tpu.memory_space<hbm>>)
    %add3A_32 = arith.constant 280 : i32
    %add3A_33 = arith.addi %mul3A_2, %add3A_32 : i32
    %dma_wait3A_34 = arith.constant 0 : i32
    %dma_wait3A_35 = tpu.memref_slice %arg4[%add3A_33, %dma_wait3A_34] : memref<10240x1024xf32, #tpu.memory_space<hbm>> -> memref<40x1024xf32, #tpu.memory_space<hbm>>
    %dma_wait3A_36 = arith.constant 0 : i32
    %dma_wait3A_37 = tpu.memref_slice %arg4[%add3A_33, %dma_wait3A_36] : memref<10240x1024xf32, #tpu.memory_space<hbm>> -> memref<40x1024xf32, #tpu.memory_space<hbm>>
    tpu.wait_dma2 semaphore(%arg13 : memref<!tpu.dma_semaphore, #tpu.memory_space<semaphore_mem>>) src(%arg7 : memref<40x1024xf32, #tpu.memory_space<vmem>>) dst(%dma_wait3A_37 : memref<40x1024xf32, #tpu.memory_space<hbm>>)
    %add3A_38 = arith.constant 200 : i32
    %add3A_39 = arith.addi %mul3A_2, %add3A_38 : i32
    %dma_wait3A_40 = arith.constant 0 : i32
    %dma_wait3A_41 = tpu.memref_slice %arg4[%add3A_39, %dma_wait3A_40] : memref<10240x1024xf32, #tpu.memory_space<hbm>> -> memref<40x1024xf32, #tpu.memory_space<hbm>>
    %dma_wait3A_42 = arith.constant 0 : i32
    %dma_wait3A_43 = tpu.memref_slice %arg4[%add3A_39, %dma_wait3A_42] : memref<10240x1024xf32, #tpu.memory_space<hbm>> -> memref<40x1024xf32, #tpu.memory_space<hbm>>
    tpu.wait_dma2 semaphore(%arg14 : memref<!tpu.dma_semaphore, #tpu.memory_space<semaphore_mem>>) src(%arg8 : memref<40x1024xf32, #tpu.memory_space<vmem>>) dst(%dma_wait3A_43 : memref<40x1024xf32, #tpu.memory_space<hbm>>)
    return
  }
}

#map = affine_map<(d0, d1) -> (0)>
module attributes {stable_mosaic.version = 14 : i64} {
  func.func @k(%arg0: i32, %arg1: i32, %arg2: memref<8192xi32, #tpu.memory_space<hbm>>, %arg3: memref<8192xi32, #tpu.memory_space<hbm>>, %arg4: memref<10240xi32, #tpu.memory_space<hbm>>, %arg5: memref<8192xi32, #tpu.memory_space<vmem>>, %arg6: memref<8192xi32, #tpu.memory_space<vmem>>, %arg7: memref<10240xi32, #tpu.memory_space<vmem>>) attributes {dimension_semantics = [#tpu.dimension_semantics<core_parallel>, #tpu.dimension_semantics<subcore_parallel>], iteration_bounds = array<i64: 2, 16>, scalar_prefetch = 0 : i64, scratch_operands = 3 : i64, tpu.core_type = #tpu.core_type<sc_vector_subcore>, window_params = [{transform_indices = #map}, {transform_indices = #map}, {transform_indices = #map}]} {
    %mul3A = arith.constant 2 : i32
    %mul3A_0 = arith.muli %arg1, %mul3A : i32
    %add3A = arith.addi %mul3A_0, %arg0 : i32
    %eq3A = arith.constant 0 : i32
    %eq3A_1 = arith.cmpi eq, %add3A, %eq3A : i32
    %convert_element_type3A = arith.extui %eq3A_1 : i1 to i32
    %cond3A = arith.constant 0 : i32
    %cond3A_2 = arith.cmpi ne, %convert_element_type3A, %cond3A : i32
    scf.if %cond3A_2 {
      "tpu.region"() ({
        %run_scoped3A = tpu.sem_alloc : memref<!tpu.dma_semaphore, #tpu.memory_space<semaphore_mem>>
        tpu.enqueue_dma source(%arg2 : memref<8192xi32, #tpu.memory_space<hbm>>) target(%arg5 : memref<8192xi32, #tpu.memory_space<vmem>>) target_semaphore(%run_scoped3A : memref<!tpu.dma_semaphore, #tpu.memory_space<semaphore_mem>>)
        tpu.wait_dma2 semaphore(%run_scoped3A : memref<!tpu.dma_semaphore, #tpu.memory_space<semaphore_mem>>) src(%arg2 : memref<8192xi32, #tpu.memory_space<hbm>>) dst(%arg5 : memref<8192xi32, #tpu.memory_space<vmem>>)
        tpu.yield
      }) : () -> ()
      "tpu.region"() ({
        %run_scoped3A = tpu.sem_alloc : memref<!tpu.dma_semaphore, #tpu.memory_space<semaphore_mem>>
        tpu.enqueue_dma source(%arg3 : memref<8192xi32, #tpu.memory_space<hbm>>) target(%arg6 : memref<8192xi32, #tpu.memory_space<vmem>>) target_semaphore(%run_scoped3A : memref<!tpu.dma_semaphore, #tpu.memory_space<semaphore_mem>>)
        tpu.wait_dma2 semaphore(%run_scoped3A : memref<!tpu.dma_semaphore, #tpu.memory_space<semaphore_mem>>) src(%arg3 : memref<8192xi32, #tpu.memory_space<hbm>>) dst(%arg6 : memref<8192xi32, #tpu.memory_space<vmem>>)
        tpu.yield
      }) : () -> ()
      %scan3A = arith.constant 0 : i32
      %scan3A_3 = arith.constant 640 : i32
      %scan3A_4 = arith.addi %scan3A, %scan3A_3 : i32
      %scan3A_5 = arith.constant 1 : i32
      scf.for %scan3A_12 = %scan3A to %scan3A_4 step %scan3A_5  : i32 {
        %mul3A_13 = arith.constant 1 : i32
        %mul3A_14 = arith.muli %scan3A_12, %mul3A_13 : i32
        %add3A_15 = arith.constant 0 : i32
        %add3A_16 = arith.addi %add3A_15, %mul3A_14 : i32
        %mul3A_17 = arith.constant 16 : i32
        %mul3A_18 = arith.muli %add3A_16, %mul3A_17 : i32
        %iota3A = tpu.iota {dimensions = array<i32: 0>} : vector<16xi32>
        %add3A_19 = vector.broadcast %mul3A_18 : i32 to vector<16xi32>
        %add3A_20 = arith.addi %add3A_19, %iota3A : vector<16xi32>
        %and3A = arith.constant 4095 : i32
        %and3A_21 = vector.broadcast %and3A : i32 to vector<16xi32>
        %and3A_22 = arith.andi %add3A_20, %and3A_21 : vector<16xi32>
        %swap3A = arith.index_cast %mul3A_18 : i32 to index
        %swap3A_23 = tpu.vector_load %arg7[%swap3A] {strides = array<i32>} : memref<10240xi32, #tpu.memory_space<vmem>>, vector<16xi32>,
        tpu.vector_store %arg7[%swap3A], %and3A_22 {strides = array<i32>} : memref<10240xi32, #tpu.memory_space<vmem>>, vector<16xi32>,
      }
      %scan3A_6 = arith.constant 640 : i32
      %scan3A_7 = arith.constant 0 : i32
      %scan3A_8 = arith.constant 512 : i32
      %scan3A_9 = arith.addi %scan3A_7, %scan3A_8 : i32
      %scan3A_10 = arith.constant 1 : i32
      scf.for %scan3A_12 = %scan3A_7 to %scan3A_9 step %scan3A_10  : i32 {
        %mul3A_13 = arith.constant 1 : i32
        %mul3A_14 = arith.muli %scan3A_12, %mul3A_13 : i32
        %add3A_15 = arith.constant 0 : i32
        %add3A_16 = arith.addi %add3A_15, %mul3A_14 : i32
        %mul3A_17 = arith.constant 16 : i32
        %mul3A_18 = arith.muli %add3A_16, %mul3A_17 : i32
        %get3A = arith.index_cast %mul3A_18 : i32 to index
        %get3A_19 = tpu.vector_load %arg5[%get3A] {strides = array<i32>} : memref<8192xi32, #tpu.memory_space<vmem>>, vector<16xi32>,
        %mul3A_20 = arith.constant 16 : i32
        %mul3A_21 = arith.muli %add3A_16, %mul3A_20 : i32
        %get3A_22 = arith.index_cast %mul3A_21 : i32 to index
        %get3A_23 = tpu.vector_load %arg6[%get3A_22] {strides = array<i32>} : memref<8192xi32, #tpu.memory_space<vmem>>, vector<16xi32>,
        tpu.vector_store_idx %arg7[%get3A_19], %get3A_23 : memref<10240xi32, #tpu.memory_space<vmem>>[vector<16xi32>], vector<16xi32>,
      }
      %scan3A_11 = arith.constant 512 : i32
      "tpu.region"() ({
        %run_scoped3A = tpu.sem_alloc : memref<!tpu.dma_semaphore, #tpu.memory_space<semaphore_mem>>
        tpu.enqueue_dma source(%arg7 : memref<10240xi32, #tpu.memory_space<vmem>>) target(%arg4 : memref<10240xi32, #tpu.memory_space<hbm>>) target_semaphore(%run_scoped3A : memref<!tpu.dma_semaphore, #tpu.memory_space<semaphore_mem>>)
        tpu.wait_dma2 semaphore(%run_scoped3A : memref<!tpu.dma_semaphore, #tpu.memory_space<semaphore_mem>>) src(%arg7 : memref<10240xi32, #tpu.memory_space<vmem>>) dst(%arg4 : memref<10240xi32, #tpu.memory_space<hbm>>)
        tpu.yield
      }) : () -> ()
    } else {
    }
    return
  }
}

#map = affine_map<(d0, d1) -> (0, 0)>
#map1 = affine_map<(d0, d1) -> (0, 0, 0)>
module attributes {stable_mosaic.version = 14 : i64} {
  func.func @k(%arg0: i32, %arg1: i32, %arg2: memref<10240x1024xf32, #tpu.memory_space<hbm>>, %arg3: memref<32x8x32xi32, #tpu.memory_space<hbm>>, %arg4: memref<8192x1024xf32, #tpu.memory_space<hbm>>, %arg5: memref<8x32xi32, #tpu.memory_space<vmem>>, %arg6: memref<32x1024xf32, #tpu.memory_space<vmem>>, %arg7: memref<32x1024xf32, #tpu.memory_space<vmem>>, %arg8: memref<32x1024xf32, #tpu.memory_space<vmem>>, %arg9: memref<!tpu.dma_semaphore, #tpu.memory_space<semaphore_mem>>, %arg10: memref<!tpu.dma_semaphore, #tpu.memory_space<semaphore_mem>>, %arg11: memref<!tpu.dma_semaphore, #tpu.memory_space<semaphore_mem>>, %arg12: memref<!tpu.dma_semaphore, #tpu.memory_space<semaphore_mem>>, %arg13: memref<!tpu.dma_semaphore, #tpu.memory_space<semaphore_mem>>, %arg14: memref<!tpu.dma_semaphore, #tpu.memory_space<semaphore_mem>>) attributes {dimension_semantics = [#tpu.dimension_semantics<core_parallel>, #tpu.dimension_semantics<subcore_parallel>], iteration_bounds = array<i64: 2, 16>, scalar_prefetch = 0 : i64, scratch_operands = 10 : i64, tpu.core_type = #tpu.core_type<sc_vector_subcore>, window_params = [{transform_indices = #map}, {transform_indices = #map1}, {transform_indices = #map}]} {
    %mul3A = arith.constant 2 : i32
    %mul3A_0 = arith.muli %arg1, %mul3A : i32
    %add3A = arith.addi %mul3A_0, %arg0 : i32
    %mul3A_1 = arith.constant 256 : i32
    %mul3A_2 = arith.muli %add3A, %mul3A_1 : i32
    "tpu.region"() ({
      %run_scoped3A = tpu.sem_alloc : memref<!tpu.dma_semaphore, #tpu.memory_space<semaphore_mem>>
      %dma_start3A_44 = arith.constant 0 : i32
      %dma_start3A_45 = arith.constant 0 : i32
      %dma_start3A_46 = tpu.memref_slice %arg3[%add3A, %dma_start3A_44, %dma_start3A_45] : memref<32x8x32xi32, #tpu.memory_space<hbm>> -> memref<1x8x32xi32, #tpu.memory_space<hbm>>
      %dma_start3A_47 = tpu.memref_squeeze %dma_start3A_46 : memref<1x8x32xi32, #tpu.memory_space<hbm>> -> memref<8x32xi32, #tpu.memory_space<hbm>>
      %dma_start3A_48 = arith.constant 0 : i32
      %dma_start3A_49 = arith.constant 0 : i32
      %dma_start3A_50 = tpu.memref_slice %arg3[%add3A, %dma_start3A_48, %dma_start3A_49] : memref<32x8x32xi32, #tpu.memory_space<hbm>> -> memref<1x8x32xi32, #tpu.memory_space<hbm>>
      %dma_start3A_51 = tpu.memref_squeeze %dma_start3A_50 : memref<1x8x32xi32, #tpu.memory_space<hbm>> -> memref<8x32xi32, #tpu.memory_space<hbm>>
      tpu.enqueue_dma source(%dma_start3A_51 : memref<8x32xi32, #tpu.memory_space<hbm>>) target(%arg5 : memref<8x32xi32, #tpu.memory_space<vmem>>) target_semaphore(%run_scoped3A : memref<!tpu.dma_semaphore, #tpu.memory_space<semaphore_mem>>)
      %dma_wait3A_52 = arith.constant 0 : i32
      %dma_wait3A_53 = arith.constant 0 : i32
      %dma_wait3A_54 = tpu.memref_slice %arg3[%add3A, %dma_wait3A_52, %dma_wait3A_53] : memref<32x8x32xi32, #tpu.memory_space<hbm>> -> memref<1x8x32xi32, #tpu.memory_space<hbm>>
      %dma_wait3A_55 = tpu.memref_squeeze %dma_wait3A_54 : memref<1x8x32xi32, #tpu.memory_space<hbm>> -> memref<8x32xi32, #tpu.memory_space<hbm>>
      %dma_wait3A_56 = arith.constant 0 : i32
      %dma_wait3A_57 = arith.constant 0 : i32
      %dma_wait3A_58 = tpu.memref_slice %arg3[%add3A, %dma_wait3A_56, %dma_wait3A_57] : memref<32x8x32xi32, #tpu.memory_space<hbm>> -> memref<1x8x32xi32, #tpu.memory_space<hbm>>
      %dma_wait3A_59 = tpu.memref_squeeze %dma_wait3A_58 : memref<1x8x32xi32, #tpu.memory_space<hbm>> -> memref<8x32xi32, #tpu.memory_space<hbm>>
      tpu.wait_dma2 semaphore(%run_scoped3A : memref<!tpu.dma_semaphore, #tpu.memory_space<semaphore_mem>>) src(%dma_wait3A_59 : memref<8x32xi32, #tpu.memory_space<hbm>>) dst(%arg5 : memref<8x32xi32, #tpu.memory_space<vmem>>)
      tpu.yield
    }) : () -> ()
    %dma_start3A = arith.constant 0 : i32
    %dma_start3A_3 = arith.constant 0 : i32
    %dma_start3A_4 = tpu.memref_slice %arg5[%dma_start3A, %dma_start3A_3] : memref<8x32xi32, #tpu.memory_space<vmem>> -> memref<1x32xi32, #tpu.memory_space<vmem>>
    %dma_start3A_5 = tpu.memref_squeeze %dma_start3A_4 : memref<1x32xi32, #tpu.memory_space<vmem>> -> memref<32xi32, #tpu.memory_space<vmem>>
    %dma_start3A_6 = arith.constant 0 : i32
    %dma_start3A_7 = arith.constant 0 : i32
    %dma_start3A_8 = tpu.memref_slice %arg2[%dma_start3A_6, %dma_start3A_7] : memref<10240x1024xf32, #tpu.memory_space<hbm>> -> memref<10240x1024xf32, #tpu.memory_space<hbm>>
    tpu.enqueue_indirect_dma source(%dma_start3A_8 : memref<10240x1024xf32, #tpu.memory_space<hbm>>) target(%arg6 : memref<32x1024xf32, #tpu.memory_space<vmem>>) offsets(%dma_start3A_5 : memref<32xi32, #tpu.memory_space<vmem>>) semaphore(%arg9 : memref<!tpu.dma_semaphore, #tpu.memory_space<semaphore_mem>>)
    %dma_start3A_9 = arith.constant 1 : i32
    %dma_start3A_10 = arith.constant 0 : i32
    %dma_start3A_11 = tpu.memref_slice %arg5[%dma_start3A_9, %dma_start3A_10] : memref<8x32xi32, #tpu.memory_space<vmem>> -> memref<1x32xi32, #tpu.memory_space<vmem>>
    %dma_start3A_12 = tpu.memref_squeeze %dma_start3A_11 : memref<1x32xi32, #tpu.memory_space<vmem>> -> memref<32xi32, #tpu.memory_space<vmem>>
    %dma_start3A_13 = arith.constant 0 : i32
    %dma_start3A_14 = arith.constant 0 : i32
    %dma_start3A_15 = tpu.memref_slice %arg2[%dma_start3A_13, %dma_start3A_14] : memref<10240x1024xf32, #tpu.memory_space<hbm>> -> memref<10240x1024xf32, #tpu.memory_space<hbm>>
    tpu.enqueue_indirect_dma source(%dma_start3A_15 : memref<10240x1024xf32, #tpu.memory_space<hbm>>) target(%arg7 : memref<32x1024xf32, #tpu.memory_space<vmem>>) offsets(%dma_start3A_12 : memref<32xi32, #tpu.memory_space<vmem>>) semaphore(%arg10 : memref<!tpu.dma_semaphore, #tpu.memory_space<semaphore_mem>>)
    %dma_start3A_16 = arith.constant 2 : i32
    %dma_start3A_17 = arith.constant 0 : i32
    %dma_start3A_18 = tpu.memref_slice %arg5[%dma_start3A_16, %dma_start3A_17] : memref<8x32xi32, #tpu.memory_space<vmem>> -> memref<1x32xi32, #tpu.memory_space<vmem>>
    %dma_start3A_19 = tpu.memref_squeeze %dma_start3A_18 : memref<1x32xi32, #tpu.memory_space<vmem>> -> memref<32xi32, #tpu.memory_space<vmem>>
    %dma_start3A_20 = arith.constant 0 : i32
    %dma_start3A_21 = arith.constant 0 : i32
    %dma_start3A_22 = tpu.memref_slice %arg2[%dma_start3A_20, %dma_start3A_21] : memref<10240x1024xf32, #tpu.memory_space<hbm>> -> memref<10240x1024xf32, #tpu.memory_space<hbm>>
    tpu.enqueue_indirect_dma source(%dma_start3A_22 : memref<10240x1024xf32, #tpu.memory_space<hbm>>) target(%arg8 : memref<32x1024xf32, #tpu.memory_space<vmem>>) offsets(%dma_start3A_19 : memref<32xi32, #tpu.memory_space<vmem>>) semaphore(%arg11 : memref<!tpu.dma_semaphore, #tpu.memory_space<semaphore_mem>>)
    %scan3A = arith.constant 0 : i32
    %scan3A_23 = arith.constant 8 : i32
    %scan3A_24 = arith.addi %scan3A, %scan3A_23 : i32
    %scan3A_25 = arith.constant 1 : i32
    scf.for %scan3A_44 = %scan3A to %scan3A_24 step %scan3A_25  : i32 {
      %mul3A_45 = arith.constant 1 : i32
      %mul3A_46 = arith.muli %scan3A_44, %mul3A_45 : i32
      %add3A_47 = arith.constant 0 : i32
      %add3A_48 = arith.addi %add3A_47, %mul3A_46 : i32
      %jit3A = arith.constant 3 : i32
      %eq3A = arith.constant 0 : i32
      %eq3A_49 = arith.cmpi eq, %jit3A, %eq3A : i32
      %jit3A_50 = arith.constant 1 : i32
      %select_n3A = arith.select %eq3A_49, %jit3A_50, %jit3A : i32
      %rem3A = arith.remsi %add3A_48, %select_n3A : i32
      %ne3A = arith.constant 0 : i32
      %ne3A_51 = arith.cmpi ne, %rem3A, %ne3A : i32
      %lt3A = arith.constant 0 : i32
      %lt3A_52 = arith.cmpi slt, %rem3A, %lt3A : i32
      %lt3A_53 = arith.constant 0 : i32
      %lt3A_54 = arith.cmpi slt, %select_n3A, %lt3A_53 : i32
      %ne3A_55 = arith.xori %lt3A_52, %lt3A_54 : i1
      %and3A = arith.andi %ne3A_55, %ne3A_51 : i1
      %add3A_56 = arith.addi %rem3A, %select_n3A : i32
      %select_n3A_57 = arith.select %and3A, %add3A_56, %rem3A : i32
      %eq3A_58 = arith.constant 0 : i32
      %eq3A_59 = arith.cmpi eq, %select_n3A_57, %eq3A_58 : i32
      %convert_element_type3A = arith.extui %eq3A_59 : i1 to i32
      %cond3A = arith.constant 0 : i32
      %cond3A_60 = arith.cmpi ne, %convert_element_type3A, %cond3A : i32
      scf.if %cond3A_60 {
        %dma_wait3A_103 = arith.constant 0 : i32
        %dma_wait3A_104 = tpu.memref_slice %arg5[%add3A_48, %dma_wait3A_103] : memref<8x32xi32, #tpu.memory_space<vmem>> -> memref<1x32xi32, #tpu.memory_space<vmem>>
        %dma_wait3A_105 = tpu.memref_squeeze %dma_wait3A_104 : memref<1x32xi32, #tpu.memory_space<vmem>> -> memref<32xi32, #tpu.memory_space<vmem>>
        %dma_wait3A_106 = arith.constant 0 : i32
        %dma_wait3A_107 = arith.constant 0 : i32
        %dma_wait3A_108 = tpu.memref_slice %arg2[%dma_wait3A_106, %dma_wait3A_107] : memref<10240x1024xf32, #tpu.memory_space<hbm>> -> memref<10240x1024xf32, #tpu.memory_space<hbm>>
        tpu.wait_indirect_dma semaphore(%arg9 : memref<!tpu.dma_semaphore, #tpu.memory_space<semaphore_mem>>) src(%dma_wait3A_108 : memref<10240x1024xf32, #tpu.memory_space<hbm>>) dst(%arg6 : memref<32x1024xf32, #tpu.memory_space<vmem>>)
        %mul3A_109 = arith.constant 32 : i32
        %mul3A_110 = arith.muli %add3A_48, %mul3A_109 : i32
        %add3A_111 = arith.addi %mul3A_2, %mul3A_110 : i32
        %dma_start3A_112 = arith.constant 0 : i32
        %dma_start3A_113 = tpu.memref_slice %arg4[%add3A_111, %dma_start3A_112] : memref<8192x1024xf32, #tpu.memory_space<hbm>> -> memref<32x1024xf32, #tpu.memory_space<hbm>>
        %dma_start3A_114 = arith.constant 0 : i32
        %dma_start3A_115 = tpu.memref_slice %arg4[%add3A_111, %dma_start3A_114] : memref<8192x1024xf32, #tpu.memory_space<hbm>> -> memref<32x1024xf32, #tpu.memory_space<hbm>>
        tpu.enqueue_dma source(%arg6 : memref<32x1024xf32, #tpu.memory_space<vmem>>) target(%dma_start3A_115 : memref<32x1024xf32, #tpu.memory_space<hbm>>) target_semaphore(%arg12 : memref<!tpu.dma_semaphore, #tpu.memory_space<semaphore_mem>>)
        %add3A_116 = arith.constant 3 : i32
        %add3A_117 = arith.addi %add3A_48, %add3A_116 : i32
        %lt3A_118 = arith.constant 8 : i32
        %lt3A_119 = arith.cmpi slt, %add3A_117, %lt3A_118 : i32
        %convert_element_type3A_120 = arith.extui %lt3A_119 : i1 to i32
        %cond3A_121 = arith.constant 0 : i32
        %cond3A_122 = arith.cmpi ne, %convert_element_type3A_120, %cond3A_121 : i32
        scf.if %cond3A_122 {
          %dma_wait3A_123 = arith.constant 0 : i32
          %dma_wait3A_124 = tpu.memref_slice %arg4[%add3A_111, %dma_wait3A_123] : memref<8192x1024xf32, #tpu.memory_space<hbm>> -> memref<32x1024xf32, #tpu.memory_space<hbm>>
          %dma_wait3A_125 = arith.constant 0 : i32
          %dma_wait3A_126 = tpu.memref_slice %arg4[%add3A_111, %dma_wait3A_125] : memref<8192x1024xf32, #tpu.memory_space<hbm>> -> memref<32x1024xf32, #tpu.memory_space<hbm>>
          tpu.wait_dma2 semaphore(%arg12 : memref<!tpu.dma_semaphore, #tpu.memory_space<semaphore_mem>>) src(%arg6 : memref<32x1024xf32, #tpu.memory_space<vmem>>) dst(%dma_wait3A_126 : memref<32x1024xf32, #tpu.memory_space<hbm>>)
          %add3A_127 = arith.constant 3 : i32
          %add3A_128 = arith.addi %add3A_48, %add3A_127 : i32
          %dma_start3A_129 = arith.constant 0 : i32
          %dma_start3A_130 = tpu.memref_slice %arg5[%add3A_128, %dma_start3A_129] : memref<8x32xi32, #tpu.memory_space<vmem>> -> memref<1x32xi32, #tpu.memory_space<vmem>>
          %dma_start3A_131 = tpu.memref_squeeze %dma_start3A_130 : memref<1x32xi32, #tpu.memory_space<vmem>> -> memref<32xi32, #tpu.memory_space<vmem>>
          %dma_start3A_132 = arith.constant 0 : i32
          %dma_start3A_133 = arith.constant 0 : i32
          %dma_start3A_134 = tpu.memref_slice %arg2[%dma_start3A_132, %dma_start3A_133] : memref<10240x1024xf32, #tpu.memory_space<hbm>> -> memref<10240x1024xf32, #tpu.memory_space<hbm>>
          tpu.enqueue_indirect_dma source(%dma_start3A_134 : memref<10240x1024xf32, #tpu.memory_space<hbm>>) target(%arg6 : memref<32x1024xf32, #tpu.memory_space<vmem>>) offsets(%dma_start3A_131 : memref<32xi32, #tpu.memory_space<vmem>>) semaphore(%arg9 : memref<!tpu.dma_semaphore, #tpu.memory_space<semaphore_mem>>)
        } else {
        }
      } else {
      }
      %jit3A_61 = arith.constant 3 : i32
      %eq3A_62 = arith.constant 0 : i32
      %eq3A_63 = arith.cmpi eq, %jit3A_61, %eq3A_62 : i32
      %jit3A_64 = arith.constant 1 : i32
      %select_n3A_65 = arith.select %eq3A_63, %jit3A_64, %jit3A_61 : i32
      %rem3A_66 = arith.remsi %add3A_48, %select_n3A_65 : i32
      %ne3A_67 = arith.constant 0 : i32
      %ne3A_68 = arith.cmpi ne, %rem3A_66, %ne3A_67 : i32
      %lt3A_69 = arith.constant 0 : i32
      %lt3A_70 = arith.cmpi slt, %rem3A_66, %lt3A_69 : i32
      %lt3A_71 = arith.constant 0 : i32
      %lt3A_72 = arith.cmpi slt, %select_n3A_65, %lt3A_71 : i32
      %ne3A_73 = arith.xori %lt3A_70, %lt3A_72 : i1
      %and3A_74 = arith.andi %ne3A_73, %ne3A_68 : i1
      %add3A_75 = arith.addi %rem3A_66, %select_n3A_65 : i32
      %select_n3A_76 = arith.select %and3A_74, %add3A_75, %rem3A_66 : i32
      %eq3A_77 = arith.constant 1 : i32
      %eq3A_78 = arith.cmpi eq, %select_n3A_76, %eq3A_77 : i32
      %convert_element_type3A_79 = arith.extui %eq3A_78 : i1 to i32
      %cond3A_80 = arith.constant 0 : i32
      %cond3A_81 = arith.cmpi ne, %convert_element_type3A_79, %cond3A_80 : i32
      scf.if %cond3A_81 {
        %dma_wait3A_103 = arith.constant 0 : i32
        %dma_wait3A_104 = tpu.memref_slice %arg5[%add3A_48, %dma_wait3A_103] : memref<8x32xi32, #tpu.memory_space<vmem>> -> memref<1x32xi32, #tpu.memory_space<vmem>>
        %dma_wait3A_105 = tpu.memref_squeeze %dma_wait3A_104 : memref<1x32xi32, #tpu.memory_space<vmem>> -> memref<32xi32, #tpu.memory_space<vmem>>
        %dma_wait3A_106 = arith.constant 0 : i32
        %dma_wait3A_107 = arith.constant 0 : i32
        %dma_wait3A_108 = tpu.memref_slice %arg2[%dma_wait3A_106, %dma_wait3A_107] : memref<10240x1024xf32, #tpu.memory_space<hbm>> -> memref<10240x1024xf32, #tpu.memory_space<hbm>>
        tpu.wait_indirect_dma semaphore(%arg10 : memref<!tpu.dma_semaphore, #tpu.memory_space<semaphore_mem>>) src(%dma_wait3A_108 : memref<10240x1024xf32, #tpu.memory_space<hbm>>) dst(%arg7 : memref<32x1024xf32, #tpu.memory_space<vmem>>)
        %mul3A_109 = arith.constant 32 : i32
        %mul3A_110 = arith.muli %add3A_48, %mul3A_109 : i32
        %add3A_111 = arith.addi %mul3A_2, %mul3A_110 : i32
        %dma_start3A_112 = arith.constant 0 : i32
        %dma_start3A_113 = tpu.memref_slice %arg4[%add3A_111, %dma_start3A_112] : memref<8192x1024xf32, #tpu.memory_space<hbm>> -> memref<32x1024xf32, #tpu.memory_space<hbm>>
        %dma_start3A_114 = arith.constant 0 : i32
        %dma_start3A_115 = tpu.memref_slice %arg4[%add3A_111, %dma_start3A_114] : memref<8192x1024xf32, #tpu.memory_space<hbm>> -> memref<32x1024xf32, #tpu.memory_space<hbm>>
        tpu.enqueue_dma source(%arg7 : memref<32x1024xf32, #tpu.memory_space<vmem>>) target(%dma_start3A_115 : memref<32x1024xf32, #tpu.memory_space<hbm>>) target_semaphore(%arg13 : memref<!tpu.dma_semaphore, #tpu.memory_space<semaphore_mem>>)
        %add3A_116 = arith.constant 3 : i32
        %add3A_117 = arith.addi %add3A_48, %add3A_116 : i32
        %lt3A_118 = arith.constant 8 : i32
        %lt3A_119 = arith.cmpi slt, %add3A_117, %lt3A_118 : i32
        %convert_element_type3A_120 = arith.extui %lt3A_119 : i1 to i32
        %cond3A_121 = arith.constant 0 : i32
        %cond3A_122 = arith.cmpi ne, %convert_element_type3A_120, %cond3A_121 : i32
        scf.if %cond3A_122 {
          %dma_wait3A_123 = arith.constant 0 : i32
          %dma_wait3A_124 = tpu.memref_slice %arg4[%add3A_111, %dma_wait3A_123] : memref<8192x1024xf32, #tpu.memory_space<hbm>> -> memref<32x1024xf32, #tpu.memory_space<hbm>>
          %dma_wait3A_125 = arith.constant 0 : i32
          %dma_wait3A_126 = tpu.memref_slice %arg4[%add3A_111, %dma_wait3A_125] : memref<8192x1024xf32, #tpu.memory_space<hbm>> -> memref<32x1024xf32, #tpu.memory_space<hbm>>
          tpu.wait_dma2 semaphore(%arg13 : memref<!tpu.dma_semaphore, #tpu.memory_space<semaphore_mem>>) src(%arg7 : memref<32x1024xf32, #tpu.memory_space<vmem>>) dst(%dma_wait3A_126 : memref<32x1024xf32, #tpu.memory_space<hbm>>)
          %add3A_127 = arith.constant 3 : i32
          %add3A_128 = arith.addi %add3A_48, %add3A_127 : i32
          %dma_start3A_129 = arith.constant 0 : i32
          %dma_start3A_130 = tpu.memref_slice %arg5[%add3A_128, %dma_start3A_129] : memref<8x32xi32, #tpu.memory_space<vmem>> -> memref<1x32xi32, #tpu.memory_space<vmem>>
          %dma_start3A_131 = tpu.memref_squeeze %dma_start3A_130 : memref<1x32xi32, #tpu.memory_space<vmem>> -> memref<32xi32, #tpu.memory_space<vmem>>
          %dma_start3A_132 = arith.constant 0 : i32
          %dma_start3A_133 = arith.constant 0 : i32
          %dma_start3A_134 = tpu.memref_slice %arg2[%dma_start3A_132, %dma_start3A_133] : memref<10240x1024xf32, #tpu.memory_space<hbm>> -> memref<10240x1024xf32, #tpu.memory_space<hbm>>
          tpu.enqueue_indirect_dma source(%dma_start3A_134 : memref<10240x1024xf32, #tpu.memory_space<hbm>>) target(%arg7 : memref<32x1024xf32, #tpu.memory_space<vmem>>) offsets(%dma_start3A_131 : memref<32xi32, #tpu.memory_space<vmem>>) semaphore(%arg10 : memref<!tpu.dma_semaphore, #tpu.memory_space<semaphore_mem>>)
        } else {
        }
      } else {
      }
      %jit3A_82 = arith.constant 3 : i32
      %eq3A_83 = arith.constant 0 : i32
      %eq3A_84 = arith.cmpi eq, %jit3A_82, %eq3A_83 : i32
      %jit3A_85 = arith.constant 1 : i32
      %select_n3A_86 = arith.select %eq3A_84, %jit3A_85, %jit3A_82 : i32
      %rem3A_87 = arith.remsi %add3A_48, %select_n3A_86 : i32
      %ne3A_88 = arith.constant 0 : i32
      %ne3A_89 = arith.cmpi ne, %rem3A_87, %ne3A_88 : i32
      %lt3A_90 = arith.constant 0 : i32
      %lt3A_91 = arith.cmpi slt, %rem3A_87, %lt3A_90 : i32
      %lt3A_92 = arith.constant 0 : i32
      %lt3A_93 = arith.cmpi slt, %select_n3A_86, %lt3A_92 : i32
      %ne3A_94 = arith.xori %lt3A_91, %lt3A_93 : i1
      %and3A_95 = arith.andi %ne3A_94, %ne3A_89 : i1
      %add3A_96 = arith.addi %rem3A_87, %select_n3A_86 : i32
      %select_n3A_97 = arith.select %and3A_95, %add3A_96, %rem3A_87 : i32
      %eq3A_98 = arith.constant 2 : i32
      %eq3A_99 = arith.cmpi eq, %select_n3A_97, %eq3A_98 : i32
      %convert_element_type3A_100 = arith.extui %eq3A_99 : i1 to i32
      %cond3A_101 = arith.constant 0 : i32
      %cond3A_102 = arith.cmpi ne, %convert_element_type3A_100, %cond3A_101 : i32
      scf.if %cond3A_102 {
        %dma_wait3A_103 = arith.constant 0 : i32
        %dma_wait3A_104 = tpu.memref_slice %arg5[%add3A_48, %dma_wait3A_103] : memref<8x32xi32, #tpu.memory_space<vmem>> -> memref<1x32xi32, #tpu.memory_space<vmem>>
        %dma_wait3A_105 = tpu.memref_squeeze %dma_wait3A_104 : memref<1x32xi32, #tpu.memory_space<vmem>> -> memref<32xi32, #tpu.memory_space<vmem>>
        %dma_wait3A_106 = arith.constant 0 : i32
        %dma_wait3A_107 = arith.constant 0 : i32
        %dma_wait3A_108 = tpu.memref_slice %arg2[%dma_wait3A_106, %dma_wait3A_107] : memref<10240x1024xf32, #tpu.memory_space<hbm>> -> memref<10240x1024xf32, #tpu.memory_space<hbm>>
        tpu.wait_indirect_dma semaphore(%arg11 : memref<!tpu.dma_semaphore, #tpu.memory_space<semaphore_mem>>) src(%dma_wait3A_108 : memref<10240x1024xf32, #tpu.memory_space<hbm>>) dst(%arg8 : memref<32x1024xf32, #tpu.memory_space<vmem>>)
        %mul3A_109 = arith.constant 32 : i32
        %mul3A_110 = arith.muli %add3A_48, %mul3A_109 : i32
        %add3A_111 = arith.addi %mul3A_2, %mul3A_110 : i32
        %dma_start3A_112 = arith.constant 0 : i32
        %dma_start3A_113 = tpu.memref_slice %arg4[%add3A_111, %dma_start3A_112] : memref<8192x1024xf32, #tpu.memory_space<hbm>> -> memref<32x1024xf32, #tpu.memory_space<hbm>>
        %dma_start3A_114 = arith.constant 0 : i32
        %dma_start3A_115 = tpu.memref_slice %arg4[%add3A_111, %dma_start3A_114] : memref<8192x1024xf32, #tpu.memory_space<hbm>> -> memref<32x1024xf32, #tpu.memory_space<hbm>>
        tpu.enqueue_dma source(%arg8 : memref<32x1024xf32, #tpu.memory_space<vmem>>) target(%dma_start3A_115 : memref<32x1024xf32, #tpu.memory_space<hbm>>) target_semaphore(%arg14 : memref<!tpu.dma_semaphore, #tpu.memory_space<semaphore_mem>>)
        %add3A_116 = arith.constant 3 : i32
        %add3A_117 = arith.addi %add3A_48, %add3A_116 : i32
        %lt3A_118 = arith.constant 8 : i32
        %lt3A_119 = arith.cmpi slt, %add3A_117, %lt3A_118 : i32
        %convert_element_type3A_120 = arith.extui %lt3A_119 : i1 to i32
        %cond3A_121 = arith.constant 0 : i32
        %cond3A_122 = arith.cmpi ne, %convert_element_type3A_120, %cond3A_121 : i32
        scf.if %cond3A_122 {
          %dma_wait3A_123 = arith.constant 0 : i32
          %dma_wait3A_124 = tpu.memref_slice %arg4[%add3A_111, %dma_wait3A_123] : memref<8192x1024xf32, #tpu.memory_space<hbm>> -> memref<32x1024xf32, #tpu.memory_space<hbm>>
          %dma_wait3A_125 = arith.constant 0 : i32
          %dma_wait3A_126 = tpu.memref_slice %arg4[%add3A_111, %dma_wait3A_125] : memref<8192x1024xf32, #tpu.memory_space<hbm>> -> memref<32x1024xf32, #tpu.memory_space<hbm>>
          tpu.wait_dma2 semaphore(%arg14 : memref<!tpu.dma_semaphore, #tpu.memory_space<semaphore_mem>>) src(%arg8 : memref<32x1024xf32, #tpu.memory_space<vmem>>) dst(%dma_wait3A_126 : memref<32x1024xf32, #tpu.memory_space<hbm>>)
          %add3A_127 = arith.constant 3 : i32
          %add3A_128 = arith.addi %add3A_48, %add3A_127 : i32
          %dma_start3A_129 = arith.constant 0 : i32
          %dma_start3A_130 = tpu.memref_slice %arg5[%add3A_128, %dma_start3A_129] : memref<8x32xi32, #tpu.memory_space<vmem>> -> memref<1x32xi32, #tpu.memory_space<vmem>>
          %dma_start3A_131 = tpu.memref_squeeze %dma_start3A_130 : memref<1x32xi32, #tpu.memory_space<vmem>> -> memref<32xi32, #tpu.memory_space<vmem>>
          %dma_start3A_132 = arith.constant 0 : i32
          %dma_start3A_133 = arith.constant 0 : i32
          %dma_start3A_134 = tpu.memref_slice %arg2[%dma_start3A_132, %dma_start3A_133] : memref<10240x1024xf32, #tpu.memory_space<hbm>> -> memref<10240x1024xf32, #tpu.memory_space<hbm>>
          tpu.enqueue_indirect_dma source(%dma_start3A_134 : memref<10240x1024xf32, #tpu.memory_space<hbm>>) target(%arg8 : memref<32x1024xf32, #tpu.memory_space<vmem>>) offsets(%dma_start3A_131 : memref<32xi32, #tpu.memory_space<vmem>>) semaphore(%arg11 : memref<!tpu.dma_semaphore, #tpu.memory_space<semaphore_mem>>)
        } else {
        }
      } else {
      }
    }
    %scan3A_26 = arith.constant 8 : i32
    %add3A_27 = arith.constant 192 : i32
    %add3A_28 = arith.addi %mul3A_2, %add3A_27 : i32
    %dma_wait3A = arith.constant 0 : i32
    %dma_wait3A_29 = tpu.memref_slice %arg4[%add3A_28, %dma_wait3A] : memref<8192x1024xf32, #tpu.memory_space<hbm>> -> memref<32x1024xf32, #tpu.memory_space<hbm>>
    %dma_wait3A_30 = arith.constant 0 : i32
    %dma_wait3A_31 = tpu.memref_slice %arg4[%add3A_28, %dma_wait3A_30] : memref<8192x1024xf32, #tpu.memory_space<hbm>> -> memref<32x1024xf32, #tpu.memory_space<hbm>>
    tpu.wait_dma2 semaphore(%arg12 : memref<!tpu.dma_semaphore, #tpu.memory_space<semaphore_mem>>) src(%arg6 : memref<32x1024xf32, #tpu.memory_space<vmem>>) dst(%dma_wait3A_31 : memref<32x1024xf32, #tpu.memory_space<hbm>>)
    %add3A_32 = arith.constant 224 : i32
    %add3A_33 = arith.addi %mul3A_2, %add3A_32 : i32
    %dma_wait3A_34 = arith.constant 0 : i32
    %dma_wait3A_35 = tpu.memref_slice %arg4[%add3A_33, %dma_wait3A_34] : memref<8192x1024xf32, #tpu.memory_space<hbm>> -> memref<32x1024xf32, #tpu.memory_space<hbm>>
    %dma_wait3A_36 = arith.constant 0 : i32
    %dma_wait3A_37 = tpu.memref_slice %arg4[%add3A_33, %dma_wait3A_36] : memref<8192x1024xf32, #tpu.memory_space<hbm>> -> memref<32x1024xf32, #tpu.memory_space<hbm>>
    tpu.wait_dma2 semaphore(%arg13 : memref<!tpu.dma_semaphore, #tpu.memory_space<semaphore_mem>>) src(%arg7 : memref<32x1024xf32, #tpu.memory_space<vmem>>) dst(%dma_wait3A_37 : memref<32x1024xf32, #tpu.memory_space<hbm>>)
    %add3A_38 = arith.constant 160 : i32
    %add3A_39 = arith.addi %mul3A_2, %add3A_38 : i32
    %dma_wait3A_40 = arith.constant 0 : i32
    %dma_wait3A_41 = tpu.memref_slice %arg4[%add3A_39, %dma_wait3A_40] : memref<8192x1024xf32, #tpu.memory_space<hbm>> -> memref<32x1024xf32, #tpu.memory_space<hbm>>
    %dma_wait3A_42 = arith.constant 0 : i32
    %dma_wait3A_43 = tpu.memref_slice %arg4[%add3A_39, %dma_wait3A_42] : memref<8192x1024xf32, #tpu.memory_space<hbm>> -> memref<32x1024xf32, #tpu.memory_space<hbm>>
    tpu.wait_dma2 semaphore(%arg14 : memref<!tpu.dma_semaphore, #tpu.memory_space<semaphore_mem>>) src(%arg8 : memref<32x1024xf32, #tpu.memory_space<vmem>>) dst(%dma_wait3A_43 : memref<32x1024xf32, #tpu.memory_space<hbm>>)
    return
  }
}

module attributes {stable_mosaic.version = 14 : i64} {
  func.func @_router_body(%arg0: i32, %arg1: memref<512x1024xf32, #tpu.memory_space<vmem>>, %arg2: memref<1024x8xf32, #tpu.memory_space<vmem>>, %arg3: memref<1x8xf32, #tpu.memory_space<vmem>>, %arg4: memref<512x2xi32, #tpu.memory_space<vmem>>, %arg5: memref<512x2xf32, #tpu.memory_space<vmem>>, %arg6: memref<1x1xf32, #tpu.memory_space<vmem>>) attributes {dimension_semantics = [#tpu.dimension_semantics<arbitrary>], iteration_bounds = array<i64: 8>, scalar_prefetch = 0 : i64, scratch_operands = 0 : i64, tpu.core_type = #tpu.core_type<tc>, window_params = [{transform_indices = @transform_0, window_bounds = array<i64: 512, 1024>}, {pipeline_mode = #tpu.pipeline_mode<synchronous>, transform_indices = @transform_1, window_bounds = array<i64: 1024, 8>}, {pipeline_mode = #tpu.pipeline_mode<synchronous>, transform_indices = @transform_2, window_bounds = array<i64: 1, 8>}, {transform_indices = @transform_3, window_bounds = array<i64: 512, 2>}, {transform_indices = @transform_4, window_bounds = array<i64: 512, 2>}, {pipeline_mode = #tpu.pipeline_mode<synchronous>, transform_indices = @transform_5, window_bounds = array<i64: 1, 1>}]} {
    %get3A = arith.constant 0 : index
    %get3A_0 = arith.constant 0 : index
    %get3A_1 = vector.load %arg1[%get3A, %get3A_0] : memref<512x1024xf32, #tpu.memory_space<vmem>>, vector<512x1024xf32>
    %get3A_2 = arith.constant 0 : index
    %get3A_3 = arith.constant 0 : index
    %get3A_4 = vector.load %arg2[%get3A_2, %get3A_3] : memref<1024x8xf32, #tpu.memory_space<vmem>>, vector<1024x8xf32>
    %dot_general3A = arith.constant dense<0.000000e+00> : vector<512x8xf32>
    %dot_general3A_5 = tpu.matmul %get3A_1, %get3A_4, %dot_general3A {dimension_numbers = #tpu.dot_dimension_numbers<[1], [0], [0], [1], [0, 0, 1, 1], [], []>, transpose_lhs_hint = false} : vector<512x1024xf32>, vector<1024x8xf32>, vector<512x8xf32> -> vector<512x8xf32>
    %get3A_6 = arith.constant 0 : index
    %get3A_7 = arith.constant 0 : index
    %get3A_8 = vector.load %arg3[%get3A_6, %get3A_7] : memref<1x8xf32, #tpu.memory_space<vmem>>, vector<1x8xf32>
    %add3A = vector.broadcast %get3A_8 : vector<1x8xf32> to vector<512x8xf32>
    %add3A_9 = arith.addf %dot_general3A_5, %add3A : vector<512x8xf32>
    %iota3A = tpu.iota {dimensions = array<i32: 1>} : vector<512x8xi32>
    %reduce_max3A = arith.constant dense<0xFF800000> : vector<512xf32>
    %reduce_max3A_10 = vector.multi_reduction <maximumf>, %add3A_9, %reduce_max3A [1] : vector<512x8xf32> to vector<512xf32>
    %broadcast_in_dim3A = vector.shape_cast %reduce_max3A_10 : vector<512xf32> to vector<512x1xf32>
    %eq3A = vector.broadcast %broadcast_in_dim3A : vector<512x1xf32> to vector<512x8xf32>
    %eq3A_11 = arith.cmpf oeq, %add3A_9, %eq3A : vector<512x8xf32>
    %jit3A = arith.constant 8 : i32
    %broadcast_in_dim3A_12 = vector.broadcast %jit3A : i32 to vector<512x8xi32>
    %select_n3A = arith.select %eq3A_11, %iota3A, %broadcast_in_dim3A_12 : vector<512x8xi1>, vector<512x8xi32>
    %reduce_min3A = arith.constant dense<2147483647> : vector<512xi32>
    %reduce_min3A_13 = vector.multi_reduction <minsi>, %select_n3A, %reduce_min3A [1] : vector<512x8xi32> to vector<512xi32>
    %broadcast_in_dim3A_14 = vector.shape_cast %reduce_min3A_13 : vector<512xi32> to vector<512x1xi32>
    %eq3A_15 = vector.broadcast %broadcast_in_dim3A_14 : vector<512x1xi32> to vector<512x8xi32>
    %eq3A_16 = arith.cmpi eq, %iota3A, %eq3A_15 : vector<512x8xi32>
    %jit3A_17 = arith.constant 0xFF800000 : f32
    %broadcast_in_dim3A_18 = vector.broadcast %jit3A_17 : f32 to vector<512x8xf32>
    %select_n3A_19 = arith.select %eq3A_16, %broadcast_in_dim3A_18, %add3A_9 : vector<512x8xi1>, vector<512x8xf32>
    %reduce_max3A_20 = arith.constant dense<0xFF800000> : vector<512xf32>
    %reduce_max3A_21 = vector.multi_reduction <maximumf>, %select_n3A_19, %reduce_max3A_20 [1] : vector<512x8xf32> to vector<512xf32>
    %broadcast_in_dim3A_22 = vector.shape_cast %reduce_max3A_21 : vector<512xf32> to vector<512x1xf32>
    %eq3A_23 = vector.broadcast %broadcast_in_dim3A_22 : vector<512x1xf32> to vector<512x8xf32>
    %eq3A_24 = arith.cmpf oeq, %select_n3A_19, %eq3A_23 : vector<512x8xf32>
    %jit3A_25 = arith.constant 8 : i32
    %broadcast_in_dim3A_26 = vector.broadcast %jit3A_25 : i32 to vector<512x8xi32>
    %select_n3A_27 = arith.select %eq3A_24, %iota3A, %broadcast_in_dim3A_26 : vector<512x8xi1>, vector<512x8xi32>
    %reduce_min3A_28 = arith.constant dense<2147483647> : vector<512xi32>
    %reduce_min3A_29 = vector.multi_reduction <minsi>, %select_n3A_27, %reduce_min3A_28 [1] : vector<512x8xi32> to vector<512xi32>
    %broadcast_in_dim3A_30 = vector.shape_cast %reduce_min3A_29 : vector<512xi32> to vector<512x1xi32>
    %sub3A = arith.subf %broadcast_in_dim3A_22, %broadcast_in_dim3A : vector<512x1xf32>
    %exp3A = math.exp %sub3A : vector<512x1xf32>
    %add3A_31 = arith.constant 1.000000e+00 : f32
    %add3A_32 = vector.broadcast %add3A_31 : f32 to vector<512x1xf32>
    %add3A_33 = arith.addf %add3A_32, %exp3A : vector<512x1xf32>
    %concatenate3A = tpu.concatenate %broadcast_in_dim3A_14, %broadcast_in_dim3A_30 in 1 : vector<512x1xi32>, vector<512x1xi32> -> vector<512x2xi32>
    %swap3A = arith.constant 0 : index
    %swap3A_34 = arith.constant 0 : index
    %swap3A_35 = vector.load %arg4[%swap3A, %swap3A_34] : memref<512x2xi32, #tpu.memory_space<vmem>>, vector<512x2xi32>
    tpu.vector_store %arg4[%swap3A, %swap3A_34], %concatenate3A {strides = array<i32>} : memref<512x2xi32, #tpu.memory_space<vmem>>, vector<512x2xi32>,
    %div3A = arith.constant 1.000000e+00 : f32
    %div3A_36 = vector.broadcast %div3A : f32 to vector<512x1xf32>
    %div3A_37 = arith.divf %div3A_36, %add3A_33 : vector<512x1xf32>
    %div3A_38 = arith.divf %exp3A, %add3A_33 : vector<512x1xf32>
    %concatenate3A_39 = tpu.concatenate %div3A_37, %div3A_38 in 1 : vector<512x1xf32>, vector<512x1xf32> -> vector<512x2xf32>
    %swap3A_40 = arith.constant 0 : index
    %swap3A_41 = arith.constant 0 : index
    %swap3A_42 = vector.load %arg5[%swap3A_40, %swap3A_41] : memref<512x2xf32, #tpu.memory_space<vmem>>, vector<512x2xf32>
    tpu.vector_store %arg5[%swap3A_40, %swap3A_41], %concatenate3A_39 {strides = array<i32>} : memref<512x2xf32, #tpu.memory_space<vmem>>, vector<512x2xf32>,
    %log1p3A = math.log1p %exp3A : vector<512x1xf32>
    %add3A_43 = arith.addf %broadcast_in_dim3A, %log1p3A : vector<512x1xf32>
    %eq3A_44 = arith.constant 0 : i32
    %eq3A_45 = arith.cmpi eq, %arg0, %eq3A_44 : i32
    %convert_element_type3A = arith.extui %eq3A_45 : i1 to i32
    %cond3A = arith.constant 0 : i32
    %cond3A_46 = arith.cmpi ne, %convert_element_type3A, %cond3A : i32
    scf.if %cond3A_46 {
      %broadcast_in_dim3A_62 = arith.constant 0.000000e+00 : f32
      %broadcast_in_dim3A_63 = vector.broadcast %broadcast_in_dim3A_62 : f32 to vector<1x1xf32>
      %swap3A_64 = arith.constant 0 : index
      %swap3A_65 = arith.constant 0 : index
      %swap3A_66 = vector.load %arg6[%swap3A_64, %swap3A_65] : memref<1x1xf32, #tpu.memory_space<vmem>>, vector<1x1xf32>
      tpu.vector_store %arg6[%swap3A_64, %swap3A_65], %broadcast_in_dim3A_63 {strides = array<i32>} : memref<1x1xf32, #tpu.memory_space<vmem>>, vector<1x1xf32>,
    } else {
    }
    %get3A_47 = arith.constant 0 : index
    %get3A_48 = arith.constant 0 : index
    %get3A_49 = vector.load %arg6[%get3A_47, %get3A_48] : memref<1x1xf32, #tpu.memory_space<vmem>>, vector<1x1xf32>
    %broadcast_in_dim3A_50 = arith.constant 1.000000e+00 : f32
    %broadcast_in_dim3A_51 = vector.broadcast %broadcast_in_dim3A_50 : f32 to vector<1x1xf32>
    %mul3A = arith.mulf %add3A_43, %add3A_43 : vector<512x1xf32>
    %reduce_sum3A = vector.shape_cast %mul3A : vector<512x1xf32> to vector<1x512x1xf32>
    %reduce_sum3A_52 = arith.constant dense<0.000000e+00> : vector<1xf32>
    %reduce_sum3A_53 = vector.multi_reduction <add>, %reduce_sum3A, %reduce_sum3A_52 [1, 2] : vector<1x512x1xf32> to vector<1xf32>
    %reduce_sum3A_54 = vector.shape_cast %reduce_sum3A_53 : vector<1xf32> to vector<1x1x1xf32>
    %reduce_sum3A_55 = vector.extract %reduce_sum3A_54[0, 0, 0] : f32 from vector<1x1x1xf32>
    %mul3A_56 = vector.broadcast %reduce_sum3A_55 : f32 to vector<1x1xf32>
    %mul3A_57 = arith.mulf %broadcast_in_dim3A_51, %mul3A_56 : vector<1x1xf32>
    %add3A_58 = arith.addf %get3A_49, %mul3A_57 : vector<1x1xf32>
    %swap3A_59 = arith.constant 0 : index
    %swap3A_60 = arith.constant 0 : index
    %swap3A_61 = vector.load %arg6[%swap3A_59, %swap3A_60] : memref<1x1xf32, #tpu.memory_space<vmem>>, vector<1x1xf32>
    tpu.vector_store %arg6[%swap3A_59, %swap3A_60], %add3A_58 {strides = array<i32>} : memref<1x1xf32, #tpu.memory_space<vmem>>, vector<1x1xf32>,
    return
  }
  func.func @transform_0(%arg0: i32) -> (i32, i32) {
    %c0_i32 = arith.constant 0 : i32
    %c0_i32_0 = arith.constant 0 : i32
    return %arg0, %c0_i32 : i32, i32
  }
  func.func @transform_1(%arg0: i32) -> (i32, i32) {
    %c0_i32 = arith.constant 0 : i32
    %c0_i32_0 = arith.constant 0 : i32
    %c0_i32_1 = arith.constant 0 : i32
    return %c0_i32, %c0_i32_0 : i32, i32
  }
  func.func @transform_2(%arg0: i32) -> (i32, i32) {
    %c0_i32 = arith.constant 0 : i32
    %c0_i32_0 = arith.constant 0 : i32
    %c0_i32_1 = arith.constant 0 : i32
    return %c0_i32, %c0_i32_0 : i32, i32
  }
  func.func @transform_3(%arg0: i32) -> (i32, i32) {
    %c0_i32 = arith.constant 0 : i32
    %c0_i32_0 = arith.constant 0 : i32
    return %arg0, %c0_i32 : i32, i32
  }
  func.func @transform_4(%arg0: i32) -> (i32, i32) {
    %c0_i32 = arith.constant 0 : i32
    %c0_i32_0 = arith.constant 0 : i32
    return %arg0, %c0_i32 : i32, i32
  }
  func.func @transform_5(%arg0: i32) -> (i32, i32) {
    %c0_i32 = arith.constant 0 : i32
    %c0_i32_0 = arith.constant 0 : i32
    %c0_i32_1 = arith.constant 0 : i32
    return %c0_i32, %c0_i32_0 : i32, i32
  }
}

module attributes {stable_mosaic.version = 14 : i64} {
  func.func @_cast_body(%arg0: i32, %arg1: memref<1x1024x2048xf32, #tpu.memory_space<vmem>>, %arg2: memref<1x1024x2048xbf16, #tpu.memory_space<vmem>>) attributes {dimension_semantics = [#tpu.dimension_semantics<arbitrary>], iteration_bounds = array<i64: 8>, scalar_prefetch = 0 : i64, scratch_operands = 0 : i64, tpu.core_type = #tpu.core_type<tc>, window_params = [{transform_indices = @transform_0, window_bounds = array<i64: 1, 1024, 2048>}, {transform_indices = @transform_1, window_bounds = array<i64: 1, 1024, 2048>}]} {
    %get3A = arith.constant 0 : index
    %get3A_0 = arith.constant 0 : index
    %get3A_1 = arith.constant 0 : index
    %get3A_2 = vector.load %arg1[%get3A, %get3A_0, %get3A_1] : memref<1x1024x2048xf32, #tpu.memory_space<vmem>>, vector<1x1024x2048xf32>
    %convert_element_type3A = arith.truncf %get3A_2 : vector<1x1024x2048xf32> to vector<1x1024x2048xbf16>
    %swap3A = arith.constant 0 : index
    %swap3A_3 = arith.constant 0 : index
    %swap3A_4 = arith.constant 0 : index
    %swap3A_5 = vector.load %arg2[%swap3A, %swap3A_3, %swap3A_4] : memref<1x1024x2048xbf16, #tpu.memory_space<vmem>>, vector<1x1024x2048xbf16>
    tpu.vector_store %arg2[%swap3A, %swap3A_3, %swap3A_4], %convert_element_type3A {strides = array<i32>} : memref<1x1024x2048xbf16, #tpu.memory_space<vmem>>, vector<1x1024x2048xbf16>,
    return
  }
  func.func @transform_0(%arg0: i32) -> (i32, i32, i32) {
    %c0_i32 = arith.constant 0 : i32
    %c0_i32_0 = arith.constant 0 : i32
    %c0_i32_1 = arith.constant 0 : i32
    return %arg0, %c0_i32, %c0_i32_0 : i32, i32, i32
  }
  func.func @transform_1(%arg0: i32) -> (i32, i32, i32) {
    %c0_i32 = arith.constant 0 : i32
    %c0_i32_0 = arith.constant 0 : i32
    %c0_i32_1 = arith.constant 0 : i32
    return %arg0, %c0_i32, %c0_i32_0 : i32, i32, i32
  }
}

module attributes {stable_mosaic.version = 14 : i64} {
  func.func @_expert_body(%arg0: i32, %arg1: memref<40xi32, #tpu.memory_space<smem>>, %arg2: memref<256x1024xf32, #tpu.memory_space<vmem>>, %arg3: memref<1x1024x2048xbf16, #tpu.memory_space<vmem>>, %arg4: memref<1x1x1024xf32, #tpu.memory_space<vmem>>, %arg5: memref<1x1024x1024xf32, #tpu.memory_space<vmem>>, %arg6: memref<1x1x1024xf32, #tpu.memory_space<vmem>>, %arg7: memref<256x1024xf32, #tpu.memory_space<vmem>>) attributes {dimension_semantics = [#tpu.dimension_semantics<arbitrary>], iteration_bounds = array<i64: 40>, scalar_prefetch = 1 : i64, scratch_operands = 0 : i64, tpu.core_type = #tpu.core_type<tc>, window_params = [{transform_indices = @transform_0, window_bounds = array<i64: 256, 1024>}, {transform_indices = @transform_1, window_bounds = array<i64: 1, 1024, 2048>}, {transform_indices = @transform_2, window_bounds = array<i64: 1, 1, 1024>}, {transform_indices = @transform_3, window_bounds = array<i64: 1, 1024, 1024>}, {transform_indices = @transform_4, window_bounds = array<i64: 1, 1, 1024>}, {transform_indices = @transform_5, window_bounds = array<i64: 256, 1024>}]} {
    %get3A = arith.index_cast %arg0 : i32 to index
    %get3A_0 = memref.load %arg1[%get3A] : memref<40xi32, #tpu.memory_space<smem>>
    %lt3A = arith.constant 8 : i32
    %lt3A_1 = arith.cmpi slt, %get3A_0, %lt3A : i32
    %convert_element_type3A = arith.extui %lt3A_1 : i1 to i32
    %cond3A = arith.constant 0 : i32
    %cond3A_2 = arith.cmpi ne, %convert_element_type3A, %cond3A : i32
    scf.if %cond3A_2 {
      %get3A_3 = arith.constant 0 : index
      %get3A_4 = arith.constant 0 : index
      %get3A_5 = vector.load %arg2[%get3A_3, %get3A_4] : memref<256x1024xf32, #tpu.memory_space<vmem>>, vector<256x1024xf32>
      %convert_element_type3A_6 = arith.truncf %get3A_5 : vector<256x1024xf32> to vector<256x1024xbf16>
      %get3A_7 = arith.constant 0 : index
      %get3A_8 = arith.constant 0 : index
      %get3A_9 = arith.constant 0 : index
      %get3A_10 = vector.load %arg3[%get3A_7, %get3A_8, %get3A_9] : memref<1x1024x2048xbf16, #tpu.memory_space<vmem>>, vector<1x1024x2048xbf16>
      %get3A_11 = vector.shape_cast %get3A_10 : vector<1x1024x2048xbf16> to vector<1024x2048xbf16>
      %dot_general3A = arith.constant dense<0.000000e+00> : vector<256x2048xf32>
      %dot_general3A_12 = tpu.matmul %convert_element_type3A_6, %get3A_11, %dot_general3A {dimension_numbers = #tpu.dot_dimension_numbers<[1], [0], [0], [1], [0, 0, 1, 1], [], []>, transpose_lhs_hint = false} : vector<256x1024xbf16>, vector<1024x2048xbf16>, vector<256x2048xf32> -> vector<256x2048xf32>
      %slice3A = vector.extract_strided_slice %dot_general3A_12 {offsets = [0, 0], sizes = [256, 1024], strides = [1, 1]} : vector<256x2048xf32> to vector<256x1024xf32>
      %slice3A_13 = vector.extract_strided_slice %dot_general3A_12 {offsets = [0, 1024], sizes = [256, 1024], strides = [1, 1]} : vector<256x2048xf32> to vector<256x1024xf32>
      %mul3A = arith.constant 5.000000e-01 : f32
      %mul3A_14 = vector.broadcast %mul3A : f32 to vector<256x1024xf32>
      %mul3A_15 = arith.mulf %mul3A_14, %slice3A : vector<256x1024xf32>
      %mul3A_16 = arith.constant 0.707106769 : f32
      %mul3A_17 = vector.broadcast %mul3A_16 : f32 to vector<256x1024xf32>
      %mul3A_18 = arith.mulf %slice3A, %mul3A_17 : vector<256x1024xf32>
      %erf3A = math.erf %mul3A_18 : vector<256x1024xf32>
      %add3A = arith.constant 1.000000e+00 : f32
      %add3A_19 = vector.broadcast %add3A : f32 to vector<256x1024xf32>
      %add3A_20 = arith.addf %add3A_19, %erf3A : vector<256x1024xf32>
      %mul3A_21 = arith.mulf %mul3A_15, %add3A_20 : vector<256x1024xf32>
      %mul3A_22 = arith.mulf %mul3A_21, %slice3A_13 : vector<256x1024xf32>
      %get3A_23 = arith.constant 0 : index
      %get3A_24 = arith.constant 0 : index
      %get3A_25 = arith.constant 0 : index
      %get3A_26 = vector.load %arg4[%get3A_23, %get3A_24, %get3A_25] : memref<1x1x1024xf32, #tpu.memory_space<vmem>>, vector<1x1x1024xf32>
      %get3A_27 = vector.shape_cast %get3A_26 : vector<1x1x1024xf32> to vector<1x1024xf32>
      %mul3A_28 = vector.broadcast %get3A_27 : vector<1x1024xf32> to vector<256x1024xf32>
      %mul3A_29 = arith.mulf %mul3A_22, %mul3A_28 : vector<256x1024xf32>
      %get3A_30 = arith.constant 0 : index
      %get3A_31 = arith.constant 0 : index
      %get3A_32 = arith.constant 0 : index
      %get3A_33 = vector.load %arg5[%get3A_30, %get3A_31, %get3A_32] : memref<1x1024x1024xf32, #tpu.memory_space<vmem>>, vector<1x1024x1024xf32>
      %get3A_34 = vector.shape_cast %get3A_33 : vector<1x1024x1024xf32> to vector<1024x1024xf32>
      %dot_general3A_35 = arith.constant dense<0.000000e+00> : vector<256x1024xf32>
      %dot_general3A_36 = tpu.matmul %mul3A_29, %get3A_34, %dot_general3A_35 {dimension_numbers = #tpu.dot_dimension_numbers<[1], [0], [0], [1], [0, 0, 1, 1], [], []>, transpose_lhs_hint = false} : vector<256x1024xf32>, vector<1024x1024xf32>, vector<256x1024xf32> -> vector<256x1024xf32>
      %get3A_37 = arith.constant 0 : index
      %get3A_38 = arith.constant 0 : index
      %get3A_39 = arith.constant 0 : index
      %get3A_40 = vector.load %arg6[%get3A_37, %get3A_38, %get3A_39] : memref<1x1x1024xf32, #tpu.memory_space<vmem>>, vector<1x1x1024xf32>
      %get3A_41 = vector.shape_cast %get3A_40 : vector<1x1x1024xf32> to vector<1x1024xf32>
      %add3A_42 = vector.broadcast %get3A_41 : vector<1x1024xf32> to vector<256x1024xf32>
      %add3A_43 = arith.addf %dot_general3A_36, %add3A_42 : vector<256x1024xf32>
      %swap3A = arith.constant 0 : index
      %swap3A_44 = arith.constant 0 : index
      %swap3A_45 = vector.load %arg7[%swap3A, %swap3A_44] : memref<256x1024xf32, #tpu.memory_space<vmem>>, vector<256x1024xf32>
      tpu.vector_store %arg7[%swap3A, %swap3A_44], %add3A_43 {strides = array<i32>} : memref<256x1024xf32, #tpu.memory_space<vmem>>, vector<256x1024xf32>,
    } else {
    }
    return
  }
  func.func @transform_0(%arg0: i32, %arg1: memref<40xi32, #tpu.memory_space<smem>>) -> (i32, i32) {
    %c0_i32 = arith.constant 0 : i32
    %c0_i32_0 = arith.constant 0 : i32
    return %arg0, %c0_i32 : i32, i32
  }
  func.func @transform_1(%arg0: i32, %arg1: memref<40xi32, #tpu.memory_space<smem>>) -> (i32, i32, i32) {
    %get3A = arith.index_cast %arg0 : i32 to index
    %get3A_0 = memref.load %arg1[%get3A] : memref<40xi32, #tpu.memory_space<smem>>
    %jit3A = arith.constant 8 : i32
    %eq3A = arith.constant 0 : i32
    %eq3A_1 = arith.cmpi eq, %jit3A, %eq3A : i32
    %jit3A_2 = arith.constant 1 : i32
    %select_n3A = arith.select %eq3A_1, %jit3A_2, %jit3A : i32
    %rem3A = arith.remsi %get3A_0, %select_n3A : i32
    %ne3A = arith.constant 0 : i32
    %ne3A_3 = arith.cmpi ne, %rem3A, %ne3A : i32
    %lt3A = arith.constant 0 : i32
    %lt3A_4 = arith.cmpi slt, %rem3A, %lt3A : i32
    %lt3A_5 = arith.constant 0 : i32
    %lt3A_6 = arith.cmpi slt, %select_n3A, %lt3A_5 : i32
    %ne3A_7 = arith.xori %lt3A_4, %lt3A_6 : i1
    %and3A = arith.andi %ne3A_7, %ne3A_3 : i1
    %add3A = arith.addi %rem3A, %select_n3A : i32
    %select_n3A_8 = arith.select %and3A, %add3A, %rem3A : i32
    %c0_i32 = arith.constant 0 : i32
    %c0_i32_9 = arith.constant 0 : i32
    %c0_i32_10 = arith.constant 0 : i32
    return %select_n3A_8, %c0_i32, %c0_i32_9 : i32, i32, i32
  }
  func.func @transform_2(%arg0: i32, %arg1: memref<40xi32, #tpu.memory_space<smem>>) -> (i32, i32, i32) {
    %get3A = arith.index_cast %arg0 : i32 to index
    %get3A_0 = memref.load %arg1[%get3A] : memref<40xi32, #tpu.memory_space<smem>>
    %jit3A = arith.constant 8 : i32
    %eq3A = arith.constant 0 : i32
    %eq3A_1 = arith.cmpi eq, %jit3A, %eq3A : i32
    %jit3A_2 = arith.constant 1 : i32
    %select_n3A = arith.select %eq3A_1, %jit3A_2, %jit3A : i32
    %rem3A = arith.remsi %get3A_0, %select_n3A : i32
    %ne3A = arith.constant 0 : i32
    %ne3A_3 = arith.cmpi ne, %rem3A, %ne3A : i32
    %lt3A = arith.constant 0 : i32
    %lt3A_4 = arith.cmpi slt, %rem3A, %lt3A : i32
    %lt3A_5 = arith.constant 0 : i32
    %lt3A_6 = arith.cmpi slt, %select_n3A, %lt3A_5 : i32
    %ne3A_7 = arith.xori %lt3A_4, %lt3A_6 : i1
    %and3A = arith.andi %ne3A_7, %ne3A_3 : i1
    %add3A = arith.addi %rem3A, %select_n3A : i32
    %select_n3A_8 = arith.select %and3A, %add3A, %rem3A : i32
    %c0_i32 = arith.constant 0 : i32
    %c0_i32_9 = arith.constant 0 : i32
    %c0_i32_10 = arith.constant 0 : i32
    return %select_n3A_8, %c0_i32, %c0_i32_9 : i32, i32, i32
  }
  func.func @transform_3(%arg0: i32, %arg1: memref<40xi32, #tpu.memory_space<smem>>) -> (i32, i32, i32) {
    %get3A = arith.index_cast %arg0 : i32 to index
    %get3A_0 = memref.load %arg1[%get3A] : memref<40xi32, #tpu.memory_space<smem>>
    %jit3A = arith.constant 8 : i32
    %eq3A = arith.constant 0 : i32
    %eq3A_1 = arith.cmpi eq, %jit3A, %eq3A : i32
    %jit3A_2 = arith.constant 1 : i32
    %select_n3A = arith.select %eq3A_1, %jit3A_2, %jit3A : i32
    %rem3A = arith.remsi %get3A_0, %select_n3A : i32
    %ne3A = arith.constant 0 : i32
    %ne3A_3 = arith.cmpi ne, %rem3A, %ne3A : i32
    %lt3A = arith.constant 0 : i32
    %lt3A_4 = arith.cmpi slt, %rem3A, %lt3A : i32
    %lt3A_5 = arith.constant 0 : i32
    %lt3A_6 = arith.cmpi slt, %select_n3A, %lt3A_5 : i32
    %ne3A_7 = arith.xori %lt3A_4, %lt3A_6 : i1
    %and3A = arith.andi %ne3A_7, %ne3A_3 : i1
    %add3A = arith.addi %rem3A, %select_n3A : i32
    %select_n3A_8 = arith.select %and3A, %add3A, %rem3A : i32
    %c0_i32 = arith.constant 0 : i32
    %c0_i32_9 = arith.constant 0 : i32
    %c0_i32_10 = arith.constant 0 : i32
    return %select_n3A_8, %c0_i32, %c0_i32_9 : i32, i32, i32
  }
  func.func @transform_4(%arg0: i32, %arg1: memref<40xi32, #tpu.memory_space<smem>>) -> (i32, i32, i32) {
    %get3A = arith.index_cast %arg0 : i32 to index
    %get3A_0 = memref.load %arg1[%get3A] : memref<40xi32, #tpu.memory_space<smem>>
    %jit3A = arith.constant 8 : i32
    %eq3A = arith.constant 0 : i32
    %eq3A_1 = arith.cmpi eq, %jit3A, %eq3A : i32
    %jit3A_2 = arith.constant 1 : i32
    %select_n3A = arith.select %eq3A_1, %jit3A_2, %jit3A : i32
    %rem3A = arith.remsi %get3A_0, %select_n3A : i32
    %ne3A = arith.constant 0 : i32
    %ne3A_3 = arith.cmpi ne, %rem3A, %ne3A : i32
    %lt3A = arith.constant 0 : i32
    %lt3A_4 = arith.cmpi slt, %rem3A, %lt3A : i32
    %lt3A_5 = arith.constant 0 : i32
    %lt3A_6 = arith.cmpi slt, %select_n3A, %lt3A_5 : i32
    %ne3A_7 = arith.xori %lt3A_4, %lt3A_6 : i1
    %and3A = arith.andi %ne3A_7, %ne3A_3 : i1
    %add3A = arith.addi %rem3A, %select_n3A : i32
    %select_n3A_8 = arith.select %and3A, %add3A, %rem3A : i32
    %c0_i32 = arith.constant 0 : i32
    %c0_i32_9 = arith.constant 0 : i32
    %c0_i32_10 = arith.constant 0 : i32
    return %select_n3A_8, %c0_i32, %c0_i32_9 : i32, i32, i32
  }
  func.func @transform_5(%arg0: i32, %arg1: memref<40xi32, #tpu.memory_space<smem>>) -> (i32, i32) {
    %c0_i32 = arith.constant 0 : i32
    %c0_i32_0 = arith.constant 0 : i32
    return %arg0, %c0_i32 : i32, i32
  }
}

module attributes {stable_mosaic.version = 14 : i64} {
  func.func @_combine_body(%arg0: i32, %arg1: memref<512x1024xf32, #tpu.memory_space<vmem>>, %arg2: memref<512x1024xf32, #tpu.memory_space<vmem>>, %arg3: memref<512x2xf32, #tpu.memory_space<vmem>>, %arg4: memref<512x1024xf32, #tpu.memory_space<vmem>>) attributes {dimension_semantics = [#tpu.dimension_semantics<arbitrary>], iteration_bounds = array<i64: 8>, scalar_prefetch = 0 : i64, scratch_operands = 0 : i64, tpu.core_type = #tpu.core_type<tc>, window_params = [{transform_indices = @transform_0, window_bounds = array<i64: 512, 1024>}, {transform_indices = @transform_1, window_bounds = array<i64: 512, 1024>}, {transform_indices = @transform_2, window_bounds = array<i64: 512, 2>}, {transform_indices = @transform_3, window_bounds = array<i64: 512, 1024>}]} {
    %get3A = arith.constant 0 : index
    %get3A_0 = arith.constant 0 : index
    %get3A_1 = vector.load %arg3[%get3A, %get3A_0] : memref<512x2xf32, #tpu.memory_space<vmem>>, vector<512x2xf32>
    %slice3A = vector.extract_strided_slice %get3A_1 {offsets = [0, 0], sizes = [512, 1], strides = [1, 1]} : vector<512x2xf32> to vector<512x1xf32>
    %get3A_2 = arith.constant 0 : index
    %get3A_3 = arith.constant 0 : index
    %get3A_4 = vector.load %arg1[%get3A_2, %get3A_3] : memref<512x1024xf32, #tpu.memory_space<vmem>>, vector<512x1024xf32>
    %mul3A = vector.broadcast %slice3A : vector<512x1xf32> to vector<512x1024xf32>
    %mul3A_5 = arith.mulf %mul3A, %get3A_4 : vector<512x1024xf32>
    %slice3A_6 = vector.extract_strided_slice %get3A_1 {offsets = [0, 1], sizes = [512, 1], strides = [1, 1]} : vector<512x2xf32> to vector<512x1xf32>
    %get3A_7 = arith.constant 0 : index
    %get3A_8 = arith.constant 0 : index
    %get3A_9 = vector.load %arg2[%get3A_7, %get3A_8] : memref<512x1024xf32, #tpu.memory_space<vmem>>, vector<512x1024xf32>
    %mul3A_10 = vector.broadcast %slice3A_6 : vector<512x1xf32> to vector<512x1024xf32>
    %mul3A_11 = arith.mulf %mul3A_10, %get3A_9 : vector<512x1024xf32>
    %add3A = arith.addf %mul3A_5, %mul3A_11 : vector<512x1024xf32>
    %swap3A = arith.constant 0 : index
    %swap3A_12 = arith.constant 0 : index
    %swap3A_13 = vector.load %arg4[%swap3A, %swap3A_12] : memref<512x1024xf32, #tpu.memory_space<vmem>>, vector<512x1024xf32>
    tpu.vector_store %arg4[%swap3A, %swap3A_12], %add3A {strides = array<i32>} : memref<512x1024xf32, #tpu.memory_space<vmem>>, vector<512x1024xf32>,
    return
  }
  func.func @transform_0(%arg0: i32) -> (i32, i32) {
    %c0_i32 = arith.constant 0 : i32
    %c0_i32_0 = arith.constant 0 : i32
    return %arg0, %c0_i32 : i32, i32
  }
  func.func @transform_1(%arg0: i32) -> (i32, i32) {
    %add3A = arith.constant 8 : i32
    %add3A_0 = arith.addi %add3A, %arg0 : i32
    %c0_i32 = arith.constant 0 : i32
    %c0_i32_1 = arith.constant 0 : i32
    return %add3A_0, %c0_i32 : i32, i32
  }
  func.func @transform_2(%arg0: i32) -> (i32, i32) {
    %c0_i32 = arith.constant 0 : i32
    %c0_i32_0 = arith.constant 0 : i32
    return %arg0, %c0_i32 : i32, i32
  }
  func.func @transform_3(%arg0: i32) -> (i32, i32) {
    %c0_i32 = arith.constant 0 : i32
    %c0_i32_0 = arith.constant 0 : i32
    return %arg0, %c0_i32 : i32, i32
  }
}

</mosaic_0001>

<sc_bundles>
// kernel: kernel.12.cloned.1.call-start
scs
__scs_entry_jumppad:
0x0: {  	(pc) =	sbr.rel $0x88, $3  }
0x1: {  	(tag) =	ssettag $0x0;
	lr =	simm.s32 $0x1  }
0x2: {  	[smem:$0x3F9A] =	sst lr;
	_ =	strace $0xD0000000  }
0x3: {  	_ = 	snop  }
0x4: {  	_ = 	snop  }
0x5: {  	_ = 	snop  }
0x6: {  	_ = 	snop  }
0x7: {  	_ = 	snop  }
__scs_overlays_trampoline_lowered:
0x8: {  	[smem:$0x3FA9] =	sst s0  }
0x9: {  	[smem:$0x3FAA] =	sst s1  }
0xa: {  	[smem:$0x3FAB] =	sst s2  }
0xb: {  	[smem:$0x3FAC] =	sst s3  }
0xc: {  	[smem:$0x3FAD] =	sst s4  }
0xd: {  	[smem:$0x3FAE] =	sst s5  }
0xe: {  	[smem:$0x3FAF] =	sst s6  }
0xf: {  	[smem:$0x3FB0] =	sst s7  }
0x10: {  	[smem:$0x3FB1] =	sst s8  }
0x11: {  	[smem:$0x3FB2] =	sst s9;
	s0 =	simm.s32 @!p0 $0x0  }
0x12: {  	s1 =	sld [smem:$0x3F98];
	s0 =	simm.s32 @p0 $0x1  }
0x13: {  	[smem:$0x3FB3] =	sst s0;
	s0 =	simm.s32 @!p1 $0x0  }
0x14: {  	s2 =	sld [smem:$0x3F97];
	s0 =	simm.s32 @p1 $0x1  }
0x15: {  	[smem:$0x3FB4] =	sst s0;
	s0 =	simm.s32 @!p2 $0x0  }
0x16: {  	s3 =	sld [smem:$0x3FDB];
	s0 =	simm.s32 @p2 $0x1  }
0x17: {  	s4 =	simm.s32 $0x1BF5;
	[smem:$0x3FB6] =	sst s0  }
0x18: {  	s0 =	sld [smem:$0x3F99];
	_ =	swait.ge [sflag:s4], $0x0  }
0x19: {  	s7 =	sld [smem:$0x3F9A]  }
0x1a: {  	s8 =	sadd.s32 $0xFFFFE003, lr  }
0x1b: {  	s9 =	sadd.s32 $0xFFFFFEF7, lr;
	s5 =	simm.s32 $0xFFFFFFFF;
	p2 =	slt.u32 s8, $0xFFFFF086  }
0x1c: {  	p1 =	slt.u32 s9, $0xF7A;
	s5 =	simm.s32 @!p2 $0x0  }
0x1d: {  	s5 =	simm.s32 @p1 $0x1;
	p0 =	seq.s32 s7, s2  }
0x1e: {  	s7 =	smul.u32 @!p0 $0xF7A, s2;
	p2 =	seq.s32 @!p0 s5, $0x0  }
0x1f: {  	s9 =	smul.u32 $0xF7A, s1;
	s8 =	simm.s32 @!p0 $0x1BF5;
	p2 =	por !p2, p0  }
0x20: {  	[sflag:s8] =	ssyncset.s32 @!p0 $0xFFFFF086;
	s6 =	sadd.s32 @!p0 s3, s7;
	s7 =	simm.s32 @!p0 $0x108  }
0x21: {  	s3 =	sadd.s32 s3, s9;
	s6 =	sadd.s32 @!p0 $0x88, s6;
	s7 =	simm.s32 @p2 $0x1082  }
0x22: {  	[simem:s7], [sflag:s8] =	dma.local @!p0 [hbm:s6], $0xF7A  }
0x23: {  	s9 =	sor.u32 $0xD0000000, s2;
	s6 =	simm.s32 $0x108;
	_ =	swait.ge @!p0 [sflag:s8], $0x0  }
0x24: {  	s3 =	sadd.s32 $0x88, s3;
	s6 =	simm.s32 @!p1 $0x1082;
	[sflag:s4] =	ssyncset.s32 $0xFFFFF086  }
0x25: {  	[simem:s6], [sflag:s4] =	dma.local [hbm:s3], $0xF7A  }
0x26: {  	[smem:$0x3F9A] =	sst s1;
	(tag) =	ssettag s2;
	_ =	strace s9  }
0x27: {  	s1 =	sld [smem:$0x3FAA]  }
0x28: {  	s2 =	sld [smem:$0x3FAB]  }
0x29: {  	s4 =	sld [smem:$0x3FAD]  }
0x2a: {  	p0 =	seq.s32 s5, $0x0;
	s5 =	sld [smem:$0x3FAE]  }
0x2b: {  	s6 =	sld [smem:$0x3FAF]  }
0x2c: {  	s7 =	sld [smem:$0x3FB0]  }
0x2d: {  	s3 =	simm.s32 $0x108;
	s8 =	sld [smem:$0x3FB1]  }
0x2e: {  	s3 =	simm.s32 @!p0 $0x1082;
	s9 =	sld [smem:$0x3FB2]  }
0x2f: {  	lr =	sadd.s32 s0, s3;
	s0 =	sld [smem:$0x3FA9]  }
0x30: {  	s3 =	sld [smem:$0x3FAC]  }
0x31: {  	[smem:$0x3FB5] =	sst s10  }
0x32: {  	s10 =	sld [smem:$0x3FB3];
	_ =	sdelay $0x3  }
0x33: {  	p0 =	seq.s32 s10, $0x1;
	s10 =	sld [smem:$0x3FB5];
	_ =	sdelay $0x3  }
0x34: {  	[smem:$0x3FB5] =	sst s10  }
0x35: {  	s10 =	sld [smem:$0x3FB4];
	_ =	sdelay $0x3  }
0x36: {  	p1 =	seq.s32 s10, $0x1;
	s10 =	sld [smem:$0x3FB5];
	_ =	sdelay $0x3  }
0x37: {  	[smem:$0x3FB5] =	sst s10  }
0x38: {  	s10 =	sld [smem:$0x3FB6]  }
0x39: {  	_ = 	snop;
	(pc) =	sbr.ind lr, $3  }
0x3a: {  	_ = 	snop  }
0x3b: {  	_ = 	snop  }
0x3c: {  	p2 =	seq.s32 s10, $0x1;
	s10 =	sld [smem:$0x3FB5]  }
0x3d: {  	_ =	shalt  }
0x3e: {  	_ =	shalt  }
0x3f: {  	_ =	shalt  }
0x40: {  	_ =	shalt  }
0x41: {  	_ =	shalt  }
0x42: {  	_ =	shalt  }
0x43: {  	_ =	shalt  }
0x44: {  	_ =	shalt  }
0x45: {  	_ =	shalt  }
0x46: {  	_ =	shalt  }
0x47: {  	_ =	shalt  }
0x48: {  	_ =	shalt  }
0x49: {  	_ =	shalt  }
0x4a: {  	_ =	shalt  }
0x4b: {  	_ =	shalt  }
0x4c: {  	_ =	shalt  }
0x4d: {  	_ =	shalt  }
0x4e: {  	_ =	shalt  }
0x4f: {  	_ =	shalt  }
0x50: {  	_ =	shalt  }
0x51: {  	_ =	shalt  }
0x52: {  	_ =	shalt  }
0x53: {  	_ =	shalt  }
0x54: {  	_ =	shalt  }
0x55: {  	_ =	shalt  }
0x56: {  	_ =	shalt  }
0x57: {  	_ =	shalt  }
0x58: {  	_ =	shalt  }
0x59: {  	_ =	shalt  }
0x5a: {  	_ =	shalt  }
0x5b: {  	_ =	shalt  }
0x5c: {  	_ =	shalt  }
0x5d: {  	_ =	shalt  }
0x5e: {  	_ =	shalt  }
0x5f: {  	_ =	shalt  }
0x60: {  	_ =	shalt  }
0x61: {  	_ =	shalt  }
0x62: {  	_ =	shalt  }
0x63: {  	_ =	shalt  }
0x64: {  	_ =	shalt  }
0x65: {  	_ =	shalt  }
0x66: {  	_ =	shalt  }
0x67: {  	_ =	shalt  }
0x68: {  	_ =	shalt  }
0x69: {  	_ =	shalt  }
0x6a: {  	_ =	shalt  }
0x6b: {  	_ =	shalt  }
0x6c: {  	_ =	shalt  }
0x6d: {  	_ =	shalt  }
0x6e: {  	_ =	shalt  }
0x6f: {  	_ =	shalt  }
0x70: {  	_ =	shalt  }
0x71: {  	_ =	shalt  }
0x72: {  	_ =	shalt  }
0x73: {  	_ =	shalt  }
0x74: {  	_ =	shalt  }
0x75: {  	_ =	shalt  }
0x76: {  	_ =	shalt  }
0x77: {  	_ =	shalt  }
0x78: {  	_ =	shalt  }
0x79: {  	_ =	shalt  }
0x7a: {  	_ =	shalt  }
0x7b: {  	_ =	shalt  }
0x7c: {  	_ =	shalt  }
0x7d: {  	_ =	shalt  }
0x7e: {  	_ =	shalt  }
0x7f: {  	_ =	shalt  }
0x80: {  	_ =	shalt  }
0x81: {  	_ =	shalt  }
0x82: {  	_ =	shalt  }
0x83: {  	_ =	shalt  }
0x84: {  	_ =	shalt  }
0x85: {  	_ =	shalt  }
0x86: {  	_ =	shalt  }
0x87: {  	_ =	shalt  }
.Lfunc_end0:
.L_simem_size_0:
called_computation.1_lowered:
.L_overlay_start_0:
0x88: {  	s2 =	sld [smem:$0x3FD9]  }
0x89: {  	s3 =	sld [smem:$0x3FFE];
	_ =	sdelay $0x1  }
0x8a: {  	s1 =	srdreg.scid  }
0x8b: {  	s0 =	sand.u32 $0x1, s1  }
0x8c: {  	s17 =	sshll.u32 s0, $0xA;
	s2 =	sadd.s32 s3, s2  }
0x8d: {  	s2 =	sadd.s32 s2, s17  }
0x8e: {  	[smem:$0x3FC1] =	sst s2  }
0x8f: {  	_ = 	snop  }
0x90: {  	s2 =	sld [smem:$0x3FC9];
	(tm) =	ssettm $0x1  }
0x91: {  	s18 =	sld [smem:$0x3FFB];
	_ =	sdelay $0x3  }
0x92: {  	_ =	strace s18  }
0x93: {  	s3 =	sld [smem:$0x3FFC];
	_ =	sdelay $0x3  }
0x94: {  	_ =	strace s3  }
0x95: {  	s3 =	sld [smem:$0x3FFD];
	_ =	sdelay $0x3  }
0x96: {  	_ =	strace s3  }
0x97: {  	_ =	strace $0x8FFFFFFF  }
0x98: {  	s19 =	sld [smem:$0x3FDB];
	_ =	sdelay $0x1  }
0x99: {  	s4 =	simm.s32 $_scs_section_size  }
0x9a: {  	s5 =	simm.s32 $_size__tile_overlayer_lowered;
	s6 =	simm.s32 $_tile_overlayer_lowered  }
0x9b: {  	s22 =	simm.s32 $0x1BFF;
	s21 =	sshll.u32 s6, $0x1;
	s3 =	sadd.s32 s4, s19  }
0x9c: {  	s7 =	simm.s32 $0x0;
	s20 =	sshll.u32 s5, $0x1;
	s5 =	sadd.s32 s21, s3  }
0x9d: {  	[timem:s7], [sflag:s22] =	dma.local [hbm:s5], s20  }
0x9e: {  	_ =	swait.ge [sflag:s22], s20  }
0x9f: {  	s4 =	ssub.s32 $0x0, s20;
	[sflag:s22] =	ssyncset.done $0x0  }
0xa0: {  	[sflag:s22] =	ssyncadd.s32 s4;
	_ =	sdelay $0x1  }
0xa1: {  	s23 =	simm.s32 $0x1B8B  }
0xa2: {  	_ =	swait.ge [sflag:s23], $0x1  }
0xa3: {  	[sflag:s23] =	ssyncset.done $0x0  }
0xa4: {  	s25 =	simm.s32 $0x1B8E;
	s24 =	sld [smem:$0x3FFE];
	[sflag:s23] =	ssyncadd.s32 $0xFFFFFFFF  }
0xa5: {  	s26 =	simm.s32 $execute0_lowered;
	[smem:$0x3FD2] =	sst s25  }
0xa6: {  	s5 =	sshll.u32 s26, $0x1;
	_ =	strace $0x80000049;
	[dreg:$0x1] =	wrdreg $0xFFFFFFFF  }
0xa7: {  	s28 =	simm.s32 $_size_execute0_lowered;
	s3 =	sadd.s32 s3, s5;
	[dreg:$0x0] =	wrdreg $0x0  }
0xa8: {  	s5 =	sshll.u32 s28, $0x1;
	[dreg:$0x2] =	wrdreg s3  }
0xa9: {  	[dreg:$0x3] =	wrdreg s5  }
0xaa: {  	[dreg:$0x4] =	wrdreg $0xC0  }
0xab: {  	_ =	task [dreg:s7], $0x5FFFF  }
0xac: {  	[dreg:$0x1] =	wrdreg $0xFFFFFFFF  }
0xad: {  	[dreg:$0x0] =	wrdreg $0x60  }
0xae: {  	[dreg:$0x2] =	wrdreg s2  }
0xaf: {  	[dreg:$0x3] =	wrdreg s24  }
0xb0: {  	[dreg:$0x4] =	wrdreg $0x9  }
0xb1: {  	_ =	task.clear_ibuf [dreg:s7], $0x5FFFF;
	_ =	strace $0x90000049  }
0xb2: {  	s29 =	simm.s32 $0x9;
	_ =	strace $0x8000004B  }
0xb3: {  	_ =	swait.ge [sflag:s29], $0x1  }
0xb4: {  	[sflag:s29] =	ssyncadd.s32 $0xFFFFFFFF  }
0xb5: {  	_ =	strace $0x9000004B  }
0xb6: {  	_ =	sfence  }
0xb7: {  	s30 =	sld [smem:$0x0];
	_ =	sdelay $0x2  }
0xb8: {  	s31 =	sshll.u32 s1, $0xD;
	s1 =	sshrl.u32 s1, $0x2  }
0xb9: {  	s3 =	sand.u32 $0x4000, s31;
	s1 =	sadd.s32 s1, s30  }
0xba: {  	s0 =	sor.u32 s3, s0;
	s1 =	sshll.u32 s1, $0x11  }
0xbb: {  	s0 =	sor.u32 s1, s0  }
0xbc: {  	s0 =	sadd.s32 $0x8F2B, s0  }
0xbd: {  	[sflag:s0] =	ssyncadd.remote.s32 $0x1  }
0xbe: {  	_ =	sfence.sel $0xFFFF  }
0xbf: {  	[dreg:$0x0] =	wrdreg $0xFFFFFFFF;
	(pc) =	sbr.abs _section_cstart, $3  }
0xc0: {  	[dreg:$0x1] =	wrdreg $0xFFFFFFFF  }
0xc1: {  	_ =	task.clear_ibuf [dreg:s7], $0x2FFFF;
	_ =	strace $0x9FFFFFFF  }
0xc2: {  	(tm) =	ssettm $0x7FFFFFFF  }
0xc3: {  	_ =	shalt  }
tec
execute0_lowered:
.L_overlay_start_1:
0x0: {  	(tag) =	ssettag $0x1  }
0x1: {  	s1 =	rddreg [dreg:$0x0]  }
0x2: {  	s0 =	rddreg [dreg:$0x1];
	s2 =	srdreg.scid  }
0x3: {  	s3 =	simm.s32 $0x0;
	s6 =	stileid.u32;
	s11 =	simm.s32 $0x400  }
0x4: {  	s9 =	simm.s32 $0x18400;
	s10 =	simm.s32 $0x18C00;
	s12 =	simm.s32 $0x19400  }
0x5: {  	s13 =	simm.s32 $0x19C00;
	s14 =	simm.s32 $0x1A400;
	s15 =	simm.s32 $0x1AC00  }
0x6: {  	s16 =	simm.s32 $0x1B400;
	s17 =	simm.s32 $0x1BC00;
	s18 =	simm.s32 $0x1C400  }
0x7: {  	s19 =	simm.s32 $0x1CC00;
	s20 =	simm.s32 $0x1D400;
	s21 =	simm.s32 $0x1DC00  }
0x8: {  	s22 =	simm.s32 $0x3;
	s23 =	simm.s32 $0x6;
	s24 =	simm.s32 $0x4  }
0x9: {  	s28 =	simm.s32 $0x2;
	s29 =	simm.s32 $0x1;
	s30 =	simm.s32 $0x0  }
0xa: {  	s2 =	sand.u32 $0x1, s2;
	[smem:$0x7FF] =	sst s3;
	s4 =	sshll.u32 s6, $0x8  }
0xb: {  	s25 =	smul.u32 $0x14000, s6;
	s6 =	sadd.s32 $0x200, s1;
	s5 =	sshll.u32 s2, $0x7  }
0xc: {  	s26 =	ssub.s32 $0x2, s2;
	_ =	strace $0x8000004A;
	s2 =	smul.u32 $0xA000, s2  }
0xd: {  	s4 =	sor.u32 s5, s4;
	s7 =	sshrl.u32 s26, $0x1;
	s5 =	sadd.s32 $0x100, s1  }
.Ltmp0:
0xe: {  	s4 =	sadd.s32 s4, s0;
	s0 =	sadd.s32 s25, s0;
	(pc) =	sbr.rel .LBB2_1-.Ltmp0, $4  }
0xf: {  	s8 =	ssub.s32 s26, s7;
	s7 =	sadd.s32 $0x300, s1;
	s4 =	sadd.s32 $0xE00, s4  }
0x10: {  	v2 =	vlaneseq.u32;
	s31 =	smax.u32 s8, $0x1;
	s0 =	sadd.s32 s2, s0;
	[dreg:$0x3] =	wrdreg s4  }
0x11: {  	vm0 =	vmmov $0xffff;
	v1 =	vshrl.u32 v2, $0x3;
	s26 =	simm.s32 $0x14400;
	[dreg:$0x4] =	wrdreg s31;
	s0 =	sadd.s32 $0x1E00, s0  }
0x12: {  	v0 =	vand.u32 $0x7, v2;
	v2 =	vor.u32 $0x8, v2;
	v1 =	vmul.u32 $0x8, v1;
	s25 =	simm.s32 $0x5;
	[dreg:$0x5] =	wrdreg s0;
	s0 =	simm.s32 $0xA400  }
.LBB2_11:
0x13: {  	_ =	swait.ge [sflag:s24], $0xA000  }
0x14: {  	[sflag:s24] =	ssyncset.done $0x0  }
0x15: {  	[sflag:s24] =	ssyncadd.s32 $0xFFFF6000  }
0x16: {  	_ =	swait.ge [sflag:s25], $0xA000  }
0x17: {  	[sflag:s25] =	ssyncset.done $0x0  }
0x18: {  	[sflag:s25] =	ssyncadd.s32 $0xFFFF6000  }
0x19: {  	_ =	swait.ge [sflag:s23], $0xA000  }
0x1a: {  	s30 =	sadd.s32 $0x1, s30;
	s2 =	rddreg [dreg:$0x4]  }
0x1b: {  	p0 =	sne.s32 s30, s2  }
.Ltmp1:
0x1c: {  	_ = 	snop;
	(pc) =	sbr.rel @!p0 .LBB2_12-.Ltmp1, $3  }
0x1d: {  	_ =	sdelay $0x1  }
0x1e: {  	[sflag:s23] =	ssyncset.done $0x0  }
0x1f: {  	[sflag:s23] =	ssyncadd.s32 $0xFFFF6000  }
.LBB2_1:
0x20: {  	s2 =	rddreg [dreg:$0x3];
	s4 =	simm.s32 $0x7  }
0x21: {  	[tilespmem:s3], [sflag:$0x7] =	stream.linear.gather [hbm4b:s2+s3], $0x400, $0x38;
	[tilespmem:$0x1E400] =	vst v63  }
0x22: {  	_ =	swait.ge [sflag:s4], $0x400  }
0x23: {  	[sflag:s4] =	ssyncset.done $0x0  }
0x24: {  	[sflag:s4] =	ssyncadd.s32 $0xFFFFFC00  }
0x25: {  	v3 =	vld [tilespmem:$0x0];
	_ =	sdelay $0x4  }
0x26: {  	v4 =	vshll.u32 v3, $0x3  }
0x27: {  	v3 =	vand.u32 $0x7, v3;
	v4 =	vand.u32 $0xFFFFFFC0, v4  }
0x28: {  	v3 =	vor.u32 v3, v4  }
0x29: {  	v4 =	vperm.xlane v3, v0;
	_ =	sdelay $0x1  }
0x2a: {  	v4 =	vadd.s32 v1, v4;
	_ =	sdelay $0x4  }
0x2b: {  	[tilespmem:s11], [sflag:$0x1] =	stream.indirect_vreg.gather [hbm4b:s1+s3], $0x80, v4, vm0, $0xb8;
	[tilespmem:$0x1E400] =	vst v63  }
0x2c: {  	s8 =	simm.s32 $0xC00;
	v3 =	vperm.xlane v3, v2  }
0x2d: {  	[tilespmem:s8], [sflag:$0x1] =	stream.indirect_vreg.gather [hbm4b:s5+s3], $0x80, v4, vm0, $0xb8;
	[tilespmem:$0x1E400] =	vst v63  }
0x2e: {  	s4 =	simm.s32 $0x1400;
	v3 =	vadd.s32 v1, v3  }
0x2f: {  	[tilespmem:s4], [sflag:$0x1] =	stream.indirect_vreg.gather [hbm4b:s6+s3], $0x80, v4, vm0, $0xb8;
	[tilespmem:$0x1E400] =	vst v63  }
0x30: {  	s8 =	simm.s32 $0x1C00  }
0x31: {  	[tilespmem:s8], [sflag:$0x1] =	stream.indirect_vreg.gather [hbm4b:s7+s3], $0x80, v4, vm0, $0xb8;
	[tilespmem:$0x1E400] =	vst v63  }
0x32: {  	s4 =	simm.s32 $0x2400  }
0x33: {  	[tilespmem:s4], [sflag:$0x1] =	stream.indirect_vreg.gather [hbm4b:s1+s3], $0x80, v3, vm0, $0xb8;
	[tilespmem:$0x1E400] =	vst v63  }
0x34: {  	s8 =	simm.s32 $0x2C00  }
0x35: {  	[tilespmem:s8], [sflag:$0x1] =	stream.indirect_vreg.gather [hbm4b:s5+s3], $0x80, v3, vm0, $0xb8;
	[tilespmem:$0x1E400] =	vst v63  }
0x36: {  	s4 =	simm.s32 $0x3400  }
0x37: {  	[tilespmem:s4], [sflag:$0x1] =	stream.indirect_vreg.gather [hbm4b:s6+s3], $0x80, v3, vm0, $0xb8;
	[tilespmem:$0x1E400] =	vst v63  }
0x38: {  	s8 =	simm.s32 $0x3C00  }
0x39: {  	[tilespmem:s8], [sflag:$0x1] =	stream.indirect_vreg.gather [hbm4b:s7+s3], $0x80, v3, vm0, $0xb8;
	[tilespmem:$0x1E400] =	vst v63  }
0x3a: {  	v3 =	vld [tilespmem:$0x10];
	_ =	sdelay $0x4  }
0x3b: {  	v56 =	vshll.u32 v3, $0x3  }
0x3c: {  	v3 =	vand.u32 $0x7, v3;
	v4 =	vand.u32 $0xFFFFFFC0, v56  }
0x3d: {  	v3 =	vor.u32 v3, v4  }
0x3e: {  	v4 =	vperm.xlane v3, v0;
	_ =	sdelay $0x1  }
0x3f: {  	v4 =	vadd.s32 v1, v4;
	_ =	sdelay $0x3  }
0x40: {  	s4 =	simm.s32 $0x4400  }
0x41: {  	[tilespmem:s4], [sflag:$0x1] =	stream.indirect_vreg.gather [hbm4b:s1+s3], $0x80, v4, vm0, $0xb8;
	[tilespmem:$0x1E400] =	vst v63  }
0x42: {  	s8 =	simm.s32 $0x4C00;
	v3 =	vperm.xlane v3, v2  }
0x43: {  	[tilespmem:s8], [sflag:$0x1] =	stream.indirect_vreg.gather [hbm4b:s5+s3], $0x80, v4, vm0, $0xb8;
	[tilespmem:$0x1E400] =	vst v63  }
0x44: {  	v3 =	vadd.s32 v1, v3;
	s4 =	simm.s32 $0x5400  }
0x45: {  	[tilespmem:s4], [sflag:$0x1] =	stream.indirect_vreg.gather [hbm4b:s6+s3], $0x80, v4, vm0, $0xb8;
	[tilespmem:$0x1E400] =	vst v63  }
0x46: {  	s8 =	simm.s32 $0x5C00  }
0x47: {  	[tilespmem:s8], [sflag:$0x1] =	stream.indirect_vreg.gather [hbm4b:s7+s3], $0x80, v4, vm0, $0xb8;
	[tilespmem:$0x1E400] =	vst v63  }
0x48: {  	s4 =	simm.s32 $0x6400  }
0x49: {  	[tilespmem:s4], [sflag:$0x1] =	stream.indirect_vreg.gather [hbm4b:s1+s3], $0x80, v3, vm0, $0xb8;
	[tilespmem:$0x1E400] =	vst v63  }
0x4a: {  	s8 =	simm.s32 $0x6C00  }
0x4b: {  	[tilespmem:s8], [sflag:$0x1] =	stream.indirect_vreg.gather [hbm4b:s5+s3], $0x80, v3, vm0, $0xb8;
	[tilespmem:$0x1E400] =	vst v63  }
0x4c: {  	s4 =	simm.s32 $0x7400  }
0x4d: {  	[tilespmem:s4], [sflag:$0x1] =	stream.indirect_vreg.gather [hbm4b:s6+s3], $0x80, v3, vm0, $0xb8;
	[tilespmem:$0x1E400] =	vst v63  }
0x4e: {  	s8 =	simm.s32 $0x7C00  }
0x4f: {  	[tilespmem:s8], [sflag:$0x1] =	stream.indirect_vreg.gather [hbm4b:s7+s3], $0x80, v3, vm0, $0xb8;
	[tilespmem:$0x1E400] =	vst v63  }
0x50: {  	v3 =	vld.msk [tilespmem:$0x20], $0xff;
	_ =	sdelay $0x4  }
0x51: {  	v57 =	vshll.u32 v3, $0x3  }
0x52: {  	v3 =	vand.u32 $0x7, v3;
	v4 =	vand.u32 $0xFFFFFFC0, v57  }
0x53: {  	v3 =	vor.u32 v3, v4  }
0x54: {  	v3 =	vperm.xlane v3, v0;
	_ =	sdelay $0x1  }
0x55: {  	v3 =	vadd.s32 v1, v3;
	_ =	sdelay $0x3  }
0x56: {  	s4 =	simm.s32 $0x8400  }
0x57: {  	[tilespmem:s4], [sflag:$0x1] =	stream.indirect_vreg.gather [hbm4b:s1+s3], $0x80, v3, vm0, $0xb8;
	[tilespmem:$0x1E400] =	vst v63  }
0x58: {  	s8 =	simm.s32 $0x8C00  }
0x59: {  	[tilespmem:s8], [sflag:$0x1] =	stream.indirect_vreg.gather [hbm4b:s5+s3], $0x80, v3, vm0, $0xb8;
	[tilespmem:$0x1E400] =	vst v63  }
0x5a: {  	s4 =	simm.s32 $0x9400  }
0x5b: {  	[tilespmem:s4], [sflag:$0x1] =	stream.indirect_vreg.gather [hbm4b:s6+s3], $0x80, v3, vm0, $0xb8;
	[tilespmem:$0x1E400] =	vst v63  }
0x5c: {  	s8 =	simm.s32 $0x9C00  }
0x5d: {  	[tilespmem:s8], [sflag:$0x1] =	stream.indirect_vreg.gather [hbm4b:s7+s3], $0x80, v3, vm0, $0xb8;
	[tilespmem:$0x1E400] =	vst v63  }
0x5e: {  	v3 =	vld [tilespmem:$0x80];
	_ =	sdelay $0x4  }
0x5f: {  	v58 =	vshll.u32 v3, $0x3  }
0x60: {  	v3 =	vand.u32 $0x7, v3;
	v4 =	vand.u32 $0xFFFFFFC0, v58  }
0x61: {  	v3 =	vor.u32 v3, v4  }
0x62: {  	v4 =	vperm.xlane v3, v0;
	_ =	sdelay $0x1  }
0x63: {  	v4 =	vadd.s32 v1, v4;
	_ =	sdelay $0x4  }
0x64: {  	[tilespmem:s0], [sflag:$0x2] =	stream.indirect_vreg.gather [hbm4b:s1+s3], $0x80, v4, vm0, $0xb8;
	[tilespmem:$0x1E400] =	vst v63  }
0x65: {  	s4 =	simm.s32 $0xAC00;
	v3 =	vperm.xlane v3, v2  }
0x66: {  	[tilespmem:s4], [sflag:$0x2] =	stream.indirect_vreg.gather [hbm4b:s5+s3], $0x80, v4, vm0, $0xb8;
	[tilespmem:$0x1E400] =	vst v63  }
0x67: {  	s8 =	simm.s32 $0xB400;
	v3 =	vadd.s32 v1, v3  }
0x68: {  	[tilespmem:s8], [sflag:$0x2] =	stream.indirect_vreg.gather [hbm4b:s6+s3], $0x80, v4, vm0, $0xb8;
	[tilespmem:$0x1E400] =	vst v63  }
0x69: {  	s4 =	simm.s32 $0xBC00  }
0x6a: {  	[tilespmem:s4], [sflag:$0x2] =	stream.indirect_vreg.gather [hbm4b:s7+s3], $0x80, v4, vm0, $0xb8;
	[tilespmem:$0x1E400] =	vst v63  }
0x6b: {  	s8 =	simm.s32 $0xC400  }
0x6c: {  	[tilespmem:s8], [sflag:$0x2] =	stream.indirect_vreg.gather [hbm4b:s1+s3], $0x80, v3, vm0, $0xb8;
	[tilespmem:$0x1E400] =	vst v63  }
0x6d: {  	s4 =	simm.s32 $0xCC00  }
0x6e: {  	[tilespmem:s4], [sflag:$0x2] =	stream.indirect_vreg.gather [hbm4b:s5+s3], $0x80, v3, vm0, $0xb8;
	[tilespmem:$0x1E400] =	vst v63  }
0x6f: {  	s8 =	simm.s32 $0xD400  }
0x70: {  	[tilespmem:s8], [sflag:$0x2] =	stream.indirect_vreg.gather [hbm4b:s6+s3], $0x80, v3, vm0, $0xb8;
	[tilespmem:$0x1E400] =	vst v63  }
0x71: {  	s4 =	simm.s32 $0xDC00  }
0x72: {  	[tilespmem:s4], [sflag:$0x2] =	stream.indirect_vreg.gather [hbm4b:s7+s3], $0x80, v3, vm0, $0xb8;
	[tilespmem:$0x1E400] =	vst v63  }
0x73: {  	v3 =	vld [tilespmem:$0x90];
	_ =	sdelay $0x4  }
0x74: {  	v59 =	vshll.u32 v3, $0x3  }
0x75: {  	v3 =	vand.u32 $0x7, v3;
	v4 =	vand.u32 $0xFFFFFFC0, v59  }
0x76: {  	v3 =	vor.u32 v3, v4  }
0x77: {  	v4 =	vperm.xlane v3, v0;
	_ =	sdelay $0x1  }
0x78: {  	v4 =	vadd.s32 v1, v4;
	_ =	sdelay $0x3  }
0x79: {  	s8 =	simm.s32 $0xE400  }
0x7a: {  	[tilespmem:s8], [sflag:$0x2] =	stream.indirect_vreg.gather [hbm4b:s1+s3], $0x80, v4, vm0, $0xb8;
	[tilespmem:$0x1E400] =	vst v63  }
0x7b: {  	s4 =	simm.s32 $0xEC00;
	v3 =	vperm.xlane v3, v2  }
0x7c: {  	[tilespmem:s4], [sflag:$0x2] =	stream.indirect_vreg.gather [hbm4b:s5+s3], $0x80, v4, vm0, $0xb8;
	[tilespmem:$0x1E400] =	vst v63  }
0x7d: {  	v3 =	vadd.s32 v1, v3;
	s8 =	simm.s32 $0xF400  }
0x7e: {  	[tilespmem:s8], [sflag:$0x2] =	stream.indirect_vreg.gather [hbm4b:s6+s3], $0x80, v4, vm0, $0xb8;
	[tilespmem:$0x1E400] =	vst v63  }
0x7f: {  	s4 =	simm.s32 $0xFC00  }
0x80: {  	[tilespmem:s4], [sflag:$0x2] =	stream.indirect_vreg.gather [hbm4b:s7+s3], $0x80, v4, vm0, $0xb8;
	[tilespmem:$0x1E400] =	vst v63  }
0x81: {  	s8 =	simm.s32 $0x10400  }
0x82: {  	[tilespmem:s8], [sflag:$0x2] =	stream.indirect_vreg.gather [hbm4b:s1+s3], $0x80, v3, vm0, $0xb8;
	[tilespmem:$0x1E400] =	vst v63  }
0x83: {  	s4 =	simm.s32 $0x10C00  }
0x84: {  	[tilespmem:s4], [sflag:$0x2] =	stream.indirect_vreg.gather [hbm4b:s5+s3], $0x80, v3, vm0, $0xb8;
	[tilespmem:$0x1E400] =	vst v63  }
0x85: {  	s8 =	simm.s32 $0x11400  }
0x86: {  	[tilespmem:s8], [sflag:$0x2] =	stream.indirect_vreg.gather [hbm4b:s6+s3], $0x80, v3, vm0, $0xb8;
	[tilespmem:$0x1E400] =	vst v63  }
0x87: {  	s4 =	simm.s32 $0x11C00  }
0x88: {  	[tilespmem:s4], [sflag:$0x2] =	stream.indirect_vreg.gather [hbm4b:s7+s3], $0x80, v3, vm0, $0xb8;
	[tilespmem:$0x1E400] =	vst v63  }
0x89: {  	v3 =	vld.msk [tilespmem:$0xA0], $0xff;
	_ =	sdelay $0x4  }
0x8a: {  	v60 =	vshll.u32 v3, $0x3  }
0x8b: {  	v3 =	vand.u32 $0x7, v3;
	v4 =	vand.u32 $0xFFFFFFC0, v60  }
0x8c: {  	v3 =	vor.u32 v3, v4  }
0x8d: {  	v3 =	vperm.xlane v3, v0;
	_ =	sdelay $0x1  }
0x8e: {  	v3 =	vadd.s32 v1, v3;
	_ =	sdelay $0x3  }
0x8f: {  	s8 =	simm.s32 $0x12400  }
0x90: {  	[tilespmem:s8], [sflag:$0x2] =	stream.indirect_vreg.gather [hbm4b:s1+s3], $0x80, v3, vm0, $0xb8;
	[tilespmem:$0x1E400] =	vst v63  }
0x91: {  	s4 =	simm.s32 $0x12C00  }
0x92: {  	[tilespmem:s4], [sflag:$0x2] =	stream.indirect_vreg.gather [hbm4b:s5+s3], $0x80, v3, vm0, $0xb8;
	[tilespmem:$0x1E400] =	vst v63  }
0x93: {  	s8 =	simm.s32 $0x13400  }
0x94: {  	[tilespmem:s8], [sflag:$0x2] =	stream.indirect_vreg.gather [hbm4b:s6+s3], $0x80, v3, vm0, $0xb8;
	[tilespmem:$0x1E400] =	vst v63  }
0x95: {  	s4 =	simm.s32 $0x13C00  }
0x96: {  	[tilespmem:s4], [sflag:$0x2] =	stream.indirect_vreg.gather [hbm4b:s7+s3], $0x80, v3, vm0, $0xb8;
	[tilespmem:$0x1E400] =	vst v63  }
0x97: {  	v3 =	vld [tilespmem:$0x100];
	_ =	sdelay $0x4  }
0x98: {  	v61 =	vshll.u32 v3, $0x3  }
0x99: {  	v3 =	vand.u32 $0x7, v3;
	v4 =	vand.u32 $0xFFFFFFC0, v61  }
0x9a: {  	v3 =	vor.u32 v3, v4  }
0x9b: {  	v4 =	vperm.xlane v3, v0;
	_ =	sdelay $0x1  }
0x9c: {  	v4 =	vadd.s32 v1, v4;
	_ =	sdelay $0x4  }
0x9d: {  	[tilespmem:s26], [sflag:$0x3] =	stream.indirect_vreg.gather [hbm4b:s1+s3], $0x80, v4, vm0, $0xb8;
	[tilespmem:$0x1E400] =	vst v63  }
0x9e: {  	s8 =	simm.s32 $0x14C00;
	v3 =	vperm.xlane v3, v2  }
0x9f: {  	[tilespmem:s8], [sflag:$0x3] =	stream.indirect_vreg.gather [hbm4b:s5+s3], $0x80, v4, vm0, $0xb8;
	[tilespmem:$0x1E400] =	vst v63  }
0xa0: {  	s4 =	simm.s32 $0x15400;
	v3 =	vadd.s32 v1, v3  }
0xa1: {  	[tilespmem:s4], [sflag:$0x3] =	stream.indirect_vreg.gather [hbm4b:s6+s3], $0x80, v4, vm0, $0xb8;
	[tilespmem:$0x1E400] =	vst v63  }
0xa2: {  	s8 =	simm.s32 $0x15C00  }
0xa3: {  	[tilespmem:s8], [sflag:$0x3] =	stream.indirect_vreg.gather [hbm4b:s7+s3], $0x80, v4, vm0, $0xb8;
	[tilespmem:$0x1E400] =	vst v63  }
0xa4: {  	s4 =	simm.s32 $0x16400  }
0xa5: {  	[tilespmem:s4], [sflag:$0x3] =	stream.indirect_vreg.gather [hbm4b:s1+s3], $0x80, v3, vm0, $0xb8;
	[tilespmem:$0x1E400] =	vst v63  }
0xa6: {  	s8 =	simm.s32 $0x16C00  }
0xa7: {  	[tilespmem:s8], [sflag:$0x3] =	stream.indirect_vreg.gather [hbm4b:s5+s3], $0x80, v3, vm0, $0xb8;
	[tilespmem:$0x1E400] =	vst v63  }
0xa8: {  	s4 =	simm.s32 $0x17400  }
0xa9: {  	[tilespmem:s4], [sflag:$0x3] =	stream.indirect_vreg.gather [hbm4b:s6+s3], $0x80, v3, vm0, $0xb8;
	[tilespmem:$0x1E400] =	vst v63  }
0xaa: {  	s8 =	simm.s32 $0x17C00  }
0xab: {  	[tilespmem:s8], [sflag:$0x3] =	stream.indirect_vreg.gather [hbm4b:s7+s3], $0x80, v3, vm0, $0xb8;
	[tilespmem:$0x1E400] =	vst v63  }
0xac: {  	v3 =	vld [tilespmem:$0x110];
	_ =	sdelay $0x4  }
0xad: {  	v62 =	vshll.u32 v3, $0x3  }
0xae: {  	v3 =	vand.u32 $0x7, v3;
	v4 =	vand.u32 $0xFFFFFFC0, v62  }
0xaf: {  	v3 =	vor.u32 v3, v4  }
0xb0: {  	v4 =	vperm.xlane v3, v0;
	_ =	sdelay $0x1  }
0xb1: {  	v4 =	vadd.s32 v1, v4;
	_ =	sdelay $0x4  }
0xb2: {  	[tilespmem:s9], [sflag:$0x3] =	stream.indirect_vreg.gather [hbm4b:s1+s3], $0x80, v4, vm0, $0xb8;
	[tilespmem:$0x1E400] =	vst v63  }
0xb3: {  	v3 =	vperm.xlane v3, v2  }
0xb4: {  	[tilespmem:s10], [sflag:$0x3] =	stream.indirect_vreg.gather [hbm4b:s5+s3], $0x80, v4, vm0, $0xb8;
	[tilespmem:$0x1E400] =	vst v63  }
0xb5: {  	v3 =	vadd.s32 v1, v3  }
0xb6: {  	[tilespmem:s12], [sflag:$0x3] =	stream.indirect_vreg.gather [hbm4b:s6+s3], $0x80, v4, vm0, $0xb8;
	[tilespmem:$0x1E400] =	vst v63  }
0xb7: {  	_ = 	snop  }
0xb8: {  	[tilespmem:s13], [sflag:$0x3] =	stream.indirect_vreg.gather [hbm4b:s7+s3], $0x80, v4, vm0, $0xb8;
	[tilespmem:$0x1E400] =	vst v63  }
0xb9: {  	_ = 	snop  }
0xba: {  	[tilespmem:s14], [sflag:$0x3] =	stream.indirect_vreg.gather [hbm4b:s1+s3], $0x80, v3, vm0, $0xb8;
	[tilespmem:$0x1E400] =	vst v63  }
0xbb: {  	_ = 	snop  }
0xbc: {  	[tilespmem:s15], [sflag:$0x3] =	stream.indirect_vreg.gather [hbm4b:s5+s3], $0x80, v3, vm0, $0xb8;
	[tilespmem:$0x1E400] =	vst v63  }
0xbd: {  	_ = 	snop  }
0xbe: {  	[tilespmem:s16], [sflag:$0x3] =	stream.indirect_vreg.gather [hbm4b:s6+s3], $0x80, v3, vm0, $0xb8;
	[tilespmem:$0x1E400] =	vst v63  }
0xbf: {  	_ = 	snop  }
0xc0: {  	[tilespmem:s17], [sflag:$0x3] =	stream.indirect_vreg.gather [hbm4b:s7+s3], $0x80, v3, vm0, $0xb8;
	[tilespmem:$0x1E400] =	vst v63  }
0xc1: {  	v3 =	vld.msk [tilespmem:$0x120], $0xff;
	_ =	sdelay $0x4  }
0xc2: {  	v63 =	vshll.u32 v3, $0x3  }
0xc3: {  	v3 =	vand.u32 $0x7, v3;
	v4 =	vand.u32 $0xFFFFFFC0, v63  }
0xc4: {  	v3 =	vor.u32 v3, v4  }
0xc5: {  	v3 =	vperm.xlane v3, v0;
	_ =	sdelay $0x1  }
0xc6: {  	v3 =	vadd.s32 v1, v3;
	_ =	sdelay $0x4  }
0xc7: {  	[tilespmem:s18], [sflag:$0x3] =	stream.indirect_vreg.gather [hbm4b:s1+s3], $0x80, v3, vm0, $0xb8;
	[tilespmem:$0x1E400] =	vst v63  }
0xc8: {  	_ = 	snop  }
0xc9: {  	[tilespmem:s19], [sflag:$0x3] =	stream.indirect_vreg.gather [hbm4b:s5+s3], $0x80, v3, vm0, $0xb8;
	[tilespmem:$0x1E400] =	vst v63  }
.Ltmp2:
0xca: {  	_ = 	snop;
	(pc) =	sbr.rel .LBB2_2-.Ltmp2, $4  }
0xcb: {  	_ = 	snop  }
0xcc: {  	[tilespmem:s20], [sflag:$0x3] =	stream.indirect_vreg.gather [hbm4b:s6+s3], $0x80, v3, vm0, $0xb8;
	[tilespmem:$0x1E400] =	vst v63  }
0xcd: {  	s31 =	simm.s32 $0x1A0;
	s2 =	rddreg [dreg:$0x5];
	s4 =	simm.s32 $0x0  }
0xce: {  	[tilespmem:s21], [sflag:$0x3] =	stream.indirect_vreg.gather [hbm4b:s7+s3], $0x80, v3, vm0, $0xb8;
	[tilespmem:$0x1E400] =	vst v63  }
.LBB2_10:
0xcf: {  	s4 =	sadd.s32 $0x1, s4  }
0xd0: {  	p0 =	sne.s32 s4, $0x8  }
.Ltmp3:
0xd1: {  	_ = 	snop;
	(pc) =	sbr.rel @!p0 .LBB2_11-.Ltmp3, $2  }
0xd2: {  	_ =	sdelay $0x2  }
0xd3: {  	s31 =	sadd.s32 $0x80, s31;
	s2 =	sadd.s32 $0x1400, s2  }
.LBB2_2:
0xd4: {  	s8 =	smul.u32 $0xAB, s4;
	_ =	sdelay $0x1  }
0xd5: {  	s8 =	sshrl.u32 s8, $0x9  }
0xd6: {  	s8 =	sand.u32 $0x7F, s8  }
0xd7: {  	s8 =	smul.u32 $0x3, s8;
	_ =	sdelay $0x1  }
0xd8: {  	s8 =	ssub.s32 s4, s8  }
0xd9: {  	s8 =	sand.u32 $0xFF, s8  }
0xda: {  	p0 =	seq.s32 s8, $0x2  }
.Ltmp4:
0xdb: {  	_ = 	snop;
	(pc) =	sbr.rel @p0 .LBB2_8-.Ltmp4, $1  }
0xdc: {  	_ =	sdelay $0x3  }
0xdd: {  	p0 =	seq.s32 s8, $0x1  }
.Ltmp5:
0xde: {  	_ = 	snop;
	(pc) =	sbr.rel @!p0 .LBB2_4-.Ltmp5, $1  }
0xdf: {  	_ =	sdelay $0x3  }
0xe0: {  	p0 =	sgt.u32 s4, $0x4  }
.Ltmp6:
0xe1: {  	_ = 	snop;
	(pc) =	sbr.rel @p0 .LBB2_10-.Ltmp6, $4  }
0xe2: {  	_ =	swait.ge [sflag:s28], $0xA000  }
0xe3: {  	[sflag:s28] =	ssyncset.done $0x0  }
0xe4: {  	[sflag:s28] =	ssyncadd.s32 $0xFFFF6000  }
0xe5: {  	[hbm4b:s2+s3] =	stream.linear.scatter [tilespmem:s0], [sflag:$0x5], $0xA000, $0x38;
	[tilespmem:$0x1E400] =	vst v63  }
0xe6: {  	_ =	swait.ge [sflag:s25], $0xA000  }
0xe7: {  	[sflag:s25] =	ssyncset.done $0x0  }
0xe8: {  	[sflag:s25] =	ssyncadd.s32 $0xFFFF6000  }
0xe9: {  	v3 =	vld [tilespmem:s31+$0xFFFFFFE0];
	_ =	sdelay $0x4  }
0xea: {  	v4 =	vshll.u32 v3, $0x3  }
0xeb: {  	v3 =	vand.u32 $0x7, v3;
	v4 =	vand.u32 $0xFFFFFFC0, v4  }
0xec: {  	v3 =	vor.u32 v3, v4  }
0xed: {  	v4 =	vperm.xlane v3, v0;
	_ =	sdelay $0x1  }
0xee: {  	v4 =	vadd.s32 v1, v4;
	_ =	sdelay $0x4  }
0xef: {  	[tilespmem:s0], [sflag:$0x2] =	stream.indirect_vreg.gather [hbm4b:s1+s3], $0x80, v4, vm0, $0xb8;
	[tilespmem:$0x1E400] =	vst v63  }
0xf0: {  	s8 =	simm.s32 $0xAC00;
	v3 =	vperm.xlane v3, v2  }
0xf1: {  	[tilespmem:s8], [sflag:$0x2] =	stream.indirect_vreg.gather [hbm4b:s5+s3], $0x80, v4, vm0, $0xb8;
	[tilespmem:$0x1E400] =	vst v63  }
0xf2: {  	v3 =	vadd.s32 v1, v3;
	s8 =	simm.s32 $0xB400  }
0xf3: {  	[tilespmem:s8], [sflag:$0x2] =	stream.indirect_vreg.gather [hbm4b:s6+s3], $0x80, v4, vm0, $0xb8;
	[tilespmem:$0x1E400] =	vst v63  }
0xf4: {  	s8 =	simm.s32 $0xBC00  }
0xf5: {  	[tilespmem:s8], [sflag:$0x2] =	stream.indirect_vreg.gather [hbm4b:s7+s3], $0x80, v4, vm0, $0xb8;
	[tilespmem:$0x1E400] =	vst v63  }
0xf6: {  	s8 =	simm.s32 $0xC400  }
0xf7: {  	[tilespmem:s8], [sflag:$0x2] =	stream.indirect_vreg.gather [hbm4b:s1+s3], $0x80, v3, vm0, $0xb8;
	[tilespmem:$0x1E400] =	vst v63  }
0xf8: {  	s8 =	simm.s32 $0xCC00  }
0xf9: {  	[tilespmem:s8], [sflag:$0x2] =	stream.indirect_vreg.gather [hbm4b:s5+s3], $0x80, v3, vm0, $0xb8;
	[tilespmem:$0x1E400] =	vst v63  }
0xfa: {  	s8 =	simm.s32 $0xD400  }
0xfb: {  	[tilespmem:s8], [sflag:$0x2] =	stream.indirect_vreg.gather [hbm4b:s6+s3], $0x80, v3, vm0, $0xb8;
	[tilespmem:$0x1E400] =	vst v63  }
0xfc: {  	s8 =	simm.s32 $0xDC00  }
0xfd: {  	[tilespmem:s8], [sflag:$0x2] =	stream.indirect_vreg.gather [hbm4b:s7+s3], $0x80, v3, vm0, $0xb8;
	[tilespmem:$0x1E400] =	vst v63  }
0xfe: {  	v3 =	vld [tilespmem:s31+$0xFFFFFFF0];
	_ =	sdelay $0x4  }
0xff: {  	v62 =	vshll.u32 v3, $0x3  }
0x100: {  	v3 =	vand.u32 $0x7, v3;
	v4 =	vand.u32 $0xFFFFFFC0, v62  }
0x101: {  	v3 =	vor.u32 v3, v4  }
0x102: {  	v4 =	vperm.xlane v3, v0;
	_ =	sdelay $0x1  }
0x103: {  	v4 =	vadd.s32 v1, v4;
	_ =	sdelay $0x3  }
0x104: {  	s8 =	simm.s32 $0xE400  }
0x105: {  	[tilespmem:s8], [sflag:$0x2] =	stream.indirect_vreg.gather [hbm4b:s1+s3], $0x80, v4, vm0, $0xb8;
	[tilespmem:$0x1E400] =	vst v63  }
0x106: {  	v3 =	vperm.xlane v3, v2;
	s8 =	simm.s32 $0xEC00  }
0x107: {  	[tilespmem:s8], [sflag:$0x2] =	stream.indirect_vreg.gather [hbm4b:s5+s3], $0x80, v4, vm0, $0xb8;
	[tilespmem:$0x1E400] =	vst v63  }
0x108: {  	v3 =	vadd.s32 v1, v3;
	s8 =	simm.s32 $0xF400  }
0x109: {  	[tilespmem:s8], [sflag:$0x2] =	stream.indirect_vreg.gather [hbm4b:s6+s3], $0x80, v4, vm0, $0xb8;
	[tilespmem:$0x1E400] =	vst v63  }
0x10a: {  	s8 =	simm.s32 $0xFC00  }
0x10b: {  	[tilespmem:s8], [sflag:$0x2] =	stream.indirect_vreg.gather [hbm4b:s7+s3], $0x80, v4, vm0, $0xb8;
	[tilespmem:$0x1E400] =	vst v63  }
0x10c: {  	s8 =	simm.s32 $0x10400  }
0x10d: {  	[tilespmem:s8], [sflag:$0x2] =	stream.indirect_vreg.gather [hbm4b:s1+s3], $0x80, v3, vm0, $0xb8;
	[tilespmem:$0x1E400] =	vst v63  }
0x10e: {  	s8 =	simm.s32 $0x10C00  }
0x10f: {  	[tilespmem:s8], [sflag:$0x2] =	stream.indirect_vreg.gather [hbm4b:s5+s3], $0x80, v3, vm0, $0xb8;
	[tilespmem:$0x1E400] =	vst v63  }
0x110: {  	s8 =	simm.s32 $0x11400  }
0x111: {  	[tilespmem:s8], [sflag:$0x2] =	stream.indirect_vreg.gather [hbm4b:s6+s3], $0x80, v3, vm0, $0xb8;
	[tilespmem:$0x1E400] =	vst v63  }
0x112: {  	s8 =	simm.s32 $0x11C00  }
0x113: {  	[tilespmem:s8], [sflag:$0x2] =	stream.indirect_vreg.gather [hbm4b:s7+s3], $0x80, v3, vm0, $0xb8;
	[tilespmem:$0x1E400] =	vst v63  }
0x114: {  	v3 =	vld.msk [tilespmem:s31+$0x0], $0xff;
	_ =	sdelay $0x4  }
0x115: {  	v63 =	vshll.u32 v3, $0x3  }
0x116: {  	v3 =	vand.u32 $0x7, v3;
	v4 =	vand.u32 $0xFFFFFFC0, v63  }
0x117: {  	v3 =	vor.u32 v3, v4  }
0x118: {  	v3 =	vperm.xlane v3, v0;
	_ =	sdelay $0x1  }
0x119: {  	v3 =	vadd.s32 v1, v3;
	_ =	sdelay $0x3  }
0x11a: {  	s8 =	simm.s32 $0x12400  }
0x11b: {  	[tilespmem:s8], [sflag:$0x2] =	stream.indirect_vreg.gather [hbm4b:s1+s3], $0x80, v3, vm0, $0xb8;
	[tilespmem:$0x1E400] =	vst v63  }
0x11c: {  	s8 =	simm.s32 $0x12C00  }
0x11d: {  	[tilespmem:s8], [sflag:$0x2] =	stream.indirect_vreg.gather [hbm4b:s5+s3], $0x80, v3, vm0, $0xb8;
	[tilespmem:$0x1E400] =	vst v63  }
.Ltmp7:
0x11e: {  	_ = 	snop;
	(pc) =	sbr.rel .LBB2_10-.Ltmp7, $4  }
0x11f: {  	s8 =	simm.s32 $0x13400  }
0x120: {  	[tilespmem:s8], [sflag:$0x2] =	stream.indirect_vreg.gather [hbm4b:s6+s3], $0x80, v3, vm0, $0xb8;
	[tilespmem:$0x1E400] =	vst v63  }
0x121: {  	s8 =	simm.s32 $0x13C00  }
0x122: {  	[tilespmem:s8], [sflag:$0x2] =	stream.indirect_vreg.gather [hbm4b:s7+s3], $0x80, v3, vm0, $0xb8;
	[tilespmem:$0x1E400] =	vst v63  }
.LBB2_8:
0x123: {  	p0 =	sgt.u32 s4, $0x4  }
.Ltmp8:
0x124: {  	_ = 	snop;
	(pc) =	sbr.rel @p0 .LBB2_10-.Ltmp8, $4  }
0x125: {  	_ =	swait.ge [sflag:s22], $0xA000  }
0x126: {  	[sflag:s22] =	ssyncset.done $0x0  }
0x127: {  	[sflag:s22] =	ssyncadd.s32 $0xFFFF6000  }
0x128: {  	[hbm4b:s2+s3] =	stream.linear.scatter [tilespmem:s26], [sflag:$0x6], $0xA000, $0x38;
	[tilespmem:$0x1E400] =	vst v63  }
0x129: {  	_ =	swait.ge [sflag:s23], $0xA000  }
0x12a: {  	[sflag:s23] =	ssyncset.done $0x0  }
0x12b: {  	[sflag:s23] =	ssyncadd.s32 $0xFFFF6000  }
0x12c: {  	v3 =	vld [tilespmem:s31+$0xFFFFFFE0];
	_ =	sdelay $0x4  }
0x12d: {  	v4 =	vshll.u32 v3, $0x3  }
0x12e: {  	v3 =	vand.u32 $0x7, v3;
	v4 =	vand.u32 $0xFFFFFFC0, v4  }
0x12f: {  	v3 =	vor.u32 v3, v4  }
0x130: {  	v4 =	vperm.xlane v3, v0;
	_ =	sdelay $0x1  }
0x131: {  	v4 =	vadd.s32 v1, v4;
	_ =	sdelay $0x4  }
0x132: {  	[tilespmem:s26], [sflag:$0x3] =	stream.indirect_vreg.gather [hbm4b:s1+s3], $0x80, v4, vm0, $0xb8;
	[tilespmem:$0x1E400] =	vst v63  }
0x133: {  	s8 =	simm.s32 $0x14C00;
	v3 =	vperm.xlane v3, v2  }
0x134: {  	[tilespmem:s8], [sflag:$0x3] =	stream.indirect_vreg.gather [hbm4b:s5+s3], $0x80, v4, vm0, $0xb8;
	[tilespmem:$0x1E400] =	vst v63  }
0x135: {  	v3 =	vadd.s32 v1, v3;
	s8 =	simm.s32 $0x15400  }
0x136: {  	[tilespmem:s8], [sflag:$0x3] =	stream.indirect_vreg.gather [hbm4b:s6+s3], $0x80, v4, vm0, $0xb8;
	[tilespmem:$0x1E400] =	vst v63  }
0x137: {  	s8 =	simm.s32 $0x15C00  }
0x138: {  	[tilespmem:s8], [sflag:$0x3] =	stream.indirect_vreg.gather [hbm4b:s7+s3], $0x80, v4, vm0, $0xb8;
	[tilespmem:$0x1E400] =	vst v63  }
0x139: {  	s8 =	simm.s32 $0x16400  }
0x13a: {  	[tilespmem:s8], [sflag:$0x3] =	stream.indirect_vreg.gather [hbm4b:s1+s3], $0x80, v3, vm0, $0xb8;
	[tilespmem:$0x1E400] =	vst v63  }
0x13b: {  	s8 =	simm.s32 $0x16C00  }
0x13c: {  	[tilespmem:s8], [sflag:$0x3] =	stream.indirect_vreg.gather [hbm4b:s5+s3], $0x80, v3, vm0, $0xb8;
	[tilespmem:$0x1E400] =	vst v63  }
0x13d: {  	s8 =	simm.s32 $0x17400  }
0x13e: {  	[tilespmem:s8], [sflag:$0x3] =	stream.indirect_vreg.gather [hbm4b:s6+s3], $0x80, v3, vm0, $0xb8;
	[tilespmem:$0x1E400] =	vst v63  }
0x13f: {  	s8 =	simm.s32 $0x17C00  }
0x140: {  	[tilespmem:s8], [sflag:$0x3] =	stream.indirect_vreg.gather [hbm4b:s7+s3], $0x80, v3, vm0, $0xb8;
	[tilespmem:$0x1E400] =	vst v63  }
0x141: {  	v3 =	vld [tilespmem:s31+$0xFFFFFFF0];
	_ =	sdelay $0x4  }
0x142: {  	v62 =	vshll.u32 v3, $0x3  }
0x143: {  	v3 =	vand.u32 $0x7, v3;
	v4 =	vand.u32 $0xFFFFFFC0, v62  }
0x144: {  	v3 =	vor.u32 v3, v4  }
0x145: {  	v4 =	vperm.xlane v3, v0;
	_ =	sdelay $0x1  }
0x146: {  	v4 =	vadd.s32 v1, v4;
	_ =	sdelay $0x4  }
0x147: {  	[tilespmem:s9], [sflag:$0x3] =	stream.indirect_vreg.gather [hbm4b:s1+s3], $0x80, v4, vm0, $0xb8;
	[tilespmem:$0x1E400] =	vst v63  }
0x148: {  	v3 =	vperm.xlane v3, v2  }
0x149: {  	[tilespmem:s10], [sflag:$0x3] =	stream.indirect_vreg.gather [hbm4b:s5+s3], $0x80, v4, vm0, $0xb8;
	[tilespmem:$0x1E400] =	vst v63  }
0x14a: {  	v3 =	vadd.s32 v1, v3  }
0x14b: {  	[tilespmem:s12], [sflag:$0x3] =	stream.indirect_vreg.gather [hbm4b:s6+s3], $0x80, v4, vm0, $0xb8;
	[tilespmem:$0x1E400] =	vst v63  }
0x14c: {  	_ = 	snop  }
0x14d: {  	[tilespmem:s13], [sflag:$0x3] =	stream.indirect_vreg.gather [hbm4b:s7+s3], $0x80, v4, vm0, $0xb8;
	[tilespmem:$0x1E400] =	vst v63  }
0x14e: {  	_ = 	snop  }
0x14f: {  	[tilespmem:s14], [sflag:$0x3] =	stream.indirect_vreg.gather [hbm4b:s1+s3], $0x80, v3, vm0, $0xb8;
	[tilespmem:$0x1E400] =	vst v63  }
0x150: {  	_ = 	snop  }
0x151: {  	[tilespmem:s15], [sflag:$0x3] =	stream.indirect_vreg.gather [hbm4b:s5+s3], $0x80, v3, vm0, $0xb8;
	[tilespmem:$0x1E400] =	vst v63  }
0x152: {  	_ = 	snop  }
0x153: {  	[tilespmem:s16], [sflag:$0x3] =	stream.indirect_vreg.gather [hbm4b:s6+s3], $0x80, v3, vm0, $0xb8;
	[tilespmem:$0x1E400] =	vst v63  }
0x154: {  	_ = 	snop  }
0x155: {  	[tilespmem:s17], [sflag:$0x3] =	stream.indirect_vreg.gather [hbm4b:s7+s3], $0x80, v3, vm0, $0xb8;
	[tilespmem:$0x1E400] =	vst v63  }
0x156: {  	v3 =	vld.msk [tilespmem:s31+$0x0], $0xff;
	_ =	sdelay $0x4  }
0x157: {  	v63 =	vshll.u32 v3, $0x3  }
0x158: {  	v3 =	vand.u32 $0x7, v3;
	v4 =	vand.u32 $0xFFFFFFC0, v63  }
0x159: {  	v3 =	vor.u32 v3, v4  }
0x15a: {  	v3 =	vperm.xlane v3, v0;
	_ =	sdelay $0x1  }
0x15b: {  	v3 =	vadd.s32 v1, v3;
	_ =	sdelay $0x4  }
0x15c: {  	[tilespmem:s18], [sflag:$0x3] =	stream.indirect_vreg.gather [hbm4b:s1+s3], $0x80, v3, vm0, $0xb8;
	[tilespmem:$0x1E400] =	vst v63  }
0x15d: {  	_ = 	snop  }
0x15e: {  	[tilespmem:s19], [sflag:$0x3] =	stream.indirect_vreg.gather [hbm4b:s5+s3], $0x80, v3, vm0, $0xb8;
	[tilespmem:$0x1E400] =	vst v63  }
.Ltmp9:
0x15f: {  	_ = 	snop;
	(pc) =	sbr.rel .LBB2_10-.Ltmp9, $4  }
0x160: {  	_ = 	snop  }
0x161: {  	[tilespmem:s20], [sflag:$0x3] =	stream.indirect_vreg.gather [hbm4b:s6+s3], $0x80, v3, vm0, $0xb8;
	[tilespmem:$0x1E400] =	vst v63  }
0x162: {  	_ = 	snop  }
0x163: {  	[tilespmem:s21], [sflag:$0x3] =	stream.indirect_vreg.gather [hbm4b:s7+s3], $0x80, v3, vm0, $0xb8;
	[tilespmem:$0x1E400] =	vst v63  }
.LBB2_4:
0x164: {  	p0 =	sgt.u32 s4, $0x4  }
.Ltmp10:
0x165: {  	_ = 	snop;
	(pc) =	sbr.rel @p0 .LBB2_10-.Ltmp10, $4  }
0x166: {  	_ =	swait.ge [sflag:s29], $0xA000  }
0x167: {  	[sflag:s29] =	ssyncset.done $0x0  }
0x168: {  	[sflag:s29] =	ssyncadd.s32 $0xFFFF6000  }
0x169: {  	[hbm4b:s2+s3] =	stream.linear.scatter [tilespmem:s11], [sflag:$0x4], $0xA000, $0x38;
	[tilespmem:$0x1E400] =	vst v63  }
0x16a: {  	_ =	swait.ge [sflag:s24], $0xA000  }
0x16b: {  	[sflag:s24] =	ssyncset.done $0x0  }
0x16c: {  	[sflag:s24] =	ssyncadd.s32 $0xFFFF6000  }
0x16d: {  	v3 =	vld [tilespmem:s31+$0xFFFFFFE0];
	_ =	sdelay $0x4  }
0x16e: {  	v4 =	vshll.u32 v3, $0x3  }
0x16f: {  	v3 =	vand.u32 $0x7, v3;
	v4 =	vand.u32 $0xFFFFFFC0, v4  }
0x170: {  	v3 =	vor.u32 v3, v4  }
0x171: {  	v4 =	vperm.xlane v3, v0;
	_ =	sdelay $0x1  }
0x172: {  	v4 =	vadd.s32 v1, v4;
	_ =	sdelay $0x4  }
0x173: {  	[tilespmem:s11], [sflag:$0x1] =	stream.indirect_vreg.gather [hbm4b:s1+s3], $0x80, v4, vm0, $0xb8;
	[tilespmem:$0x1E400] =	vst v63  }
0x174: {  	s8 =	simm.s32 $0xC00;
	v3 =	vperm.xlane v3, v2  }
0x175: {  	[tilespmem:s8], [sflag:$0x1] =	stream.indirect_vreg.gather [hbm4b:s5+s3], $0x80, v4, vm0, $0xb8;
	[tilespmem:$0x1E400] =	vst v63  }
0x176: {  	v3 =	vadd.s32 v1, v3;
	s8 =	simm.s32 $0x1400  }
0x177: {  	[tilespmem:s8], [sflag:$0x1] =	stream.indirect_vreg.gather [hbm4b:s6+s3], $0x80, v4, vm0, $0xb8;
	[tilespmem:$0x1E400] =	vst v63  }
0x178: {  	s8 =	simm.s32 $0x1C00  }
0x179: {  	[tilespmem:s8], [sflag:$0x1] =	stream.indirect_vreg.gather [hbm4b:s7+s3], $0x80, v4, vm0, $0xb8;
	[tilespmem:$0x1E400] =	vst v63  }
0x17a: {  	s8 =	simm.s32 $0x2400  }
0x17b: {  	[tilespmem:s8], [sflag:$0x1] =	stream.indirect_vreg.gather [hbm4b:s1+s3], $0x80, v3, vm0, $0xb8;
	[tilespmem:$0x1E400] =	vst v63  }
0x17c: {  	s8 =	simm.s32 $0x2C00  }
0x17d: {  	[tilespmem:s8], [sflag:$0x1] =	stream.indirect_vreg.gather [hbm4b:s5+s3], $0x80, v3, vm0, $0xb8;
	[tilespmem:$0x1E400] =	vst v63  }
0x17e: {  	s8 =	simm.s32 $0x3400  }
0x17f: {  	[tilespmem:s8], [sflag:$0x1] =	stream.indirect_vreg.gather [hbm4b:s6+s3], $0x80, v3, vm0, $0xb8;
	[tilespmem:$0x1E400] =	vst v63  }
0x180: {  	s8 =	simm.s32 $0x3C00  }
0x181: {  	[tilespmem:s8], [sflag:$0x1] =	stream.indirect_vreg.gather [hbm4b:s7+s3], $0x80, v3, vm0, $0xb8;
	[tilespmem:$0x1E400] =	vst v63  }
0x182: {  	v3 =	vld [tilespmem:s31+$0xFFFFFFF0];
	_ =	sdelay $0x4  }
0x183: {  	v62 =	vshll.u32 v3, $0x3  }
0x184: {  	v3 =	vand.u32 $0x7, v3;
	v4 =	vand.u32 $0xFFFFFFC0, v62  }
0x185: {  	v3 =	vor.u32 v3, v4  }
0x186: {  	v4 =	vperm.xlane v3, v0;
	_ =	sdelay $0x1  }
0x187: {  	v4 =	vadd.s32 v1, v4;
	_ =	sdelay $0x3  }
0x188: {  	s8 =	simm.s32 $0x4400  }
0x189: {  	[tilespmem:s8], [sflag:$0x1] =	stream.indirect_vreg.gather [hbm4b:s1+s3], $0x80, v4, vm0, $0xb8;
	[tilespmem:$0x1E400] =	vst v63  }
0x18a: {  	v3 =	vperm.xlane v3, v2;
	s8 =	simm.s32 $0x4C00  }
0x18b: {  	[tilespmem:s8], [sflag:$0x1] =	stream.indirect_vreg.gather [hbm4b:s5+s3], $0x80, v4, vm0, $0xb8;
	[tilespmem:$0x1E400] =	vst v63  }
0x18c: {  	v3 =	vadd.s32 v1, v3;
	s8 =	simm.s32 $0x5400  }
0x18d: {  	[tilespmem:s8], [sflag:$0x1] =	stream.indirect_vreg.gather [hbm4b:s6+s3], $0x80, v4, vm0, $0xb8;
	[tilespmem:$0x1E400] =	vst v63  }
0x18e: {  	s8 =	simm.s32 $0x5C00  }
0x18f: {  	[tilespmem:s8], [sflag:$0x1] =	stream.indirect_vreg.gather [hbm4b:s7+s3], $0x80, v4, vm0, $0xb8;
	[tilespmem:$0x1E400] =	vst v63  }
0x190: {  	s8 =	simm.s32 $0x6400  }
0x191: {  	[tilespmem:s8], [sflag:$0x1] =	stream.indirect_vreg.gather [hbm4b:s1+s3], $0x80, v3, vm0, $0xb8;
	[tilespmem:$0x1E400] =	vst v63  }
0x192: {  	s8 =	simm.s32 $0x6C00  }
0x193: {  	[tilespmem:s8], [sflag:$0x1] =	stream.indirect_vreg.gather [hbm4b:s5+s3], $0x80, v3, vm0, $0xb8;
	[tilespmem:$0x1E400] =	vst v63  }
0x194: {  	s8 =	simm.s32 $0x7400  }
0x195: {  	[tilespmem:s8], [sflag:$0x1] =	stream.indirect_vreg.gather [hbm4b:s6+s3], $0x80, v3, vm0, $0xb8;
	[tilespmem:$0x1E400] =	vst v63  }
0x196: {  	s8 =	simm.s32 $0x7C00  }
0x197: {  	[tilespmem:s8], [sflag:$0x1] =	stream.indirect_vreg.gather [hbm4b:s7+s3], $0x80, v3, vm0, $0xb8;
	[tilespmem:$0x1E400] =	vst v63  }
0x198: {  	v3 =	vld.msk [tilespmem:s31+$0x0], $0xff;
	_ =	sdelay $0x4  }
0x199: {  	v63 =	vshll.u32 v3, $0x3  }
0x19a: {  	v3 =	vand.u32 $0x7, v3;
	v4 =	vand.u32 $0xFFFFFFC0, v63  }
0x19b: {  	v3 =	vor.u32 v3, v4  }
0x19c: {  	v3 =	vperm.xlane v3, v0;
	_ =	sdelay $0x1  }
0x19d: {  	v3 =	vadd.s32 v1, v3;
	_ =	sdelay $0x3  }
0x19e: {  	s8 =	simm.s32 $0x8400  }
0x19f: {  	[tilespmem:s8], [sflag:$0x1] =	stream.indirect_vreg.gather [hbm4b:s1+s3], $0x80, v3, vm0, $0xb8;
	[tilespmem:$0x1E400] =	vst v63  }
0x1a0: {  	s8 =	simm.s32 $0x8C00  }
0x1a1: {  	[tilespmem:s8], [sflag:$0x1] =	stream.indirect_vreg.gather [hbm4b:s5+s3], $0x80, v3, vm0, $0xb8;
	[tilespmem:$0x1E400] =	vst v63  }
.Ltmp11:
0x1a2: {  	_ = 	snop;
	(pc) =	sbr.rel .LBB2_10-.Ltmp11, $4  }
0x1a3: {  	s8 =	simm.s32 $0x9400  }
0x1a4: {  	[tilespmem:s8], [sflag:$0x1] =	stream.indirect_vreg.gather [hbm4b:s6+s3], $0x80, v3, vm0, $0xb8;
	[tilespmem:$0x1E400] =	vst v63  }
0x1a5: {  	s8 =	simm.s32 $0x9C00  }
0x1a6: {  	[tilespmem:s8], [sflag:$0x1] =	stream.indirect_vreg.gather [hbm4b:s7+s3], $0x80, v3, vm0, $0xb8;
	[tilespmem:$0x1E400] =	vst v63  }
.LBB2_12:
0x1a7: {  	_ =	sfence.sel $0x180000  }
0x1a8: {  	[bflag:$0x0] =	sbarrier.arrive $0xFFFF  }
0x1a9: {  	_ =	strace $0x9000004A  }
0x1aa: {  	s0 =	stileid.u32;
	[bflag:$0x2] =	sbarrier.arrive $0xFFFF  }
0x1ab: {  	p0 =	sne.s32 s0, $0x0;
	s0 =	rddreg [dreg:$0x2]  }
0x1ac: {  	s0 =	sadd.s32 @!p0 $0x100000, s0  }
0x1ad: {  	[sflag:s0] =	ssyncadd.tile.s32 @!p0 $0x1;
	_ =	shalt  }
.Lfunc_end2:
_tile_overlayer_lowered:
.L_overlay_start_2:
0x1ae: {  	(tag) =	ssettag $0x2  }
0x1af: {  	s0 =	rddreg [dreg:$0x0];
	s2 =	stileid.u32  }
0x1b0: {  	s1 =	rddreg [dreg:$0x1];
	p0 =	sne.s32 s2, $0x0  }
0x1b1: {  	s3 =	rddreg [dreg:$0x2];
	[bflag:$0x3] =	sbarrier.arrive $0xFFFF;
	s2 =	simm.s32 @!p0 $0x1C07  }
0x1b2: {  	[timem:s3], [sflag:s2] =	dma.local @!p0 [hbm:s0], s1  }
0x1b3: {  	s0 =	simm.s32 @!p0 $0x7  }
0x1b4: {  	_ =	swait.ge @!p0 [sflag:s0], s1  }
0x1b5: {  	s1 =	ssub.s32 @!p0 $0x0, s1;
	[sflag:s0] =	ssyncset.done @!p0 $0x0  }
0x1b6: {  	[sflag:s0] =	ssyncadd.s32 @!p0 s1  }
0x1b7: {  	[bflag:$0x3] =	sbarrier.arrive $0xFFFF  }
0x1b8: {  	_ =	shalt  }

// kernel: kernel.15.cloned.1.call-start
scs
__scs_entry_jumppad:
0x0: {  	(pc) =	sbr.rel $0x88, $3  }
0x1: {  	(tag) =	ssettag $0x0;
	lr =	simm.s32 $0x1  }
0x2: {  	[smem:$0x3F9A] =	sst lr;
	_ =	strace $0xD0000000  }
0x3: {  	_ = 	snop  }
0x4: {  	_ = 	snop  }
0x5: {  	_ = 	snop  }
0x6: {  	_ = 	snop  }
0x7: {  	_ = 	snop  }
__scs_overlays_trampoline_lowered:
0x8: {  	[smem:$0x3FA9] =	sst s0  }
0x9: {  	[smem:$0x3FAA] =	sst s1  }
0xa: {  	[smem:$0x3FAB] =	sst s2  }
0xb: {  	[smem:$0x3FAC] =	sst s3  }
0xc: {  	[smem:$0x3FAD] =	sst s4  }
0xd: {  	[smem:$0x3FAE] =	sst s5  }
0xe: {  	[smem:$0x3FAF] =	sst s6  }
0xf: {  	[smem:$0x3FB0] =	sst s7  }
0x10: {  	[smem:$0x3FB1] =	sst s8  }
0x11: {  	[smem:$0x3FB2] =	sst s9;
	s0 =	simm.s32 @!p0 $0x0  }
0x12: {  	s1 =	sld [smem:$0x3F98];
	s0 =	simm.s32 @p0 $0x1  }
0x13: {  	[smem:$0x3FB3] =	sst s0;
	s0 =	simm.s32 @!p1 $0x0  }
0x14: {  	s2 =	sld [smem:$0x3F97];
	s0 =	simm.s32 @p1 $0x1  }
0x15: {  	[smem:$0x3FB4] =	sst s0;
	s0 =	simm.s32 @!p2 $0x0  }
0x16: {  	s3 =	sld [smem:$0x3FDB];
	s0 =	simm.s32 @p2 $0x1  }
0x17: {  	s4 =	simm.s32 $0x1BF5;
	[smem:$0x3FB6] =	sst s0  }
0x18: {  	s0 =	sld [smem:$0x3F99];
	_ =	swait.ge [sflag:s4], $0x0  }
0x19: {  	s7 =	sld [smem:$0x3F9A]  }
0x1a: {  	s8 =	sadd.s32 $0xFFFFE003, lr  }
0x1b: {  	s9 =	sadd.s32 $0xFFFFFEF7, lr;
	s5 =	simm.s32 $0xFFFFFFFF;
	p2 =	slt.u32 s8, $0xFFFFF086  }
0x1c: {  	p1 =	slt.u32 s9, $0xF7A;
	s5 =	simm.s32 @!p2 $0x0  }
0x1d: {  	s5 =	simm.s32 @p1 $0x1;
	p0 =	seq.s32 s7, s2  }
0x1e: {  	s7 =	smul.u32 @!p0 $0xF7A, s2;
	p2 =	seq.s32 @!p0 s5, $0x0  }
0x1f: {  	s9 =	smul.u32 $0xF7A, s1;
	s8 =	simm.s32 @!p0 $0x1BF5;
	p2 =	por !p2, p0  }
0x20: {  	[sflag:s8] =	ssyncset.s32 @!p0 $0xFFFFF086;
	s6 =	sadd.s32 @!p0 s3, s7;
	s7 =	simm.s32 @!p0 $0x108  }
0x21: {  	s3 =	sadd.s32 s3, s9;
	s6 =	sadd.s32 @!p0 $0x88, s6;
	s7 =	simm.s32 @p2 $0x1082  }
0x22: {  	[simem:s7], [sflag:s8] =	dma.local @!p0 [hbm:s6], $0xF7A  }
0x23: {  	s9 =	sor.u32 $0xD0000000, s2;
	s6 =	simm.s32 $0x108;
	_ =	swait.ge @!p0 [sflag:s8], $0x0  }
0x24: {  	s3 =	sadd.s32 $0x88, s3;
	s6 =	simm.s32 @!p1 $0x1082;
	[sflag:s4] =	ssyncset.s32 $0xFFFFF086  }
0x25: {  	[simem:s6], [sflag:s4] =	dma.local [hbm:s3], $0xF7A  }
0x26: {  	[smem:$0x3F9A] =	sst s1;
	(tag) =	ssettag s2;
	_ =	strace s9  }
0x27: {  	s1 =	sld [smem:$0x3FAA]  }
0x28: {  	s2 =	sld [smem:$0x3FAB]  }
0x29: {  	s4 =	sld [smem:$0x3FAD]  }
0x2a: {  	p0 =	seq.s32 s5, $0x0;
	s5 =	sld [smem:$0x3FAE]  }
0x2b: {  	s6 =	sld [smem:$0x3FAF]  }
0x2c: {  	s7 =	sld [smem:$0x3FB0]  }
0x2d: {  	s3 =	simm.s32 $0x108;
	s8 =	sld [smem:$0x3FB1]  }
0x2e: {  	s3 =	simm.s32 @!p0 $0x1082;
	s9 =	sld [smem:$0x3FB2]  }
0x2f: {  	lr =	sadd.s32 s0, s3;
	s0 =	sld [smem:$0x3FA9]  }
0x30: {  	s3 =	sld [smem:$0x3FAC]  }
0x31: {  	[smem:$0x3FB5] =	sst s10  }
0x32: {  	s10 =	sld [smem:$0x3FB3];
	_ =	sdelay $0x3  }
0x33: {  	p0 =	seq.s32 s10, $0x1;
	s10 =	sld [smem:$0x3FB5];
	_ =	sdelay $0x3  }
0x34: {  	[smem:$0x3FB5] =	sst s10  }
0x35: {  	s10 =	sld [smem:$0x3FB4];
	_ =	sdelay $0x3  }
0x36: {  	p1 =	seq.s32 s10, $0x1;
	s10 =	sld [smem:$0x3FB5];
	_ =	sdelay $0x3  }
0x37: {  	[smem:$0x3FB5] =	sst s10  }
0x38: {  	s10 =	sld [smem:$0x3FB6]  }
0x39: {  	_ = 	snop;
	(pc) =	sbr.ind lr, $3  }
0x3a: {  	_ = 	snop  }
0x3b: {  	_ = 	snop  }
0x3c: {  	p2 =	seq.s32 s10, $0x1;
	s10 =	sld [smem:$0x3FB5]  }
0x3d: {  	_ =	shalt  }
0x3e: {  	_ =	shalt  }
0x3f: {  	_ =	shalt  }
0x40: {  	_ =	shalt  }
0x41: {  	_ =	shalt  }
0x42: {  	_ =	shalt  }
0x43: {  	_ =	shalt  }
0x44: {  	_ =	shalt  }
0x45: {  	_ =	shalt  }
0x46: {  	_ =	shalt  }
0x47: {  	_ =	shalt  }
0x48: {  	_ =	shalt  }
0x49: {  	_ =	shalt  }
0x4a: {  	_ =	shalt  }
0x4b: {  	_ =	shalt  }
0x4c: {  	_ =	shalt  }
0x4d: {  	_ =	shalt  }
0x4e: {  	_ =	shalt  }
0x4f: {  	_ =	shalt  }
0x50: {  	_ =	shalt  }
0x51: {  	_ =	shalt  }
0x52: {  	_ =	shalt  }
0x53: {  	_ =	shalt  }
0x54: {  	_ =	shalt  }
0x55: {  	_ =	shalt  }
0x56: {  	_ =	shalt  }
0x57: {  	_ =	shalt  }
0x58: {  	_ =	shalt  }
0x59: {  	_ =	shalt  }
0x5a: {  	_ =	shalt  }
0x5b: {  	_ =	shalt  }
0x5c: {  	_ =	shalt  }
0x5d: {  	_ =	shalt  }
0x5e: {  	_ =	shalt  }
0x5f: {  	_ =	shalt  }
0x60: {  	_ =	shalt  }
0x61: {  	_ =	shalt  }
0x62: {  	_ =	shalt  }
0x63: {  	_ =	shalt  }
0x64: {  	_ =	shalt  }
0x65: {  	_ =	shalt  }
0x66: {  	_ =	shalt  }
0x67: {  	_ =	shalt  }
0x68: {  	_ =	shalt  }
0x69: {  	_ =	shalt  }
0x6a: {  	_ =	shalt  }
0x6b: {  	_ =	shalt  }
0x6c: {  	_ =	shalt  }
0x6d: {  	_ =	shalt  }
0x6e: {  	_ =	shalt  }
0x6f: {  	_ =	shalt  }
0x70: {  	_ =	shalt  }
0x71: {  	_ =	shalt  }
0x72: {  	_ =	shalt  }
0x73: {  	_ =	shalt  }
0x74: {  	_ =	shalt  }
0x75: {  	_ =	shalt  }
0x76: {  	_ =	shalt  }
0x77: {  	_ =	shalt  }
0x78: {  	_ =	shalt  }
0x79: {  	_ =	shalt  }
0x7a: {  	_ =	shalt  }
0x7b: {  	_ =	shalt  }
0x7c: {  	_ =	shalt  }
0x7d: {  	_ =	shalt  }
0x7e: {  	_ =	shalt  }
0x7f: {  	_ =	shalt  }
0x80: {  	_ =	shalt  }
0x81: {  	_ =	shalt  }
0x82: {  	_ =	shalt  }
0x83: {  	_ =	shalt  }
0x84: {  	_ =	shalt  }
0x85: {  	_ =	shalt  }
0x86: {  	_ =	shalt  }
0x87: {  	_ =	shalt  }
.Lfunc_end0:
.L_simem_size_0:
called_computation.2_lowered:
.L_overlay_start_0:
0x88: {  	s2 =	sld [smem:$0x3FD9]  }
0x89: {  	s3 =	sld [smem:$0x3FFE];
	_ =	sdelay $0x1  }
0x8a: {  	s1 =	srdreg.scid  }
0x8b: {  	s0 =	sand.u32 $0x1, s1  }
0x8c: {  	s16 =	sshll.u32 s0, $0xA;
	s2 =	sadd.s32 s3, s2  }
0x8d: {  	s2 =	sadd.s32 s2, s16  }
0x8e: {  	[smem:$0x3FC1] =	sst s2  }
0x8f: {  	_ = 	snop  }
0x90: {  	(tm) =	ssettm $0x1  }
0x91: {  	s17 =	sld [smem:$0x3FFB];
	_ =	sdelay $0x3  }
0x92: {  	_ =	strace s17  }
0x93: {  	s2 =	sld [smem:$0x3FFC];
	_ =	sdelay $0x3  }
0x94: {  	_ =	strace s2  }
0x95: {  	s2 =	sld [smem:$0x3FFD];
	_ =	sdelay $0x3  }
0x96: {  	_ =	strace s2  }
0x97: {  	_ =	strace $0x8FFFFFFF  }
0x98: {  	s18 =	sld [smem:$0x3FDB];
	_ =	sdelay $0x1  }
0x99: {  	s19 =	simm.s32 $_scs_section_size  }
0x9a: {  	s4 =	simm.s32 $_size__tile_overlayer_lowered;
	s5 =	simm.s32 $_tile_overlayer_lowered  }
0x9b: {  	s22 =	simm.s32 $0x1BFF;
	s21 =	sshll.u32 s5, $0x1;
	s2 =	sadd.s32 s19, s18  }
0x9c: {  	s6 =	simm.s32 $0x0;
	s20 =	sshll.u32 s4, $0x1;
	s4 =	sadd.s32 s21, s2  }
0x9d: {  	[timem:s6], [sflag:s22] =	dma.local [hbm:s4], s20  }
0x9e: {  	_ =	swait.ge [sflag:s22], s20  }
0x9f: {  	s3 =	ssub.s32 $0x0, s20;
	[sflag:s22] =	ssyncset.done $0x0  }
0xa0: {  	[sflag:s22] =	ssyncadd.s32 s3;
	_ =	sdelay $0x1  }
0xa1: {  	s23 =	simm.s32 $0x1B8B  }
0xa2: {  	_ =	swait.ge [sflag:s23], $0x1  }
0xa3: {  	[sflag:s23] =	ssyncset.done $0x0  }
0xa4: {  	s25 =	simm.s32 $0x1B8E;
	s24 =	sld [smem:$0x3FFE];
	[sflag:s23] =	ssyncadd.s32 $0xFFFFFFFF  }
0xa5: {  	s26 =	simm.s32 $execute0_lowered;
	[smem:$0x3FD2] =	sst s25  }
0xa6: {  	s4 =	sshll.u32 s26, $0x1;
	_ =	strace $0x8000004C;
	[dreg:$0x1] =	wrdreg $0xFFFFFFFF  }
0xa7: {  	s28 =	simm.s32 $_size_execute0_lowered;
	s2 =	sadd.s32 s2, s4;
	[dreg:$0x0] =	wrdreg $0x0  }
0xa8: {  	s4 =	sshll.u32 s28, $0x1;
	[dreg:$0x2] =	wrdreg s2  }
0xa9: {  	[dreg:$0x3] =	wrdreg s4  }
0xaa: {  	[dreg:$0x4] =	wrdreg $0xC0  }
0xab: {  	_ =	task [dreg:s6], $0x5FFFF  }
0xac: {  	[dreg:$0x1] =	wrdreg $0xFFFFFFFF  }
0xad: {  	[dreg:$0x0] =	wrdreg $0x60  }
0xae: {  	[dreg:$0x2] =	wrdreg s24  }
0xaf: {  	[dreg:$0x3] =	wrdreg $0x9  }
0xb0: {  	_ =	task.clear_ibuf [dreg:s6], $0x4FFFF;
	_ =	strace $0x9000004C  }
0xb1: {  	s29 =	simm.s32 $0x9;
	_ =	strace $0x8000004E  }
0xb2: {  	_ =	swait.ge [sflag:s29], $0x1  }
0xb3: {  	[sflag:s29] =	ssyncadd.s32 $0xFFFFFFFF  }
0xb4: {  	_ =	strace $0x9000004E  }
0xb5: {  	_ =	sfence  }
0xb6: {  	s30 =	sld [smem:$0x0];
	_ =	sdelay $0x2  }
0xb7: {  	s31 =	sshll.u32 s1, $0xD;
	s1 =	sshrl.u32 s1, $0x2  }
0xb8: {  	s3 =	sand.u32 $0x4000, s31;
	s1 =	sadd.s32 s1, s30  }
0xb9: {  	s0 =	sor.u32 s3, s0;
	s1 =	sshll.u32 s1, $0x11  }
0xba: {  	s0 =	sor.u32 s1, s0  }
0xbb: {  	s0 =	sadd.s32 $0x8F2B, s0  }
0xbc: {  	[sflag:s0] =	ssyncadd.remote.s32 $0x1  }
0xbd: {  	_ =	sfence.sel $0xFFFF  }
0xbe: {  	[dreg:$0x0] =	wrdreg $0xFFFFFFFF;
	(pc) =	sbr.abs _section_cstart, $3  }
0xbf: {  	[dreg:$0x1] =	wrdreg $0xFFFFFFFF  }
0xc0: {  	_ =	task.clear_ibuf [dreg:s6], $0x2FFFF;
	_ =	strace $0x9FFFFFFF  }
0xc1: {  	(tm) =	ssettm $0x7FFFFFFF  }
tec
execute0_lowered:
.L_overlay_start_1:
0x0: {  	(tag) =	ssettag $0x1  }
0x1: {  	s0 =	srdreg.scid  }
0x2: {  	s1 =	stileid.u32;
	s6 =	rddreg [dreg:$0x0]  }
0x3: {  	s2 =	simm.s32 $0x0;
	s18 =	simm.s32 $0x1;
	s19 =	simm.s32 $0x4  }
0x4: {  	s20 =	simm.s32 $0x2;
	s21 =	simm.s32 $0x5;
	s31 =	simm.s32 $0x3  }
0x5: {  	s9 =	simm.s32 $0x11C00;
	s10 =	simm.s32 $0x12400;
	s11 =	simm.s32 $0x12C00  }
0x6: {  	s12 =	simm.s32 $0x13400;
	s13 =	simm.s32 $0x13C00;
	s14 =	simm.s32 $0x14400  }
0x7: {  	s15 =	simm.s32 $0x14C00;
	s0 =	sand.u32 $0x1, s0;
	s1 =	sshll.u32 s1, $0x1  }
0x8: {  	s16 =	simm.s32 $0x15400;
	s17 =	simm.s32 $0x15C00;
	s1 =	sor.u32 s0, s1  }
0x9: {  	s28 =	simm.s32 $0x16C00;
	s29 =	simm.s32 $0x17400;
	s3 =	sshll.u32 s1, $0x7  }
0xa: {  	s30 =	simm.s32 $0x17C00;
	s1 =	sshll.u32 s1, $0xF;
	s3 =	sadd.s32 s3, s6  }
0xb: {  	[smem:$0x7FF] =	sst s2;
	s1 =	sadd.s32 s1, s6;
	s3 =	sadd.s32 $0x141E00, s3  }
0xc: {  	_ =	strace $0x8000004D;
	s4 =	sadd.s32 $0x142E00, s1;
	[dreg:$0x2] =	wrdreg s3  }
0xd: {  	s0 =	ssub.s32 $0x2, s0;
	s22 =	sadd.s32 $0x143E00, s1;
	[dreg:$0x3] =	wrdreg s4  }
0xe: {  	s5 =	sshrl.u32 s0, $0x1;
	s23 =	sadd.s32 $0x144E00, s1;
	[dreg:$0x4] =	wrdreg s22  }
0xf: {  	s0 =	ssub.s32 s0, s5;
	s24 =	sadd.s32 $0x145E00, s1;
	[dreg:$0x5] =	wrdreg s23  }
0x10: {  	s5 =	sadd.s32 $0x243000, s6;
	s25 =	sadd.s32 $0x146E00, s1;
	[dreg:$0x6] =	wrdreg s24  }
0x11: {  	s7 =	sadd.s32 $0x147E00, s1;
	s26 =	sadd.s32 $0x148E00, s1;
	[dreg:$0x7] =	wrdreg s25  }
0x12: {  	s1 =	sadd.s32 $0x149E00, s1;
	s3 =	sadd.s32 $0x242E00, s6;
	[dreg:$0x8] =	wrdreg s7  }
0x13: {  	v2 =	vlaneseq.u32;
	s4 =	sadd.s32 $0x242F00, s6;
	s6 =	sadd.s32 $0x243100, s6;
	[dreg:$0x9] =	wrdreg s26  }
0x14: {  	vm0 =	vmmov $0xffff;
	v1 =	vshrl.u32 v2, $0x3;
	s7 =	smax.u32 s0, $0x1;
	[dreg:$0xa] =	wrdreg s1;
	s23 =	simm.s32 $0x6  }
0x15: {  	v0 =	vand.u32 $0x7, v2;
	v2 =	vor.u32 $0x8, v2;
	v1 =	vmul.u32 $0x8, v1;
	s25 =	simm.s32 $0x400;
	s22 =	simm.s32 $0x10C00;
	s26 =	simm.s32 $0x16400  }
.LBB2_1:
0x16: {  	s24 =	rddreg [dreg:$0x2];
	s8 =	simm.s32 $0x7  }
0x17: {  	[tilespmem:s2], [sflag:$0x7] =	stream.linear.gather [hbm4b:s24+s2], $0x400, $0x38;
	[tilespmem:$0x18400] =	vst v63  }
0x18: {  	_ =	swait.ge [sflag:s8], $0x400  }
0x19: {  	[sflag:s8] =	ssyncset.done $0x0  }
0x1a: {  	[sflag:s8] =	ssyncadd.s32 $0xFFFFFC00  }
0x1b: {  	v3 =	vld [tilespmem:$0x0];
	_ =	sdelay $0x4  }
0x1c: {  	v4 =	vshll.u32 v3, $0x3  }
0x1d: {  	v3 =	vand.u32 $0x7, v3;
	v4 =	vand.u32 $0xFFFFFFC0, v4  }
0x1e: {  	v3 =	vor.u32 v3, v4  }
0x1f: {  	v4 =	vperm.xlane v3, v0;
	_ =	sdelay $0x1  }
0x20: {  	v4 =	vadd.s32 v1, v4;
	_ =	sdelay $0x4  }
0x21: {  	[tilespmem:s25], [sflag:$0x1] =	stream.indirect_vreg.gather [hbm4b:s3+s2], $0x80, v4, vm0, $0xb8;
	[tilespmem:$0x18400] =	vst v63  }
0x22: {  	s0 =	simm.s32 $0xC00;
	v3 =	vperm.xlane v3, v2  }
0x23: {  	[tilespmem:s0], [sflag:$0x1] =	stream.indirect_vreg.gather [hbm4b:s4+s2], $0x80, v4, vm0, $0xb8;
	[tilespmem:$0x18400] =	vst v63  }
0x24: {  	s24 =	simm.s32 $0x1400;
	v3 =	vadd.s32 v1, v3  }
0x25: {  	[tilespmem:s24], [sflag:$0x1] =	stream.indirect_vreg.gather [hbm4b:s5+s2], $0x80, v4, vm0, $0xb8;
	[tilespmem:$0x18400] =	vst v63  }
0x26: {  	s1 =	simm.s32 $0x1C00  }
0x27: {  	[tilespmem:s1], [sflag:$0x1] =	stream.indirect_vreg.gather [hbm4b:s6+s2], $0x80, v4, vm0, $0xb8;
	[tilespmem:$0x18400] =	vst v63  }
0x28: {  	s8 =	simm.s32 $0x2400  }
0x29: {  	[tilespmem:s8], [sflag:$0x1] =	stream.indirect_vreg.gather [hbm4b:s3+s2], $0x80, v3, vm0, $0xb8;
	[tilespmem:$0x18400] =	vst v63  }
0x2a: {  	s24 =	simm.s32 $0x2C00  }
0x2b: {  	[tilespmem:s24], [sflag:$0x1] =	stream.indirect_vreg.gather [hbm4b:s4+s2], $0x80, v3, vm0, $0xb8;
	[tilespmem:$0x18400] =	vst v63  }
0x2c: {  	s1 =	simm.s32 $0x3400  }
0x2d: {  	[tilespmem:s1], [sflag:$0x1] =	stream.indirect_vreg.gather [hbm4b:s5+s2], $0x80, v3, vm0, $0xb8;
	[tilespmem:$0x18400] =	vst v63  }
0x2e: {  	s8 =	simm.s32 $0x3C00  }
0x2f: {  	[tilespmem:s8], [sflag:$0x1] =	stream.indirect_vreg.gather [hbm4b:s6+s2], $0x80, v3, vm0, $0xb8;
	[tilespmem:$0x18400] =	vst v63  }
0x30: {  	v3 =	vld [tilespmem:$0x10];
	_ =	sdelay $0x4  }
0x31: {  	v49 =	vshll.u32 v3, $0x3  }
0x32: {  	v3 =	vand.u32 $0x7, v3;
	v4 =	vand.u32 $0xFFFFFFC0, v49  }
0x33: {  	v3 =	vor.u32 v3, v4  }
0x34: {  	v4 =	vperm.xlane v3, v0;
	_ =	sdelay $0x1  }
0x35: {  	v4 =	vadd.s32 v1, v4;
	_ =	sdelay $0x3  }
0x36: {  	s24 =	simm.s32 $0x4400  }
0x37: {  	[tilespmem:s24], [sflag:$0x1] =	stream.indirect_vreg.gather [hbm4b:s3+s2], $0x80, v4, vm0, $0xb8;
	[tilespmem:$0x18400] =	vst v63  }
0x38: {  	s1 =	simm.s32 $0x4C00;
	v3 =	vperm.xlane v3, v2  }
0x39: {  	[tilespmem:s1], [sflag:$0x1] =	stream.indirect_vreg.gather [hbm4b:s4+s2], $0x80, v4, vm0, $0xb8;
	[tilespmem:$0x18400] =	vst v63  }
0x3a: {  	s8 =	simm.s32 $0x5400;
	v3 =	vadd.s32 v1, v3  }
0x3b: {  	[tilespmem:s8], [sflag:$0x1] =	stream.indirect_vreg.gather [hbm4b:s5+s2], $0x80, v4, vm0, $0xb8;
	[tilespmem:$0x18400] =	vst v63  }
0x3c: {  	s24 =	simm.s32 $0x5C00  }
0x3d: {  	[tilespmem:s24], [sflag:$0x1] =	stream.indirect_vreg.gather [hbm4b:s6+s2], $0x80, v4, vm0, $0xb8;
	[tilespmem:$0x18400] =	vst v63  }
0x3e: {  	s1 =	simm.s32 $0x6400  }
0x3f: {  	[tilespmem:s1], [sflag:$0x1] =	stream.indirect_vreg.gather [hbm4b:s3+s2], $0x80, v3, vm0, $0xb8;
	[tilespmem:$0x18400] =	vst v63  }
0x40: {  	s8 =	simm.s32 $0x6C00  }
0x41: {  	[tilespmem:s8], [sflag:$0x1] =	stream.indirect_vreg.gather [hbm4b:s4+s2], $0x80, v3, vm0, $0xb8;
	[tilespmem:$0x18400] =	vst v63  }
0x42: {  	s24 =	simm.s32 $0x7400  }
0x43: {  	[tilespmem:s24], [sflag:$0x1] =	stream.indirect_vreg.gather [hbm4b:s5+s2], $0x80, v3, vm0, $0xb8;
	[tilespmem:$0x18400] =	vst v63  }
0x44: {  	s1 =	simm.s32 $0x7C00  }
0x45: {  	[tilespmem:s1], [sflag:$0x1] =	stream.indirect_vreg.gather [hbm4b:s6+s2], $0x80, v3, vm0, $0xb8;
	[tilespmem:$0x18400] =	vst v63  }
0x46: {  	v3 =	vld [tilespmem:$0x80];
	_ =	sdelay $0x4  }
0x47: {  	v50 =	vshll.u32 v3, $0x3  }
0x48: {  	v3 =	vand.u32 $0x7, v3;
	v4 =	vand.u32 $0xFFFFFFC0, v50  }
0x49: {  	v3 =	vor.u32 v3, v4  }
0x4a: {  	v4 =	vperm.xlane v3, v0;
	_ =	sdelay $0x1  }
0x4b: {  	v4 =	vadd.s32 v1, v4;
	_ =	sdelay $0x3  }
0x4c: {  	s0 =	simm.s32 $0x8400  }
0x4d: {  	[tilespmem:s0], [sflag:$0x2] =	stream.indirect_vreg.gather [hbm4b:s3+s2], $0x80, v4, vm0, $0xb8;
	[tilespmem:$0x18400] =	vst v63  }
0x4e: {  	s1 =	simm.s32 $0x8C00;
	v3 =	vperm.xlane v3, v2  }
0x4f: {  	[tilespmem:s1], [sflag:$0x2] =	stream.indirect_vreg.gather [hbm4b:s4+s2], $0x80, v4, vm0, $0xb8;
	[tilespmem:$0x18400] =	vst v63  }
0x50: {  	s8 =	simm.s32 $0x9400;
	v3 =	vadd.s32 v1, v3  }
0x51: {  	[tilespmem:s8], [sflag:$0x2] =	stream.indirect_vreg.gather [hbm4b:s5+s2], $0x80, v4, vm0, $0xb8;
	[tilespmem:$0x18400] =	vst v63  }
0x52: {  	s24 =	simm.s32 $0x9C00  }
0x53: {  	[tilespmem:s24], [sflag:$0x2] =	stream.indirect_vreg.gather [hbm4b:s6+s2], $0x80, v4, vm0, $0xb8;
	[tilespmem:$0x18400] =	vst v63  }
0x54: {  	s8 =	simm.s32 $0xA400  }
0x55: {  	[tilespmem:s8], [sflag:$0x2] =	stream.indirect_vreg.gather [hbm4b:s3+s2], $0x80, v3, vm0, $0xb8;
	[tilespmem:$0x18400] =	vst v63  }
0x56: {  	s24 =	simm.s32 $0xAC00  }
0x57: {  	[tilespmem:s24], [sflag:$0x2] =	stream.indirect_vreg.gather [hbm4b:s4+s2], $0x80, v3, vm0, $0xb8;
	[tilespmem:$0x18400] =	vst v63  }
0x58: {  	s8 =	simm.s32 $0xB400  }
0x59: {  	[tilespmem:s8], [sflag:$0x2] =	stream.indirect_vreg.gather [hbm4b:s5+s2], $0x80, v3, vm0, $0xb8;
	[tilespmem:$0x18400] =	vst v63  }
0x5a: {  	s24 =	simm.s32 $0xBC00  }
0x5b: {  	[tilespmem:s24], [sflag:$0x2] =	stream.indirect_vreg.gather [hbm4b:s6+s2], $0x80, v3, vm0, $0xb8;
	[tilespmem:$0x18400] =	vst v63  }
0x5c: {  	v3 =	vld [tilespmem:$0x90];
	_ =	sdelay $0x4  }
0x5d: {  	v51 =	vshll.u32 v3, $0x3  }
0x5e: {  	v3 =	vand.u32 $0x7, v3;
	v4 =	vand.u32 $0xFFFFFFC0, v51  }
0x5f: {  	v3 =	vor.u32 v3, v4  }
0x60: {  	v4 =	vperm.xlane v3, v0;
	_ =	sdelay $0x1  }
0x61: {  	v4 =	vadd.s32 v1, v4;
	_ =	sdelay $0x3  }
0x62: {  	s8 =	simm.s32 $0xC400  }
0x63: {  	[tilespmem:s8], [sflag:$0x2] =	stream.indirect_vreg.gather [hbm4b:s3+s2], $0x80, v4, vm0, $0xb8;
	[tilespmem:$0x18400] =	vst v63  }
0x64: {  	s24 =	simm.s32 $0xCC00;
	v3 =	vperm.xlane v3, v2  }
0x65: {  	[tilespmem:s24], [sflag:$0x2] =	stream.indirect_vreg.gather [hbm4b:s4+s2], $0x80, v4, vm0, $0xb8;
	[tilespmem:$0x18400] =	vst v63  }
0x66: {  	v3 =	vadd.s32 v1, v3;
	s8 =	simm.s32 $0xD400  }
0x67: {  	[tilespmem:s8], [sflag:$0x2] =	stream.indirect_vreg.gather [hbm4b:s5+s2], $0x80, v4, vm0, $0xb8;
	[tilespmem:$0x18400] =	vst v63  }
0x68: {  	s24 =	simm.s32 $0xDC00  }
0x69: {  	[tilespmem:s24], [sflag:$0x2] =	stream.indirect_vreg.gather [hbm4b:s6+s2], $0x80, v4, vm0, $0xb8;
	[tilespmem:$0x18400] =	vst v63  }
0x6a: {  	s8 =	simm.s32 $0xE400  }
0x6b: {  	[tilespmem:s8], [sflag:$0x2] =	stream.indirect_vreg.gather [hbm4b:s3+s2], $0x80, v3, vm0, $0xb8;
	[tilespmem:$0x18400] =	vst v63  }
0x6c: {  	s24 =	simm.s32 $0xEC00  }
0x6d: {  	[tilespmem:s24], [sflag:$0x2] =	stream.indirect_vreg.gather [hbm4b:s4+s2], $0x80, v3, vm0, $0xb8;
	[tilespmem:$0x18400] =	vst v63  }
0x6e: {  	s8 =	simm.s32 $0xF400  }
0x6f: {  	[tilespmem:s8], [sflag:$0x2] =	stream.indirect_vreg.gather [hbm4b:s5+s2], $0x80, v3, vm0, $0xb8;
	[tilespmem:$0x18400] =	vst v63  }
0x70: {  	s24 =	simm.s32 $0xFC00  }
0x71: {  	[tilespmem:s24], [sflag:$0x2] =	stream.indirect_vreg.gather [hbm4b:s6+s2], $0x80, v3, vm0, $0xb8;
	[tilespmem:$0x18400] =	vst v63  }
0x72: {  	v3 =	vld [tilespmem:$0x100];
	_ =	sdelay $0x4  }
0x73: {  	v52 =	vshll.u32 v3, $0x3  }
0x74: {  	v3 =	vand.u32 $0x7, v3;
	v4 =	vand.u32 $0xFFFFFFC0, v52  }
0x75: {  	v3 =	vor.u32 v3, v4  }
0x76: {  	v4 =	vperm.xlane v3, v0;
	_ =	sdelay $0x1  }
0x77: {  	v4 =	vadd.s32 v1, v4;
	_ =	sdelay $0x3  }
0x78: {  	s1 =	simm.s32 $0x10400  }
0x79: {  	[tilespmem:s1], [sflag:$0x3] =	stream.indirect_vreg.gather [hbm4b:s3+s2], $0x80, v4, vm0, $0xb8;
	[tilespmem:$0x18400] =	vst v63  }
0x7a: {  	v3 =	vperm.xlane v3, v2  }
0x7b: {  	[tilespmem:s22], [sflag:$0x3] =	stream.indirect_vreg.gather [hbm4b:s4+s2], $0x80, v4, vm0, $0xb8;
	[tilespmem:$0x18400] =	vst v63  }
0x7c: {  	s8 =	simm.s32 $0x11400;
	v3 =	vadd.s32 v1, v3  }
0x7d: {  	[tilespmem:s8], [sflag:$0x3] =	stream.indirect_vreg.gather [hbm4b:s5+s2], $0x80, v4, vm0, $0xb8;
	[tilespmem:$0x18400] =	vst v63  }
0x7e: {  	_ = 	snop  }
0x7f: {  	[tilespmem:s9], [sflag:$0x3] =	stream.indirect_vreg.gather [hbm4b:s6+s2], $0x80, v4, vm0, $0xb8;
	[tilespmem:$0x18400] =	vst v63  }
0x80: {  	_ = 	snop  }
0x81: {  	[tilespmem:s10], [sflag:$0x3] =	stream.indirect_vreg.gather [hbm4b:s3+s2], $0x80, v3, vm0, $0xb8;
	[tilespmem:$0x18400] =	vst v63  }
0x82: {  	_ = 	snop  }
0x83: {  	[tilespmem:s11], [sflag:$0x3] =	stream.indirect_vreg.gather [hbm4b:s4+s2], $0x80, v3, vm0, $0xb8;
	[tilespmem:$0x18400] =	vst v63  }
0x84: {  	_ = 	snop  }
0x85: {  	[tilespmem:s12], [sflag:$0x3] =	stream.indirect_vreg.gather [hbm4b:s5+s2], $0x80, v3, vm0, $0xb8;
	[tilespmem:$0x18400] =	vst v63  }
0x86: {  	_ = 	snop  }
0x87: {  	[tilespmem:s13], [sflag:$0x3] =	stream.indirect_vreg.gather [hbm4b:s6+s2], $0x80, v3, vm0, $0xb8;
	[tilespmem:$0x18400] =	vst v63  }
0x88: {  	v3 =	vld [tilespmem:$0x110];
	_ =	sdelay $0x4  }
0x89: {  	v53 =	vshll.u32 v3, $0x3  }
0x8a: {  	v3 =	vand.u32 $0x7, v3;
	v4 =	vand.u32 $0xFFFFFFC0, v53  }
0x8b: {  	v3 =	vor.u32 v3, v4  }
0x8c: {  	v4 =	vperm.xlane v3, v0;
	_ =	sdelay $0x1  }
0x8d: {  	v4 =	vadd.s32 v1, v4;
	_ =	sdelay $0x4  }
0x8e: {  	[tilespmem:s14], [sflag:$0x3] =	stream.indirect_vreg.gather [hbm4b:s3+s2], $0x80, v4, vm0, $0xb8;
	[tilespmem:$0x18400] =	vst v63  }
0x8f: {  	v3 =	vperm.xlane v3, v2  }
0x90: {  	[tilespmem:s15], [sflag:$0x3] =	stream.indirect_vreg.gather [hbm4b:s4+s2], $0x80, v4, vm0, $0xb8;
	[tilespmem:$0x18400] =	vst v63  }
0x91: {  	v3 =	vadd.s32 v1, v3  }
0x92: {  	[tilespmem:s16], [sflag:$0x3] =	stream.indirect_vreg.gather [hbm4b:s5+s2], $0x80, v4, vm0, $0xb8;
	[tilespmem:$0x18400] =	vst v63  }
0x93: {  	_ = 	snop  }
0x94: {  	[tilespmem:s17], [sflag:$0x3] =	stream.indirect_vreg.gather [hbm4b:s6+s2], $0x80, v4, vm0, $0xb8;
	[tilespmem:$0x18400] =	vst v63  }
0x95: {  	_ = 	snop  }
0x96: {  	[tilespmem:s26], [sflag:$0x3] =	stream.indirect_vreg.gather [hbm4b:s3+s2], $0x80, v3, vm0, $0xb8;
	[tilespmem:$0x18400] =	vst v63  }
0x97: {  	_ = 	snop  }
0x98: {  	[tilespmem:s28], [sflag:$0x3] =	stream.indirect_vreg.gather [hbm4b:s4+s2], $0x80, v3, vm0, $0xb8;
	[tilespmem:$0x18400] =	vst v63  }
0x99: {  	_ = 	snop  }
0x9a: {  	[tilespmem:s29], [sflag:$0x3] =	stream.indirect_vreg.gather [hbm4b:s5+s2], $0x80, v3, vm0, $0xb8;
	[tilespmem:$0x18400] =	vst v63  }
0x9b: {  	_ = 	snop  }
0x9c: {  	[tilespmem:s30], [sflag:$0x3] =	stream.indirect_vreg.gather [hbm4b:s6+s2], $0x80, v3, vm0, $0xb8;
	[tilespmem:$0x18400] =	vst v63  }
0x9d: {  	_ =	swait.ge [sflag:s18], $0x8000  }
0x9e: {  	[sflag:s18] =	ssyncset.done $0x0  }
0x9f: {  	s24 =	rddreg [dreg:$0x3];
	[sflag:s18] =	ssyncadd.s32 $0xFFFF8000  }
0xa0: {  	[hbm4b:s24+s2] =	stream.linear.scatter [tilespmem:s25], [sflag:$0x4], $0x8000, $0x38;
	[tilespmem:$0x18400] =	vst v63  }
0xa1: {  	_ =	swait.ge [sflag:s19], $0x8000  }
0xa2: {  	[sflag:s19] =	ssyncset.done $0x0  }
0xa3: {  	[sflag:s19] =	ssyncadd.s32 $0xFFFF8000  }
0xa4: {  	v3 =	vld [tilespmem:$0x180];
	_ =	sdelay $0x4  }
0xa5: {  	v54 =	vshll.u32 v3, $0x3  }
0xa6: {  	v3 =	vand.u32 $0x7, v3;
	v4 =	vand.u32 $0xFFFFFFC0, v54  }
0xa7: {  	v3 =	vor.u32 v3, v4  }
0xa8: {  	v4 =	vperm.xlane v3, v0;
	_ =	sdelay $0x1  }
0xa9: {  	v4 =	vadd.s32 v1, v4;
	_ =	sdelay $0x4  }
0xaa: {  	[tilespmem:s25], [sflag:$0x1] =	stream.indirect_vreg.gather [hbm4b:s3+s2], $0x80, v4, vm0, $0xb8;
	[tilespmem:$0x18400] =	vst v63  }
0xab: {  	s24 =	simm.s32 $0xC00;
	v3 =	vperm.xlane v3, v2  }
0xac: {  	[tilespmem:s24], [sflag:$0x1] =	stream.indirect_vreg.gather [hbm4b:s4+s2], $0x80, v4, vm0, $0xb8;
	[tilespmem:$0x18400] =	vst v63  }
0xad: {  	v3 =	vadd.s32 v1, v3;
	s24 =	simm.s32 $0x1400  }
0xae: {  	[tilespmem:s24], [sflag:$0x1] =	stream.indirect_vreg.gather [hbm4b:s5+s2], $0x80, v4, vm0, $0xb8;
	[tilespmem:$0x18400] =	vst v63  }
0xaf: {  	s24 =	simm.s32 $0x1C00  }
0xb0: {  	[tilespmem:s24], [sflag:$0x1] =	stream.indirect_vreg.gather [hbm4b:s6+s2], $0x80, v4, vm0, $0xb8;
	[tilespmem:$0x18400] =	vst v63  }
0xb1: {  	s24 =	simm.s32 $0x2400  }
0xb2: {  	[tilespmem:s24], [sflag:$0x1] =	stream.indirect_vreg.gather [hbm4b:s3+s2], $0x80, v3, vm0, $0xb8;
	[tilespmem:$0x18400] =	vst v63  }
0xb3: {  	s24 =	simm.s32 $0x2C00  }
0xb4: {  	[tilespmem:s24], [sflag:$0x1] =	stream.indirect_vreg.gather [hbm4b:s4+s2], $0x80, v3, vm0, $0xb8;
	[tilespmem:$0x18400] =	vst v63  }
0xb5: {  	s24 =	simm.s32 $0x3400  }
0xb6: {  	[tilespmem:s24], [sflag:$0x1] =	stream.indirect_vreg.gather [hbm4b:s5+s2], $0x80, v3, vm0, $0xb8;
	[tilespmem:$0x18400] =	vst v63  }
0xb7: {  	s24 =	simm.s32 $0x3C00  }
0xb8: {  	[tilespmem:s24], [sflag:$0x1] =	stream.indirect_vreg.gather [hbm4b:s6+s2], $0x80, v3, vm0, $0xb8;
	[tilespmem:$0x18400] =	vst v63  }
0xb9: {  	v3 =	vld [tilespmem:$0x190];
	_ =	sdelay $0x4  }
0xba: {  	v55 =	vshll.u32 v3, $0x3  }
0xbb: {  	v3 =	vand.u32 $0x7, v3;
	v4 =	vand.u32 $0xFFFFFFC0, v55  }
0xbc: {  	v3 =	vor.u32 v3, v4  }
0xbd: {  	v4 =	vperm.xlane v3, v0;
	_ =	sdelay $0x1  }
0xbe: {  	v4 =	vadd.s32 v1, v4;
	_ =	sdelay $0x3  }
0xbf: {  	s24 =	simm.s32 $0x4400  }
0xc0: {  	[tilespmem:s24], [sflag:$0x1] =	stream.indirect_vreg.gather [hbm4b:s3+s2], $0x80, v4, vm0, $0xb8;
	[tilespmem:$0x18400] =	vst v63  }
0xc1: {  	v3 =	vperm.xlane v3, v2;
	s24 =	simm.s32 $0x4C00  }
0xc2: {  	[tilespmem:s24], [sflag:$0x1] =	stream.indirect_vreg.gather [hbm4b:s4+s2], $0x80, v4, vm0, $0xb8;
	[tilespmem:$0x18400] =	vst v63  }
0xc3: {  	v3 =	vadd.s32 v1, v3;
	s24 =	simm.s32 $0x5400  }
0xc4: {  	[tilespmem:s24], [sflag:$0x1] =	stream.indirect_vreg.gather [hbm4b:s5+s2], $0x80, v4, vm0, $0xb8;
	[tilespmem:$0x18400] =	vst v63  }
0xc5: {  	s24 =	simm.s32 $0x5C00  }
0xc6: {  	[tilespmem:s24], [sflag:$0x1] =	stream.indirect_vreg.gather [hbm4b:s6+s2], $0x80, v4, vm0, $0xb8;
	[tilespmem:$0x18400] =	vst v63  }
0xc7: {  	s24 =	simm.s32 $0x6400  }
0xc8: {  	[tilespmem:s24], [sflag:$0x1] =	stream.indirect_vreg.gather [hbm4b:s3+s2], $0x80, v3, vm0, $0xb8;
	[tilespmem:$0x18400] =	vst v63  }
0xc9: {  	s24 =	simm.s32 $0x6C00  }
0xca: {  	[tilespmem:s24], [sflag:$0x1] =	stream.indirect_vreg.gather [hbm4b:s4+s2], $0x80, v3, vm0, $0xb8;
	[tilespmem:$0x18400] =	vst v63  }
0xcb: {  	s24 =	simm.s32 $0x7400  }
0xcc: {  	[tilespmem:s24], [sflag:$0x1] =	stream.indirect_vreg.gather [hbm4b:s5+s2], $0x80, v3, vm0, $0xb8;
	[tilespmem:$0x18400] =	vst v63  }
0xcd: {  	s24 =	simm.s32 $0x7C00  }
0xce: {  	[tilespmem:s24], [sflag:$0x1] =	stream.indirect_vreg.gather [hbm4b:s6+s2], $0x80, v3, vm0, $0xb8;
	[tilespmem:$0x18400] =	vst v63  }
0xcf: {  	_ =	swait.ge [sflag:s20], $0x8000  }
0xd0: {  	[sflag:s20] =	ssyncset.done $0x0  }
0xd1: {  	s24 =	rddreg [dreg:$0x4];
	[sflag:s20] =	ssyncadd.s32 $0xFFFF8000  }
0xd2: {  	[hbm4b:s24+s2] =	stream.linear.scatter [tilespmem:s0], [sflag:$0x5], $0x8000, $0x38;
	[tilespmem:$0x18400] =	vst v63  }
0xd3: {  	_ =	swait.ge [sflag:s21], $0x8000  }
0xd4: {  	[sflag:s21] =	ssyncset.done $0x0  }
0xd5: {  	[sflag:s21] =	ssyncadd.s32 $0xFFFF8000  }
0xd6: {  	v3 =	vld [tilespmem:$0x200];
	_ =	sdelay $0x4  }
0xd7: {  	v56 =	vshll.u32 v3, $0x3  }
0xd8: {  	v3 =	vand.u32 $0x7, v3;
	v4 =	vand.u32 $0xFFFFFFC0, v56  }
0xd9: {  	v3 =	vor.u32 v3, v4  }
0xda: {  	v4 =	vperm.xlane v3, v0;
	_ =	sdelay $0x1  }
0xdb: {  	v4 =	vadd.s32 v1, v4;
	_ =	sdelay $0x4  }
0xdc: {  	[tilespmem:s0], [sflag:$0x2] =	stream.indirect_vreg.gather [hbm4b:s3+s2], $0x80, v4, vm0, $0xb8;
	[tilespmem:$0x18400] =	vst v63  }
0xdd: {  	s24 =	simm.s32 $0x8C00;
	v3 =	vperm.xlane v3, v2  }
0xde: {  	[tilespmem:s24], [sflag:$0x2] =	stream.indirect_vreg.gather [hbm4b:s4+s2], $0x80, v4, vm0, $0xb8;
	[tilespmem:$0x18400] =	vst v63  }
0xdf: {  	v3 =	vadd.s32 v1, v3;
	s24 =	simm.s32 $0x9400  }
0xe0: {  	[tilespmem:s24], [sflag:$0x2] =	stream.indirect_vreg.gather [hbm4b:s5+s2], $0x80, v4, vm0, $0xb8;
	[tilespmem:$0x18400] =	vst v63  }
0xe1: {  	s24 =	simm.s32 $0x9C00  }
0xe2: {  	[tilespmem:s24], [sflag:$0x2] =	stream.indirect_vreg.gather [hbm4b:s6+s2], $0x80, v4, vm0, $0xb8;
	[tilespmem:$0x18400] =	vst v63  }
0xe3: {  	s24 =	simm.s32 $0xA400  }
0xe4: {  	[tilespmem:s24], [sflag:$0x2] =	stream.indirect_vreg.gather [hbm4b:s3+s2], $0x80, v3, vm0, $0xb8;
	[tilespmem:$0x18400] =	vst v63  }
0xe5: {  	s24 =	simm.s32 $0xAC00  }
0xe6: {  	[tilespmem:s24], [sflag:$0x2] =	stream.indirect_vreg.gather [hbm4b:s4+s2], $0x80, v3, vm0, $0xb8;
	[tilespmem:$0x18400] =	vst v63  }
0xe7: {  	s24 =	simm.s32 $0xB400  }
0xe8: {  	[tilespmem:s24], [sflag:$0x2] =	stream.indirect_vreg.gather [hbm4b:s5+s2], $0x80, v3, vm0, $0xb8;
	[tilespmem:$0x18400] =	vst v63  }
0xe9: {  	s24 =	simm.s32 $0xBC00  }
0xea: {  	[tilespmem:s24], [sflag:$0x2] =	stream.indirect_vreg.gather [hbm4b:s6+s2], $0x80, v3, vm0, $0xb8;
	[tilespmem:$0x18400] =	vst v63  }
0xeb: {  	v3 =	vld [tilespmem:$0x210];
	_ =	sdelay $0x4  }
0xec: {  	v57 =	vshll.u32 v3, $0x3  }
0xed: {  	v3 =	vand.u32 $0x7, v3;
	v4 =	vand.u32 $0xFFFFFFC0, v57  }
0xee: {  	v3 =	vor.u32 v3, v4  }
0xef: {  	v4 =	vperm.xlane v3, v0;
	_ =	sdelay $0x1  }
0xf0: {  	v4 =	vadd.s32 v1, v4;
	_ =	sdelay $0x3  }
0xf1: {  	s24 =	simm.s32 $0xC400  }
0xf2: {  	[tilespmem:s24], [sflag:$0x2] =	stream.indirect_vreg.gather [hbm4b:s3+s2], $0x80, v4, vm0, $0xb8;
	[tilespmem:$0x18400] =	vst v63  }
0xf3: {  	v3 =	vperm.xlane v3, v2;
	s24 =	simm.s32 $0xCC00  }
0xf4: {  	[tilespmem:s24], [sflag:$0x2] =	stream.indirect_vreg.gather [hbm4b:s4+s2], $0x80, v4, vm0, $0xb8;
	[tilespmem:$0x18400] =	vst v63  }
0xf5: {  	v3 =	vadd.s32 v1, v3;
	s24 =	simm.s32 $0xD400  }
0xf6: {  	[tilespmem:s24], [sflag:$0x2] =	stream.indirect_vreg.gather [hbm4b:s5+s2], $0x80, v4, vm0, $0xb8;
	[tilespmem:$0x18400] =	vst v63  }
0xf7: {  	s24 =	simm.s32 $0xDC00  }
0xf8: {  	[tilespmem:s24], [sflag:$0x2] =	stream.indirect_vreg.gather [hbm4b:s6+s2], $0x80, v4, vm0, $0xb8;
	[tilespmem:$0x18400] =	vst v63  }
0xf9: {  	s24 =	simm.s32 $0xE400  }
0xfa: {  	[tilespmem:s24], [sflag:$0x2] =	stream.indirect_vreg.gather [hbm4b:s3+s2], $0x80, v3, vm0, $0xb8;
	[tilespmem:$0x18400] =	vst v63  }
0xfb: {  	s24 =	simm.s32 $0xEC00  }
0xfc: {  	[tilespmem:s24], [sflag:$0x2] =	stream.indirect_vreg.gather [hbm4b:s4+s2], $0x80, v3, vm0, $0xb8;
	[tilespmem:$0x18400] =	vst v63  }
0xfd: {  	s24 =	simm.s32 $0xF400  }
0xfe: {  	[tilespmem:s24], [sflag:$0x2] =	stream.indirect_vreg.gather [hbm4b:s5+s2], $0x80, v3, vm0, $0xb8;
	[tilespmem:$0x18400] =	vst v63  }
0xff: {  	s24 =	simm.s32 $0xFC00  }
0x100: {  	[tilespmem:s24], [sflag:$0x2] =	stream.indirect_vreg.gather [hbm4b:s6+s2], $0x80, v3, vm0, $0xb8;
	[tilespmem:$0x18400] =	vst v63  }
0x101: {  	_ =	swait.ge [sflag:s31], $0x8000  }
0x102: {  	[sflag:s31] =	ssyncset.done $0x0  }
0x103: {  	s24 =	rddreg [dreg:$0x5];
	[sflag:s31] =	ssyncadd.s32 $0xFFFF8000  }
0x104: {  	[hbm4b:s24+s2] =	stream.linear.scatter [tilespmem:s1], [sflag:$0x6], $0x8000, $0x38;
	[tilespmem:$0x18400] =	vst v63  }
0x105: {  	_ =	swait.ge [sflag:s23], $0x8000  }
0x106: {  	[sflag:s23] =	ssyncset.done $0x0  }
0x107: {  	[sflag:s23] =	ssyncadd.s32 $0xFFFF8000  }
0x108: {  	v3 =	vld [tilespmem:$0x280];
	_ =	sdelay $0x4  }
0x109: {  	v58 =	vshll.u32 v3, $0x3  }
0x10a: {  	v3 =	vand.u32 $0x7, v3;
	v4 =	vand.u32 $0xFFFFFFC0, v58  }
0x10b: {  	v3 =	vor.u32 v3, v4  }
0x10c: {  	v4 =	vperm.xlane v3, v0;
	_ =	sdelay $0x1  }
0x10d: {  	v4 =	vadd.s32 v1, v4;
	_ =	sdelay $0x4  }
0x10e: {  	[tilespmem:s1], [sflag:$0x3] =	stream.indirect_vreg.gather [hbm4b:s3+s2], $0x80, v4, vm0, $0xb8;
	[tilespmem:$0x18400] =	vst v63  }
0x10f: {  	v3 =	vperm.xlane v3, v2  }
0x110: {  	[tilespmem:s22], [sflag:$0x3] =	stream.indirect_vreg.gather [hbm4b:s4+s2], $0x80, v4, vm0, $0xb8;
	[tilespmem:$0x18400] =	vst v63  }
0x111: {  	v3 =	vadd.s32 v1, v3  }
0x112: {  	[tilespmem:s8], [sflag:$0x3] =	stream.indirect_vreg.gather [hbm4b:s5+s2], $0x80, v4, vm0, $0xb8;
	[tilespmem:$0x18400] =	vst v63  }
0x113: {  	_ = 	snop  }
0x114: {  	[tilespmem:s9], [sflag:$0x3] =	stream.indirect_vreg.gather [hbm4b:s6+s2], $0x80, v4, vm0, $0xb8;
	[tilespmem:$0x18400] =	vst v63  }
0x115: {  	_ = 	snop  }
0x116: {  	[tilespmem:s10], [sflag:$0x3] =	stream.indirect_vreg.gather [hbm4b:s3+s2], $0x80, v3, vm0, $0xb8;
	[tilespmem:$0x18400] =	vst v63  }
0x117: {  	_ = 	snop  }
0x118: {  	[tilespmem:s11], [sflag:$0x3] =	stream.indirect_vreg.gather [hbm4b:s4+s2], $0x80, v3, vm0, $0xb8;
	[tilespmem:$0x18400] =	vst v63  }
0x119: {  	_ = 	snop  }
0x11a: {  	[tilespmem:s12], [sflag:$0x3] =	stream.indirect_vreg.gather [hbm4b:s5+s2], $0x80, v3, vm0, $0xb8;
	[tilespmem:$0x18400] =	vst v63  }
0x11b: {  	_ = 	snop  }
0x11c: {  	[tilespmem:s13], [sflag:$0x3] =	stream.indirect_vreg.gather [hbm4b:s6+s2], $0x80, v3, vm0, $0xb8;
	[tilespmem:$0x18400] =	vst v63  }
0x11d: {  	v3 =	vld [tilespmem:$0x290];
	_ =	sdelay $0x4  }
0x11e: {  	v59 =	vshll.u32 v3, $0x3  }
0x11f: {  	v3 =	vand.u32 $0x7, v3;
	v4 =	vand.u32 $0xFFFFFFC0, v59  }
0x120: {  	v3 =	vor.u32 v3, v4  }
0x121: {  	v4 =	vperm.xlane v3, v0;
	_ =	sdelay $0x1  }
0x122: {  	v4 =	vadd.s32 v1, v4;
	_ =	sdelay $0x4  }
0x123: {  	[tilespmem:s14], [sflag:$0x3] =	stream.indirect_vreg.gather [hbm4b:s3+s2], $0x80, v4, vm0, $0xb8;
	[tilespmem:$0x18400] =	vst v63  }
0x124: {  	v3 =	vperm.xlane v3, v2  }
0x125: {  	[tilespmem:s15], [sflag:$0x3] =	stream.indirect_vreg.gather [hbm4b:s4+s2], $0x80, v4, vm0, $0xb8;
	[tilespmem:$0x18400] =	vst v63  }
0x126: {  	v3 =	vadd.s32 v1, v3  }
0x127: {  	[tilespmem:s16], [sflag:$0x3] =	stream.indirect_vreg.gather [hbm4b:s5+s2], $0x80, v4, vm0, $0xb8;
	[tilespmem:$0x18400] =	vst v63  }
0x128: {  	_ = 	snop  }
0x129: {  	[tilespmem:s17], [sflag:$0x3] =	stream.indirect_vreg.gather [hbm4b:s6+s2], $0x80, v4, vm0, $0xb8;
	[tilespmem:$0x18400] =	vst v63  }
0x12a: {  	_ = 	snop  }
0x12b: {  	[tilespmem:s26], [sflag:$0x3] =	stream.indirect_vreg.gather [hbm4b:s3+s2], $0x80, v3, vm0, $0xb8;
	[tilespmem:$0x18400] =	vst v63  }
0x12c: {  	_ = 	snop  }
0x12d: {  	[tilespmem:s28], [sflag:$0x3] =	stream.indirect_vreg.gather [hbm4b:s4+s2], $0x80, v3, vm0, $0xb8;
	[tilespmem:$0x18400] =	vst v63  }
0x12e: {  	_ = 	snop  }
0x12f: {  	[tilespmem:s29], [sflag:$0x3] =	stream.indirect_vreg.gather [hbm4b:s5+s2], $0x80, v3, vm0, $0xb8;
	[tilespmem:$0x18400] =	vst v63  }
0x130: {  	_ = 	snop  }
0x131: {  	[tilespmem:s30], [sflag:$0x3] =	stream.indirect_vreg.gather [hbm4b:s6+s2], $0x80, v3, vm0, $0xb8;
	[tilespmem:$0x18400] =	vst v63  }
0x132: {  	_ =	swait.ge [sflag:s18], $0x8000  }
0x133: {  	[sflag:s18] =	ssyncset.done $0x0  }
0x134: {  	s8 =	rddreg [dreg:$0x6];
	[sflag:s18] =	ssyncadd.s32 $0xFFFF8000  }
0x135: {  	[hbm4b:s8+s2] =	stream.linear.scatter [tilespmem:s25], [sflag:$0x4], $0x8000, $0x38;
	[tilespmem:$0x18400] =	vst v63  }
0x136: {  	_ =	swait.ge [sflag:s19], $0x8000  }
0x137: {  	[sflag:s19] =	ssyncset.done $0x0  }
0x138: {  	[sflag:s19] =	ssyncadd.s32 $0xFFFF8000  }
0x139: {  	v3 =	vld [tilespmem:$0x300];
	_ =	sdelay $0x4  }
0x13a: {  	v60 =	vshll.u32 v3, $0x3  }
0x13b: {  	v3 =	vand.u32 $0x7, v3;
	v4 =	vand.u32 $0xFFFFFFC0, v60  }
0x13c: {  	v3 =	vor.u32 v3, v4  }
0x13d: {  	v4 =	vperm.xlane v3, v0;
	_ =	sdelay $0x1  }
0x13e: {  	v4 =	vadd.s32 v1, v4;
	_ =	sdelay $0x4  }
0x13f: {  	[tilespmem:s25], [sflag:$0x1] =	stream.indirect_vreg.gather [hbm4b:s3+s2], $0x80, v4, vm0, $0xb8;
	[tilespmem:$0x18400] =	vst v63  }
0x140: {  	s24 =	simm.s32 $0xC00;
	v3 =	vperm.xlane v3, v2  }
0x141: {  	[tilespmem:s24], [sflag:$0x1] =	stream.indirect_vreg.gather [hbm4b:s4+s2], $0x80, v4, vm0, $0xb8;
	[tilespmem:$0x18400] =	vst v63  }
0x142: {  	v3 =	vadd.s32 v1, v3;
	s24 =	simm.s32 $0x1400  }
0x143: {  	[tilespmem:s24], [sflag:$0x1] =	stream.indirect_vreg.gather [hbm4b:s5+s2], $0x80, v4, vm0, $0xb8;
	[tilespmem:$0x18400] =	vst v63  }
0x144: {  	s24 =	simm.s32 $0x1C00  }
0x145: {  	[tilespmem:s24], [sflag:$0x1] =	stream.indirect_vreg.gather [hbm4b:s6+s2], $0x80, v4, vm0, $0xb8;
	[tilespmem:$0x18400] =	vst v63  }
0x146: {  	s24 =	simm.s32 $0x2400  }
0x147: {  	[tilespmem:s24], [sflag:$0x1] =	stream.indirect_vreg.gather [hbm4b:s3+s2], $0x80, v3, vm0, $0xb8;
	[tilespmem:$0x18400] =	vst v63  }
0x148: {  	s24 =	simm.s32 $0x2C00  }
0x149: {  	[tilespmem:s24], [sflag:$0x1] =	stream.indirect_vreg.gather [hbm4b:s4+s2], $0x80, v3, vm0, $0xb8;
	[tilespmem:$0x18400] =	vst v63  }
0x14a: {  	s24 =	simm.s32 $0x3400  }
0x14b: {  	[tilespmem:s24], [sflag:$0x1] =	stream.indirect_vreg.gather [hbm4b:s5+s2], $0x80, v3, vm0, $0xb8;
	[tilespmem:$0x18400] =	vst v63  }
0x14c: {  	s24 =	simm.s32 $0x3C00  }
0x14d: {  	[tilespmem:s24], [sflag:$0x1] =	stream.indirect_vreg.gather [hbm4b:s6+s2], $0x80, v3, vm0, $0xb8;
	[tilespmem:$0x18400] =	vst v63  }
0x14e: {  	v3 =	vld [tilespmem:$0x310];
	_ =	sdelay $0x4  }
0x14f: {  	v61 =	vshll.u32 v3, $0x3  }
0x150: {  	v3 =	vand.u32 $0x7, v3;
	v4 =	vand.u32 $0xFFFFFFC0, v61  }
0x151: {  	v3 =	vor.u32 v3, v4  }
0x152: {  	v4 =	vperm.xlane v3, v0;
	_ =	sdelay $0x1  }
0x153: {  	v4 =	vadd.s32 v1, v4;
	_ =	sdelay $0x3  }
0x154: {  	s24 =	simm.s32 $0x4400  }
0x155: {  	[tilespmem:s24], [sflag:$0x1] =	stream.indirect_vreg.gather [hbm4b:s3+s2], $0x80, v4, vm0, $0xb8;
	[tilespmem:$0x18400] =	vst v63  }
0x156: {  	v3 =	vperm.xlane v3, v2;
	s24 =	simm.s32 $0x4C00  }
0x157: {  	[tilespmem:s24], [sflag:$0x1] =	stream.indirect_vreg.gather [hbm4b:s4+s2], $0x80, v4, vm0, $0xb8;
	[tilespmem:$0x18400] =	vst v63  }
0x158: {  	v3 =	vadd.s32 v1, v3;
	s24 =	simm.s32 $0x5400  }
0x159: {  	[tilespmem:s24], [sflag:$0x1] =	stream.indirect_vreg.gather [hbm4b:s5+s2], $0x80, v4, vm0, $0xb8;
	[tilespmem:$0x18400] =	vst v63  }
0x15a: {  	s24 =	simm.s32 $0x5C00  }
0x15b: {  	[tilespmem:s24], [sflag:$0x1] =	stream.indirect_vreg.gather [hbm4b:s6+s2], $0x80, v4, vm0, $0xb8;
	[tilespmem:$0x18400] =	vst v63  }
0x15c: {  	s24 =	simm.s32 $0x6400  }
0x15d: {  	[tilespmem:s24], [sflag:$0x1] =	stream.indirect_vreg.gather [hbm4b:s3+s2], $0x80, v3, vm0, $0xb8;
	[tilespmem:$0x18400] =	vst v63  }
0x15e: {  	s24 =	simm.s32 $0x6C00  }
0x15f: {  	[tilespmem:s24], [sflag:$0x1] =	stream.indirect_vreg.gather [hbm4b:s4+s2], $0x80, v3, vm0, $0xb8;
	[tilespmem:$0x18400] =	vst v63  }
0x160: {  	s24 =	simm.s32 $0x7400  }
0x161: {  	[tilespmem:s24], [sflag:$0x1] =	stream.indirect_vreg.gather [hbm4b:s5+s2], $0x80, v3, vm0, $0xb8;
	[tilespmem:$0x18400] =	vst v63  }
0x162: {  	s24 =	simm.s32 $0x7C00  }
0x163: {  	[tilespmem:s24], [sflag:$0x1] =	stream.indirect_vreg.gather [hbm4b:s6+s2], $0x80, v3, vm0, $0xb8;
	[tilespmem:$0x18400] =	vst v63  }
0x164: {  	_ =	swait.ge [sflag:s20], $0x8000  }
0x165: {  	[sflag:s20] =	ssyncset.done $0x0  }
0x166: {  	s8 =	rddreg [dreg:$0x7];
	[sflag:s20] =	ssyncadd.s32 $0xFFFF8000  }
0x167: {  	[hbm4b:s8+s2] =	stream.linear.scatter [tilespmem:s0], [sflag:$0x5], $0x8000, $0x38;
	[tilespmem:$0x18400] =	vst v63  }
0x168: {  	_ =	swait.ge [sflag:s21], $0x8000  }
0x169: {  	[sflag:s21] =	ssyncset.done $0x0  }
0x16a: {  	[sflag:s21] =	ssyncadd.s32 $0xFFFF8000  }
0x16b: {  	v3 =	vld [tilespmem:$0x380];
	_ =	sdelay $0x4  }
0x16c: {  	v62 =	vshll.u32 v3, $0x3  }
0x16d: {  	v3 =	vand.u32 $0x7, v3;
	v4 =	vand.u32 $0xFFFFFFC0, v62  }
0x16e: {  	v3 =	vor.u32 v3, v4  }
0x16f: {  	v4 =	vperm.xlane v3, v0;
	_ =	sdelay $0x1  }
0x170: {  	v4 =	vadd.s32 v1, v4;
	_ =	sdelay $0x4  }
0x171: {  	[tilespmem:s0], [sflag:$0x2] =	stream.indirect_vreg.gather [hbm4b:s3+s2], $0x80, v4, vm0, $0xb8;
	[tilespmem:$0x18400] =	vst v63  }
0x172: {  	s24 =	simm.s32 $0x8C00;
	v3 =	vperm.xlane v3, v2  }
0x173: {  	[tilespmem:s24], [sflag:$0x2] =	stream.indirect_vreg.gather [hbm4b:s4+s2], $0x80, v4, vm0, $0xb8;
	[tilespmem:$0x18400] =	vst v63  }
0x174: {  	v3 =	vadd.s32 v1, v3;
	s24 =	simm.s32 $0x9400  }
0x175: {  	[tilespmem:s24], [sflag:$0x2] =	stream.indirect_vreg.gather [hbm4b:s5+s2], $0x80, v4, vm0, $0xb8;
	[tilespmem:$0x18400] =	vst v63  }
0x176: {  	s24 =	simm.s32 $0x9C00  }
0x177: {  	[tilespmem:s24], [sflag:$0x2] =	stream.indirect_vreg.gather [hbm4b:s6+s2], $0x80, v4, vm0, $0xb8;
	[tilespmem:$0x18400] =	vst v63  }
0x178: {  	s24 =	simm.s32 $0xA400  }
0x179: {  	[tilespmem:s24], [sflag:$0x2] =	stream.indirect_vreg.gather [hbm4b:s3+s2], $0x80, v3, vm0, $0xb8;
	[tilespmem:$0x18400] =	vst v63  }
0x17a: {  	s24 =	simm.s32 $0xAC00  }
0x17b: {  	[tilespmem:s24], [sflag:$0x2] =	stream.indirect_vreg.gather [hbm4b:s4+s2], $0x80, v3, vm0, $0xb8;
	[tilespmem:$0x18400] =	vst v63  }
0x17c: {  	s24 =	simm.s32 $0xB400  }
0x17d: {  	[tilespmem:s24], [sflag:$0x2] =	stream.indirect_vreg.gather [hbm4b:s5+s2], $0x80, v3, vm0, $0xb8;
	[tilespmem:$0x18400] =	vst v63  }
0x17e: {  	s24 =	simm.s32 $0xBC00  }
0x17f: {  	[tilespmem:s24], [sflag:$0x2] =	stream.indirect_vreg.gather [hbm4b:s6+s2], $0x80, v3, vm0, $0xb8;
	[tilespmem:$0x18400] =	vst v63  }
0x180: {  	v3 =	vld [tilespmem:$0x390];
	_ =	sdelay $0x4  }
0x181: {  	v63 =	vshll.u32 v3, $0x3  }
0x182: {  	v3 =	vand.u32 $0x7, v3;
	v4 =	vand.u32 $0xFFFFFFC0, v63  }
0x183: {  	v3 =	vor.u32 v3, v4  }
0x184: {  	v4 =	vperm.xlane v3, v0;
	_ =	sdelay $0x1  }
0x185: {  	v4 =	vadd.s32 v1, v4;
	_ =	sdelay $0x3  }
0x186: {  	s24 =	simm.s32 $0xC400  }
0x187: {  	[tilespmem:s24], [sflag:$0x2] =	stream.indirect_vreg.gather [hbm4b:s3+s2], $0x80, v4, vm0, $0xb8;
	[tilespmem:$0x18400] =	vst v63  }
0x188: {  	v3 =	vperm.xlane v3, v2;
	s24 =	simm.s32 $0xCC00  }
0x189: {  	[tilespmem:s24], [sflag:$0x2] =	stream.indirect_vreg.gather [hbm4b:s4+s2], $0x80, v4, vm0, $0xb8;
	[tilespmem:$0x18400] =	vst v63  }
0x18a: {  	v3 =	vadd.s32 v1, v3;
	s24 =	simm.s32 $0xD400  }
0x18b: {  	[tilespmem:s24], [sflag:$0x2] =	stream.indirect_vreg.gather [hbm4b:s5+s2], $0x80, v4, vm0, $0xb8;
	[tilespmem:$0x18400] =	vst v63  }
0x18c: {  	s24 =	simm.s32 $0xDC00  }
0x18d: {  	[tilespmem:s24], [sflag:$0x2] =	stream.indirect_vreg.gather [hbm4b:s6+s2], $0x80, v4, vm0, $0xb8;
	[tilespmem:$0x18400] =	vst v63  }
0x18e: {  	s24 =	simm.s32 $0xE400  }
0x18f: {  	[tilespmem:s24], [sflag:$0x2] =	stream.indirect_vreg.gather [hbm4b:s3+s2], $0x80, v3, vm0, $0xb8;
	[tilespmem:$0x18400] =	vst v63  }
0x190: {  	s24 =	simm.s32 $0xEC00  }
0x191: {  	[tilespmem:s24], [sflag:$0x2] =	stream.indirect_vreg.gather [hbm4b:s4+s2], $0x80, v3, vm0, $0xb8;
	[tilespmem:$0x18400] =	vst v63  }
0x192: {  	s24 =	simm.s32 $0xF400  }
0x193: {  	[tilespmem:s24], [sflag:$0x2] =	stream.indirect_vreg.gather [hbm4b:s5+s2], $0x80, v3, vm0, $0xb8;
	[tilespmem:$0x18400] =	vst v63  }
0x194: {  	s24 =	simm.s32 $0xFC00  }
0x195: {  	[tilespmem:s24], [sflag:$0x2] =	stream.indirect_vreg.gather [hbm4b:s6+s2], $0x80, v3, vm0, $0xb8;
	[tilespmem:$0x18400] =	vst v63  }
0x196: {  	_ =	swait.ge [sflag:s31], $0x8000  }
0x197: {  	[sflag:s31] =	ssyncset.done $0x0  }
0x198: {  	s8 =	rddreg [dreg:$0x8];
	[sflag:s31] =	ssyncadd.s32 $0xFFFF8000  }
0x199: {  	[hbm4b:s8+s2] =	stream.linear.scatter [tilespmem:s1], [sflag:$0x6], $0x8000, $0x38;
	[tilespmem:$0x18400] =	vst v63  }
0x19a: {  	_ =	swait.ge [sflag:s18], $0x8000  }
0x19b: {  	[sflag:s18] =	ssyncset.done $0x0  }
0x19c: {  	s1 =	rddreg [dreg:$0x9];
	[sflag:s18] =	ssyncadd.s32 $0xFFFF8000  }
0x19d: {  	[hbm4b:s1+s2] =	stream.linear.scatter [tilespmem:s25], [sflag:$0x4], $0x8000, $0x38;
	[tilespmem:$0x18400] =	vst v63  }
0x19e: {  	_ =	swait.ge [sflag:s20], $0x8000  }
0x19f: {  	[sflag:s20] =	ssyncset.done $0x0  }
0x1a0: {  	s8 =	rddreg [dreg:$0xa];
	[sflag:s20] =	ssyncadd.s32 $0xFFFF8000  }
0x1a1: {  	[hbm4b:s8+s2] =	stream.linear.scatter [tilespmem:s0], [sflag:$0x5], $0x8000, $0x38;
	[tilespmem:$0x18400] =	vst v63  }
0x1a2: {  	_ =	swait.ge [sflag:s19], $0x8000  }
0x1a3: {  	[sflag:s19] =	ssyncset.done $0x0  }
0x1a4: {  	[sflag:s19] =	ssyncadd.s32 $0xFFFF8000  }
0x1a5: {  	p0 =	sne.s32 s7, $0x1;
	_ =	swait.ge [sflag:s21], $0x8000  }
.Ltmp0:
0x1a6: {  	[sflag:s21] =	ssyncset.done $0x0;
	(pc) =	sbr.rel @p0 .LBB2_1-.Ltmp0, $4  }
0x1a7: {  	[sflag:s21] =	ssyncadd.s32 $0xFFFF8000  }
0x1a8: {  	_ =	swait.ge [sflag:s23], $0x8000  }
0x1a9: {  	[sflag:s23] =	ssyncset.done $0x0  }
0x1aa: {  	s7 =	sadd.s32 $0xFFFFFFFF, s7;
	[sflag:s23] =	ssyncadd.s32 $0xFFFF8000  }
0x1ab: {  	_ =	sfence.sel $0x180000  }
0x1ac: {  	[bflag:$0x0] =	sbarrier.arrive $0xFFFF  }
0x1ad: {  	_ =	strace $0x9000004D  }
0x1ae: {  	s0 =	stileid.u32;
	[bflag:$0x2] =	sbarrier.arrive $0xFFFF  }
0x1af: {  	p0 =	sne.s32 s0, $0x0;
	s0 =	rddreg [dreg:$0x1]  }
0x1b0: {  	s0 =	sadd.s32 @!p0 $0x100000, s0  }
0x1b1: {  	[sflag:s0] =	ssyncadd.tile.s32 @!p0 $0x1;
	_ =	shalt  }
.Lfunc_end2:
_tile_overlayer_lowered:
.L_overlay_start_2:
0x1b2: {  	(tag) =	ssettag $0x2  }
0x1b3: {  	s0 =	rddreg [dreg:$0x0];
	s2 =	stileid.u32  }
0x1b4: {  	s1 =	rddreg [dreg:$0x1];
	p0 =	sne.s32 s2, $0x0  }
0x1b5: {  	s3 =	rddreg [dreg:$0x2];
	[bflag:$0x3] =	sbarrier.arrive $0xFFFF;
	s2 =	simm.s32 @!p0 $0x1C07  }
0x1b6: {  	[timem:s3], [sflag:s2] =	dma.local @!p0 [hbm:s0], s1  }
0x1b7: {  	s0 =	simm.s32 @!p0 $0x7  }
0x1b8: {  	_ =	swait.ge @!p0 [sflag:s0], s1  }
0x1b9: {  	s1 =	ssub.s32 @!p0 $0x0, s1;
	[sflag:s0] =	ssyncset.done @!p0 $0x0  }
0x1ba: {  	[sflag:s0] =	ssyncadd.s32 @!p0 s1  }
0x1bb: {  	[bflag:$0x3] =	sbarrier.arrive $0xFFFF  }
0x1bc: {  	_ =	shalt  }

// kernel: kernel.9.cloned.1.call-start
scs
__scs_entry_jumppad:
0x0: {  	(pc) =	sbr.rel $0x88, $3  }
0x1: {  	(tag) =	ssettag $0x0;
	lr =	simm.s32 $0x1  }
0x2: {  	[smem:$0x3F9A] =	sst lr;
	_ =	strace $0xD0000000  }
0x3: {  	_ = 	snop  }
0x4: {  	_ = 	snop  }
0x5: {  	_ = 	snop  }
0x6: {  	_ = 	snop  }
0x7: {  	_ = 	snop  }
__scs_overlays_trampoline_lowered:
0x8: {  	[smem:$0x3FA9] =	sst s0  }
0x9: {  	[smem:$0x3FAA] =	sst s1  }
0xa: {  	[smem:$0x3FAB] =	sst s2  }
0xb: {  	[smem:$0x3FAC] =	sst s3  }
0xc: {  	[smem:$0x3FAD] =	sst s4  }
0xd: {  	[smem:$0x3FAE] =	sst s5  }
0xe: {  	[smem:$0x3FAF] =	sst s6  }
0xf: {  	[smem:$0x3FB0] =	sst s7  }
0x10: {  	[smem:$0x3FB1] =	sst s8  }
0x11: {  	[smem:$0x3FB2] =	sst s9;
	s0 =	simm.s32 @!p0 $0x0  }
0x12: {  	s1 =	sld [smem:$0x3F98];
	s0 =	simm.s32 @p0 $0x1  }
0x13: {  	[smem:$0x3FB3] =	sst s0;
	s0 =	simm.s32 @!p1 $0x0  }
0x14: {  	s2 =	sld [smem:$0x3F97];
	s0 =	simm.s32 @p1 $0x1  }
0x15: {  	[smem:$0x3FB4] =	sst s0;
	s0 =	simm.s32 @!p2 $0x0  }
0x16: {  	s3 =	sld [smem:$0x3FDB];
	s0 =	simm.s32 @p2 $0x1  }
0x17: {  	s4 =	simm.s32 $0x1BF5;
	[smem:$0x3FB6] =	sst s0  }
0x18: {  	s0 =	sld [smem:$0x3F99];
	_ =	swait.ge [sflag:s4], $0x0  }
0x19: {  	s7 =	sld [smem:$0x3F9A]  }
0x1a: {  	s8 =	sadd.s32 $0xFFFFE003, lr  }
0x1b: {  	s9 =	sadd.s32 $0xFFFFFEF7, lr;
	s5 =	simm.s32 $0xFFFFFFFF;
	p2 =	slt.u32 s8, $0xFFFFF086  }
0x1c: {  	p1 =	slt.u32 s9, $0xF7A;
	s5 =	simm.s32 @!p2 $0x0  }
0x1d: {  	s5 =	simm.s32 @p1 $0x1;
	p0 =	seq.s32 s7, s2  }
0x1e: {  	s7 =	smul.u32 @!p0 $0xF7A, s2;
	p2 =	seq.s32 @!p0 s5, $0x0  }
0x1f: {  	s9 =	smul.u32 $0xF7A, s1;
	s8 =	simm.s32 @!p0 $0x1BF5;
	p2 =	por !p2, p0  }
0x20: {  	[sflag:s8] =	ssyncset.s32 @!p0 $0xFFFFF086;
	s6 =	sadd.s32 @!p0 s3, s7;
	s7 =	simm.s32 @!p0 $0x108  }
0x21: {  	s3 =	sadd.s32 s3, s9;
	s6 =	sadd.s32 @!p0 $0x88, s6;
	s7 =	simm.s32 @p2 $0x1082  }
0x22: {  	[simem:s7], [sflag:s8] =	dma.local @!p0 [hbm:s6], $0xF7A  }
0x23: {  	s9 =	sor.u32 $0xD0000000, s2;
	s6 =	simm.s32 $0x108;
	_ =	swait.ge @!p0 [sflag:s8], $0x0  }
0x24: {  	s3 =	sadd.s32 $0x88, s3;
	s6 =	simm.s32 @!p1 $0x1082;
	[sflag:s4] =	ssyncset.s32 $0xFFFFF086  }
0x25: {  	[simem:s6], [sflag:s4] =	dma.local [hbm:s3], $0xF7A  }
0x26: {  	[smem:$0x3F9A] =	sst s1;
	(tag) =	ssettag s2;
	_ =	strace s9  }
0x27: {  	s1 =	sld [smem:$0x3FAA]  }
0x28: {  	s2 =	sld [smem:$0x3FAB]  }
0x29: {  	s4 =	sld [smem:$0x3FAD]  }
0x2a: {  	p0 =	seq.s32 s5, $0x0;
	s5 =	sld [smem:$0x3FAE]  }
0x2b: {  	s6 =	sld [smem:$0x3FAF]  }
0x2c: {  	s7 =	sld [smem:$0x3FB0]  }
0x2d: {  	s3 =	simm.s32 $0x108;
	s8 =	sld [smem:$0x3FB1]  }
0x2e: {  	s3 =	simm.s32 @!p0 $0x1082;
	s9 =	sld [smem:$0x3FB2]  }
0x2f: {  	lr =	sadd.s32 s0, s3;
	s0 =	sld [smem:$0x3FA9]  }
0x30: {  	s3 =	sld [smem:$0x3FAC]  }
0x31: {  	[smem:$0x3FB5] =	sst s10  }
0x32: {  	s10 =	sld [smem:$0x3FB3];
	_ =	sdelay $0x3  }
0x33: {  	p0 =	seq.s32 s10, $0x1;
	s10 =	sld [smem:$0x3FB5];
	_ =	sdelay $0x3  }
0x34: {  	[smem:$0x3FB5] =	sst s10  }
0x35: {  	s10 =	sld [smem:$0x3FB4];
	_ =	sdelay $0x3  }
0x36: {  	p1 =	seq.s32 s10, $0x1;
	s10 =	sld [smem:$0x3FB5];
	_ =	sdelay $0x3  }
0x37: {  	[smem:$0x3FB5] =	sst s10  }
0x38: {  	s10 =	sld [smem:$0x3FB6]  }
0x39: {  	_ = 	snop;
	(pc) =	sbr.ind lr, $3  }
0x3a: {  	_ = 	snop  }
0x3b: {  	_ = 	snop  }
0x3c: {  	p2 =	seq.s32 s10, $0x1;
	s10 =	sld [smem:$0x3FB5]  }
0x3d: {  	_ =	shalt  }
0x3e: {  	_ =	shalt  }
0x3f: {  	_ =	shalt  }
0x40: {  	_ =	shalt  }
0x41: {  	_ =	shalt  }
0x42: {  	_ =	shalt  }
0x43: {  	_ =	shalt  }
0x44: {  	_ =	shalt  }
0x45: {  	_ =	shalt  }
0x46: {  	_ =	shalt  }
0x47: {  	_ =	shalt  }
0x48: {  	_ =	shalt  }
0x49: {  	_ =	shalt  }
0x4a: {  	_ =	shalt  }
0x4b: {  	_ =	shalt  }
0x4c: {  	_ =	shalt  }
0x4d: {  	_ =	shalt  }
0x4e: {  	_ =	shalt  }
0x4f: {  	_ =	shalt  }
0x50: {  	_ =	shalt  }
0x51: {  	_ =	shalt  }
0x52: {  	_ =	shalt  }
0x53: {  	_ =	shalt  }
0x54: {  	_ =	shalt  }
0x55: {  	_ =	shalt  }
0x56: {  	_ =	shalt  }
0x57: {  	_ =	shalt  }
0x58: {  	_ =	shalt  }
0x59: {  	_ =	shalt  }
0x5a: {  	_ =	shalt  }
0x5b: {  	_ =	shalt  }
0x5c: {  	_ =	shalt  }
0x5d: {  	_ =	shalt  }
0x5e: {  	_ =	shalt  }
0x5f: {  	_ =	shalt  }
0x60: {  	_ =	shalt  }
0x61: {  	_ =	shalt  }
0x62: {  	_ =	shalt  }
0x63: {  	_ =	shalt  }
0x64: {  	_ =	shalt  }
0x65: {  	_ =	shalt  }
0x66: {  	_ =	shalt  }
0x67: {  	_ =	shalt  }
0x68: {  	_ =	shalt  }
0x69: {  	_ =	shalt  }
0x6a: {  	_ =	shalt  }
0x6b: {  	_ =	shalt  }
0x6c: {  	_ =	shalt  }
0x6d: {  	_ =	shalt  }
0x6e: {  	_ =	shalt  }
0x6f: {  	_ =	shalt  }
0x70: {  	_ =	shalt  }
0x71: {  	_ =	shalt  }
0x72: {  	_ =	shalt  }
0x73: {  	_ =	shalt  }
0x74: {  	_ =	shalt  }
0x75: {  	_ =	shalt  }
0x76: {  	_ =	shalt  }
0x77: {  	_ =	shalt  }
0x78: {  	_ =	shalt  }
0x79: {  	_ =	shalt  }
0x7a: {  	_ =	shalt  }
0x7b: {  	_ =	shalt  }
0x7c: {  	_ =	shalt  }
0x7d: {  	_ =	shalt  }
0x7e: {  	_ =	shalt  }
0x7f: {  	_ =	shalt  }
0x80: {  	_ =	shalt  }
0x81: {  	_ =	shalt  }
0x82: {  	_ =	shalt  }
0x83: {  	_ =	shalt  }
0x84: {  	_ =	shalt  }
0x85: {  	_ =	shalt  }
0x86: {  	_ =	shalt  }
0x87: {  	_ =	shalt  }
.Lfunc_end0:
.L_simem_size_0:
called_computation_lowered:
.L_overlay_start_0:
0x88: {  	s2 =	sld [smem:$0x3FD9]  }
0x89: {  	s3 =	sld [smem:$0x3FFE];
	_ =	sdelay $0x1  }
0x8a: {  	s1 =	srdreg.scid  }
0x8b: {  	s0 =	sand.u32 $0x1, s1  }
0x8c: {  	s16 =	sshll.u32 s0, $0xA;
	s2 =	sadd.s32 s3, s2  }
0x8d: {  	s2 =	sadd.s32 s2, s16  }
0x8e: {  	[smem:$0x3FC1] =	sst s2  }
0x8f: {  	_ = 	snop  }
0x90: {  	(tm) =	ssettm $0x1  }
0x91: {  	s17 =	sld [smem:$0x3FFB];
	_ =	sdelay $0x3  }
0x92: {  	_ =	strace s17  }
0x93: {  	s2 =	sld [smem:$0x3FFC];
	_ =	sdelay $0x3  }
0x94: {  	_ =	strace s2  }
0x95: {  	s2 =	sld [smem:$0x3FFD];
	_ =	sdelay $0x3  }
0x96: {  	_ =	strace s2  }
0x97: {  	_ =	strace $0x8FFFFFFF  }
0x98: {  	s18 =	sld [smem:$0x3FDB];
	_ =	sdelay $0x1  }
0x99: {  	s19 =	simm.s32 $_scs_section_size  }
0x9a: {  	s4 =	simm.s32 $_size__tile_overlayer_lowered;
	s5 =	simm.s32 $_tile_overlayer_lowered  }
0x9b: {  	s22 =	simm.s32 $0x1BFF;
	s21 =	sshll.u32 s5, $0x1;
	s2 =	sadd.s32 s19, s18  }
0x9c: {  	s6 =	simm.s32 $0x0;
	s20 =	sshll.u32 s4, $0x1;
	s4 =	sadd.s32 s21, s2  }
0x9d: {  	[timem:s6], [sflag:s22] =	dma.local [hbm:s4], s20  }
0x9e: {  	_ =	swait.ge [sflag:s22], s20  }
0x9f: {  	s3 =	ssub.s32 $0x0, s20;
	[sflag:s22] =	ssyncset.done $0x0  }
0xa0: {  	[sflag:s22] =	ssyncadd.s32 s3;
	_ =	sdelay $0x1  }
0xa1: {  	s23 =	simm.s32 $0x1B8B  }
0xa2: {  	_ =	swait.ge [sflag:s23], $0x1  }
0xa3: {  	[sflag:s23] =	ssyncset.done $0x0  }
0xa4: {  	s25 =	simm.s32 $0x1B8E;
	s24 =	sld [smem:$0x3FFE];
	[sflag:s23] =	ssyncadd.s32 $0xFFFFFFFF  }
0xa5: {  	s26 =	simm.s32 $execute0_lowered;
	[smem:$0x3FD2] =	sst s25  }
0xa6: {  	s4 =	sshll.u32 s26, $0x1;
	_ =	strace $0x80000046;
	[dreg:$0x1] =	wrdreg $0xFFFFFFFF  }
0xa7: {  	s28 =	simm.s32 $_size_execute0_lowered;
	s2 =	sadd.s32 s2, s4;
	[dreg:$0x0] =	wrdreg $0x0  }
0xa8: {  	s4 =	sshll.u32 s28, $0x1;
	[dreg:$0x2] =	wrdreg s2  }
0xa9: {  	[dreg:$0x3] =	wrdreg s4  }
0xaa: {  	[dreg:$0x4] =	wrdreg $0xC0  }
0xab: {  	_ =	task [dreg:s6], $0x5FFFF  }
0xac: {  	[dreg:$0x1] =	wrdreg $0xFFFFFFFF  }
0xad: {  	[dreg:$0x0] =	wrdreg $0x60  }
0xae: {  	[dreg:$0x2] =	wrdreg s24  }
0xaf: {  	[dreg:$0x3] =	wrdreg $0x9  }
0xb0: {  	_ =	task.clear_ibuf [dreg:s6], $0x4FFFF;
	_ =	strace $0x90000046  }
0xb1: {  	s29 =	simm.s32 $0x9;
	_ =	strace $0x80000048  }
0xb2: {  	_ =	swait.ge [sflag:s29], $0x1  }
0xb3: {  	[sflag:s29] =	ssyncadd.s32 $0xFFFFFFFF  }
0xb4: {  	_ =	strace $0x90000048  }
0xb5: {  	_ =	sfence  }
0xb6: {  	s30 =	sld [smem:$0x0];
	_ =	sdelay $0x2  }
0xb7: {  	s31 =	sshll.u32 s1, $0xD;
	s1 =	sshrl.u32 s1, $0x2  }
0xb8: {  	s3 =	sand.u32 $0x4000, s31;
	s1 =	sadd.s32 s1, s30  }
0xb9: {  	s0 =	sor.u32 s3, s0;
	s1 =	sshll.u32 s1, $0x11  }
0xba: {  	s0 =	sor.u32 s1, s0  }
0xbb: {  	s0 =	sadd.s32 $0x8F2B, s0  }
0xbc: {  	[sflag:s0] =	ssyncadd.remote.s32 $0x1  }
0xbd: {  	_ =	sfence.sel $0xFFFF  }
0xbe: {  	[dreg:$0x0] =	wrdreg $0xFFFFFFFF;
	(pc) =	sbr.abs _section_cstart, $3  }
0xbf: {  	[dreg:$0x1] =	wrdreg $0xFFFFFFFF  }
0xc0: {  	_ =	task.clear_ibuf [dreg:s6], $0x2FFFF;
	_ =	strace $0x9FFFFFFF  }
0xc1: {  	(tm) =	ssettm $0x7FFFFFFF  }
tec
execute0_lowered:
.L_overlay_start_1:
0x0: {  	(tag) =	ssettag $0x1  }
0x1: {  	s0 =	srdreg.scid  }
0x2: {  	s3 =	sand.u32 $0x1, s0;
	s0 =	stileid.u32  }
0x3: {  	s4 =	sshll.u32 s0, $0x1;
	s5 =	ssub.s32 $0x0, s3  }
0x4: {  	p0 =	sne.s32 s4, s5  }
.Ltmp0:
0x5: {  	_ = 	snop;
	(pc) =	sbr.rel @p0 .LBB2_7-.Ltmp0, $3  }
0x6: {  	_ =	sdelay $0x1  }
0x7: {  	s2 =	rddreg [dreg:$0x0]  }
0x8: {  	s1 =	rddreg [dreg:$0x1];
	_ =	strace $0x80000047  }
0x9: {  	s5 =	ssub.s32 $0x2, s3;
	s3 =	sadd.s32 $0x400, s2  }
0xa: {  	s4 =	sadd.s32 $0x800, s2;
	s7 =	simm.s32 $0x1;
	s6 =	sshrl.u32 s5, $0x1  }
0xb: {  	s8 =	simm.s32 $0x2000;
	s9 =	simm.s32 $0x4000;
	s5 =	ssub.s32 s5, s6  }
0xc: {  	v0 =	vlaneseq.u32;
	s10 =	simm.s32 $0x0;
	s6 =	simm.s32 $0x0;
	s5 =	smax.u32 s5, $0x1  }
.LBB2_2:
0xd: {  	[tilespmem:s6], [sflag:$0x1] =	stream.linear.gather [hbm4b:s3+s6], $0x2000, $0x38;
	[tilespmem:$0x6800] =	vst v63  }
0xe: {  	_ =	swait.ge [sflag:s7], $0x2000  }
0xf: {  	[sflag:s7] =	ssyncset.done $0x0  }
0x10: {  	[sflag:s7] =	ssyncadd.s32 $0xFFFFE000  }
0x11: {  	[tilespmem:s8], [sflag:$0x1] =	stream.linear.gather [hbm4b:s2+s6], $0x2000, $0x38;
	[tilespmem:$0x6800] =	vst v63  }
0x12: {  	_ =	swait.ge [sflag:s7], $0x2000  }
0x13: {  	[sflag:s7] =	ssyncset.done $0x0  }
0x14: {  	s11 =	simm.s32 $0x4000;
	s12 =	simm.s32 $0x0;
	[sflag:s7] =	ssyncadd.s32 $0xFFFFE000  }
.LBB2_3:
0x15: {  	p0 =	sne.s32 s12, $0x27F0  }
.Ltmp1:
0x16: {  	_ = 	snop;
	(pc) =	sbr.rel @p0 .LBB2_3-.Ltmp1, $4  }
0x17: {  	_ = 	snop  }
0x18: {  	v1 =	vor.u32 s12, v0  }
0x19: {  	v1 =	vand.u32 $0xFFF, v1  }
0x1a: {  	s12 =	sadd.s32 $0x10, s12;
	[tilespmem:s11+$0x0] =	vst v1;
	s11 =	sadd.s32 $0x10, s11  }
0x1b: {  	s12 =	simm.s32 $0x0;
	s11 =	simm.s32 $0x40  }
.LBB2_5:
0x1c: {  	p0 =	sne.s32 s11, $0x7FC0;
	v1 =	vld [tilespmem:s12+$0x0];
	_ =	sdelay $0x2  }
0x1d: {  	v2 =	vld [tilespmem:s12+$0x2000]  }
.Ltmp2:
0x1e: {  	(pc) =	sbr.rel @p0 .LBB2_5-.Ltmp2, $2  }
0x1f: {  	_ =	sdelay $0x2  }
0x20: {  	s12 =	sshra.s32 s11, $0x2;
	s11 =	sadd.s32 $0x40, s11;
	[tilespmem:v1+s9+$0x0] =	vst.idx.msk $0xffff, v2  }
0x21: {  	v1 =	vld [tilespmem:s12+$0x0];
	_ =	sdelay $0x2  }
0x22: {  	v2 =	vld [tilespmem:s12+$0x2000];
	_ =	sdelay $0x2  }
0x23: {  	s10 =	sadd.s32 $0x1, s10  }
0x24: {  	p0 =	sne.s32 s10, s5  }
.Ltmp3:
0x25: {  	[tilespmem:v1+s9+$0x0] =	vst.idx.msk $0xffff, v2;
	(pc) =	sbr.rel @p0 .LBB2_2-.Ltmp3, $4  }
0x26: {  	[hbm4b:s4+s6] =	stream.linear.scatter [tilespmem:s9], [sflag:$0x1], $0x2800, $0x38;
	[tilespmem:$0x6800] =	vst v63  }
0x27: {  	_ =	swait.ge [sflag:s7], $0x2800  }
0x28: {  	[sflag:s7] =	ssyncset.done $0x0  }
0x29: {  	[sflag:s7] =	ssyncadd.s32 $0xFFFFD800  }
.LBB2_7:
0x2a: {  	_ =	sfence.sel $0x180000  }
0x2b: {  	[bflag:$0x0] =	sbarrier.arrive $0xFFFF  }
0x2c: {  	p0 =	sne.s32 s0, $0x0;
	_ =	strace $0x90000047  }
0x2d: {  	s0 =	sadd.s32 @!p0 $0x100000, s1;
	[bflag:$0x2] =	sbarrier.arrive $0xFFFF  }
0x2e: {  	[sflag:s0] =	ssyncadd.tile.s32 @!p0 $0x1;
	_ =	shalt  }
.Lfunc_end2:
_tile_overlayer_lowered:
.L_overlay_start_2:
0x2f: {  	(tag) =	ssettag $0x2  }
0x30: {  	s0 =	rddreg [dreg:$0x0];
	s2 =	stileid.u32  }
0x31: {  	s1 =	rddreg [dreg:$0x1];
	p0 =	sne.s32 s2, $0x0  }
0x32: {  	s3 =	rddreg [dreg:$0x2];
	[bflag:$0x3] =	sbarrier.arrive $0xFFFF;
	s2 =	simm.s32 @!p0 $0x1C01  }
0x33: {  	[timem:s3], [sflag:s2] =	dma.local @!p0 [hbm:s0], s1  }
0x34: {  	s0 =	simm.s32 @!p0 $0x1  }
0x35: {  	_ =	swait.ge @!p0 [sflag:s0], s1  }
0x36: {  	s1 =	ssub.s32 @!p0 $0x0, s1;
	[sflag:s0] =	ssyncset.done @!p0 $0x0  }
0x37: {  	[sflag:s0] =	ssyncadd.s32 @!p0 s1  }
0x38: {  	[bflag:$0x3] =	sbarrier.arrive $0xFFFF  }
0x39: {  	_ =	shalt  }

</sc_bundles>
